<compile_context>
chip_gen: v7x
topology: tpu7x:2x2x1
jax: 0.10.2.dev20260603
libtpu: 0.0.44.dev20260713+nightly
codegen_flags: <defaults>
</compile_context>

<pallas_src>
import jax
import jax.numpy as jnp
from jax import lax
from jax.experimental import pallas as pl
from jax.experimental.pallas import tpu as pltpu
from jax.experimental.pallas import tpu_sc as plsc

B, T, V, D = 1024, 802, 133, 32
TP = 832
NC, NS = 2, 16
NW = NC * NS
TW = TP // NW
ROW = 4 * 8 * 8 * 128


def _sc_lookup(wflat, idxt, pe2):
    mesh = plsc.VectorSubcoreMesh(core_axis_name="c", subcore_axis_name="s")

    @pl.kernel(
        out_type=jax.ShapeDtypeStruct((T, ROW), jnp.float32),
        mesh=mesh,
        compiler_params=pltpu.CompilerParams(
            use_tc_tiling_on_sc=False, needs_layout_passes=False
        ),
        scratch_types=[
            pltpu.VMEM((V * D * 16,), jnp.float32),
            pltpu.VMEM((V * D,), jnp.float32),
            pltpu.VMEM((2, B), jnp.int32),
            pltpu.VMEM((ROW,), jnp.float32),
            pltpu.VMEM((2, D), jnp.float32),
            pltpu.SemaphoreType.DMA,
            pltpu.SemaphoreType.DMA,
            pltpu.SemaphoreType.DMA,
            pltpu.SemaphoreType.DMA,
        ],
    )
    def k(w_hbm, idxt_hbm, pe_hbm, out_hbm, rep_v, w_v, xcol_v, outv, pe_row,
          osem0, osem1, xsem, psem):
        wid = lax.axis_index("s") * NC + lax.axis_index("c")
        lane = lax.iota(jnp.int32, 16)
        pltpu.sync_copy(w_hbm, w_v)

        @plsc.parallel_loop(0, V * D // 16, unroll=2)
        def _(i):
            wv = w_v[pl.ds(i * 16, 16)]
            for j in range(16):
                rep_v[pl.ds((i * 16 + j) * 16, 16)] = jnp.broadcast_to(wv[j], (16,))

        HALF = ROW // 2
        osems = (osem0, osem1)

        def _wait_out(h):
            pltpu.make_async_copy(
                outv.at[pl.ds(0, HALF)], out_hbm.at[0, pl.ds(0, HALF)], osems[h]
            ).wait()

        def _fetch_in(t, slot):
            pltpu.async_copy(idxt_hbm.at[t], xcol_v.at[slot], xsem)
            pltpu.async_copy(pe_hbm.at[t], pe_row.at[slot], psem)

        def _wait_in(slot):
            pltpu.make_async_copy(pe_hbm.at[0], pe_row.at[slot], psem).wait()
            pltpu.make_async_copy(idxt_hbm.at[0], xcol_v.at[slot], xsem).wait()

        t0 = wid * TW

        @pl.when(t0 < T)
        def _():
            _fetch_in(t0, 0)

        @pl.loop(0, TW)
        def _(kk):
            t = t0 + kk

            @pl.when(t < T)
            def _():
                cur = kk % 2

                @pl.when((kk + 1 < TW) & (t + 1 < T))
                def _():
                    _fetch_in(t + 1, 1 - cur)

                _wait_in(cur)
                pe_lo = pe_row[cur, pl.ds(0, 16)]
                pe_hi = pe_row[cur, pl.ds(16, 16)]
                pes = [pe_lo[d] for d in range(16)] + [pe_hi[d] for d in range(16)]

                for h in range(2):
                    @pl.when(kk > 0)
                    def _():
                        _wait_out(h)

                    @plsc.parallel_loop(0, 64, unroll=4)
                    def _(c):
                        xv16 = (xcol_v[cur, pl.ds(c * 16, 16)] << 4) + lane
                        coff = (c // 8) * 1024 + (c % 8) * 16
                        for d in range(h * 16, h * 16 + 16):
                            g = plsc.load_gather(
                                rep_v.at[pl.ds(d * V * 16, V * 16)], [xv16]
                            )
                            off = ((d % 16) // 8) * 8192 + (d % 8) * 128
                            outv[pl.ds(h * HALF + coff + off, 16)] = g + pes[d]

                    pltpu.async_copy(
                        outv.at[pl.ds(h * HALF, HALF)],
                        out_hbm.at[t, pl.ds(h * HALF, HALF)],
                        osems[h],
                    )

        @pl.when(wid * TW < T)
        def _():
            _wait_out(0)
            _wait_out(1)

    return k(wflat, idxt, pe2)


def kernel(x, embed_weight, pe):
    x32 = x.astype(jnp.int32)
    idxt = jnp.transpose(x32)
    wflat = embed_weight.T.reshape(D * V)
    pe2 = pe.reshape(T, D)
    res = _sc_lookup(wflat, idxt, pe2)
    out4 = res.reshape(T, 4, 8, 8, 128)
    return out4.transpose(2, 4, 0, 1, 3).reshape(B, T, D)

# --- scband reference (transcript-rebuilt; emitter-appended) ---
"""Pipeline reference for scband-position-embedding-40097814675670 (READ-ONLY COPY).

The authoritative reference and input builder live on the scoring server;
editing this copy changes nothing except your own understanding.
"""

import jax, jax.numpy as jnp
import numpy as np

def _make_pe():
    pos = np.arange(802, dtype=np.float64)[:, None]
    i = np.arange(32, dtype=np.float64)[None, :]
    fenmu = 10000.0 ** (i / 32.0)
    angle = pos / fenmu
    pe = np.where((np.arange(32) % 2 == 0)[None, :], np.sin(angle), np.cos(angle))
    return jnp.asarray(pe[None, :, :], dtype=jnp.float32)

def setup_inputs(seed: int = 0) -> dict:
    key = jax.random.key(seed)
    k1, k2 = jax.random.split(key)
    x = jax.random.randint(k1, (1024, 802), 0, 133, dtype=jnp.int64)
    embed_weight = jax.random.normal(k2, (133, 32), dtype=jnp.float32) * 0.1
    pe = _make_pe()
    return {"x": x, "embed_weight": embed_weight, "pe": pe}

def reference(x, embed_weight, pe):
    embed = jnp.take(embed_weight, x, axis=0)  # [B, 802, 32]
    embed = embed + pe  # broadcast [1, 802, 32]
    return embed

if __name__ == "__main__":
    import jax
    _d = setup_inputs()
    print(jax.jit(kernel)(*tuple(_d.values())))

</pallas_src>

<mosaic_0001>
#map = affine_map<(d0, d1) -> (0)>
#map1 = affine_map<(d0, d1) -> (0, 0)>
module attributes {stable_mosaic.version = 14 : i64} {
  func.func @k(%arg0: i32, %arg1: i32, %arg2: memref<4256xf32, #tpu.memory_space<hbm>>, %arg3: memref<802x1024xi32, #tpu.memory_space<hbm>>, %arg4: memref<802x32xf32, #tpu.memory_space<hbm>>, %arg5: memref<802x32768xf32, #tpu.memory_space<hbm>>, %arg6: memref<68096xf32, #tpu.memory_space<vmem>>, %arg7: memref<4256xf32, #tpu.memory_space<vmem>>, %arg8: memref<2x1024xi32, #tpu.memory_space<vmem>>, %arg9: memref<32768xf32, #tpu.memory_space<vmem>>, %arg10: memref<2x32xf32, #tpu.memory_space<vmem>>, %arg11: memref<!tpu.dma_semaphore, #tpu.memory_space<semaphore_mem>>, %arg12: memref<!tpu.dma_semaphore, #tpu.memory_space<semaphore_mem>>, %arg13: memref<!tpu.dma_semaphore, #tpu.memory_space<semaphore_mem>>, %arg14: memref<!tpu.dma_semaphore, #tpu.memory_space<semaphore_mem>>) attributes {dimension_semantics = [#tpu.dimension_semantics<core_parallel>, #tpu.dimension_semantics<subcore_parallel>], iteration_bounds = array<i64: 2, 16>, scalar_prefetch = 0 : i64, scratch_operands = 9 : i64, tpu.core_type = #tpu.core_type<sc_vector_subcore>, window_params = [{transform_indices = #map}, {transform_indices = #map1}, {transform_indices = #map1}, {transform_indices = #map1}]} {
    %mul3A = arith.constant 2 : i32
    %mul3A_0 = arith.muli %arg1, %mul3A : i32
    %add3A = arith.addi %mul3A_0, %arg0 : i32
    %iota3A = tpu.iota {dimensions = array<i32: 0>} : vector<16xi32>
    "tpu.region"() ({
      %run_scoped3A = tpu.sem_alloc : memref<!tpu.dma_semaphore, #tpu.memory_space<semaphore_mem>>
      tpu.enqueue_dma source(%arg2 : memref<4256xf32, #tpu.memory_space<hbm>>) target(%arg7 : memref<4256xf32, #tpu.memory_space<vmem>>) target_semaphore(%run_scoped3A : memref<!tpu.dma_semaphore, #tpu.memory_space<semaphore_mem>>)
      tpu.wait_dma2 semaphore(%run_scoped3A : memref<!tpu.dma_semaphore, #tpu.memory_space<semaphore_mem>>) src(%arg2 : memref<4256xf32, #tpu.memory_space<hbm>>) dst(%arg7 : memref<4256xf32, #tpu.memory_space<vmem>>)
      tpu.yield
    }) : () -> ()
    %parallel_loop3A = arith.constant 0 : i32
    %parallel_loop3A_1 = arith.constant 266 : i32
    %parallel_loop3A_2 = arith.constant 1 : i32
    scf.for %parallel_loop3A_18 = %parallel_loop3A to %parallel_loop3A_1 step %parallel_loop3A_2  : i32 {
      %parallel_loop3A_19 = arith.constant 16 : i32
      %parallel_loop3A_20 = arith.muli %parallel_loop3A_18, %parallel_loop3A_19 : i32
      %parallel_loop3A_21 = arith.index_cast %parallel_loop3A_20 : i32 to index
      %parallel_loop3A_22 = tpu.vector_load %arg7[%parallel_loop3A_21] {strides = array<i32>} : memref<4256xf32, #tpu.memory_space<vmem>>, vector<16xf32>,
      %parallel_loop3A_23 = vector.extract_strided_slice %parallel_loop3A_22 {offsets = [0], sizes = [1], strides = [1]} : vector<16xf32> to vector<1xf32>
      %parallel_loop3A_24 = vector.extract %parallel_loop3A_23[0] : f32 from vector<1xf32>
      %parallel_loop3A_25 = vector.broadcast %parallel_loop3A_24 : f32 to vector<16xf32>
      %parallel_loop3A_26 = arith.constant 16 : i32
      %parallel_loop3A_27 = arith.muli %parallel_loop3A_18, %parallel_loop3A_26 : i32
      %parallel_loop3A_28 = arith.constant 0 : i32
      %parallel_loop3A_29 = arith.addi %parallel_loop3A_27, %parallel_loop3A_28 : i32
      %parallel_loop3A_30 = arith.constant 16 : i32
      %parallel_loop3A_31 = arith.muli %parallel_loop3A_29, %parallel_loop3A_30 : i32
      %parallel_loop3A_32 = arith.index_cast %parallel_loop3A_31 : i32 to index
      %parallel_loop3A_33 = tpu.vector_load %arg6[%parallel_loop3A_32] {strides = array<i32>} : memref<68096xf32, #tpu.memory_space<vmem>>, vector<16xf32>,
      tpu.vector_store %arg6[%parallel_loop3A_32], %parallel_loop3A_25 {strides = array<i32>} : memref<68096xf32, #tpu.memory_space<vmem>>, vector<16xf32>,
      %parallel_loop3A_34 = vector.extract_strided_slice %parallel_loop3A_22 {offsets = [1], sizes = [1], strides = [1]} : vector<16xf32> to vector<1xf32>
      %parallel_loop3A_35 = vector.extract %parallel_loop3A_34[0] : f32 from vector<1xf32>
      %parallel_loop3A_36 = vector.broadcast %parallel_loop3A_35 : f32 to vector<16xf32>
      %parallel_loop3A_37 = arith.constant 16 : i32
      %parallel_loop3A_38 = arith.muli %parallel_loop3A_18, %parallel_loop3A_37 : i32
      %parallel_loop3A_39 = arith.constant 1 : i32
      %parallel_loop3A_40 = arith.addi %parallel_loop3A_38, %parallel_loop3A_39 : i32
      %parallel_loop3A_41 = arith.constant 16 : i32
      %parallel_loop3A_42 = arith.muli %parallel_loop3A_40, %parallel_loop3A_41 : i32
      %parallel_loop3A_43 = arith.index_cast %parallel_loop3A_42 : i32 to index
      %parallel_loop3A_44 = tpu.vector_load %arg6[%parallel_loop3A_43] {strides = array<i32>} : memref<68096xf32, #tpu.memory_space<vmem>>, vector<16xf32>,
      tpu.vector_store %arg6[%parallel_loop3A_43], %parallel_loop3A_36 {strides = array<i32>} : memref<68096xf32, #tpu.memory_space<vmem>>, vector<16xf32>,
      %parallel_loop3A_45 = vector.extract_strided_slice %parallel_loop3A_22 {offsets = [2], sizes = [1], strides = [1]} : vector<16xf32> to vector<1xf32>
      %parallel_loop3A_46 = vector.extract %parallel_loop3A_45[0] : f32 from vector<1xf32>
      %parallel_loop3A_47 = vector.broadcast %parallel_loop3A_46 : f32 to vector<16xf32>
      %parallel_loop3A_48 = arith.constant 16 : i32
      %parallel_loop3A_49 = arith.muli %parallel_loop3A_18, %parallel_loop3A_48 : i32
      %parallel_loop3A_50 = arith.constant 2 : i32
      %parallel_loop3A_51 = arith.addi %parallel_loop3A_49, %parallel_loop3A_50 : i32
      %parallel_loop3A_52 = arith.constant 16 : i32
      %parallel_loop3A_53 = arith.muli %parallel_loop3A_51, %parallel_loop3A_52 : i32
      %parallel_loop3A_54 = arith.index_cast %parallel_loop3A_53 : i32 to index
      %parallel_loop3A_55 = tpu.vector_load %arg6[%parallel_loop3A_54] {strides = array<i32>} : memref<68096xf32, #tpu.memory_space<vmem>>, vector<16xf32>,
      tpu.vector_store %arg6[%parallel_loop3A_54], %parallel_loop3A_47 {strides = array<i32>} : memref<68096xf32, #tpu.memory_space<vmem>>, vector<16xf32>,
      %parallel_loop3A_56 = vector.extract_strided_slice %parallel_loop3A_22 {offsets = [3], sizes = [1], strides = [1]} : vector<16xf32> to vector<1xf32>
      %parallel_loop3A_57 = vector.extract %parallel_loop3A_56[0] : f32 from vector<1xf32>
      %parallel_loop3A_58 = vector.broadcast %parallel_loop3A_57 : f32 to vector<16xf32>
      %parallel_loop3A_59 = arith.constant 16 : i32
      %parallel_loop3A_60 = arith.muli %parallel_loop3A_18, %parallel_loop3A_59 : i32
      %parallel_loop3A_61 = arith.constant 3 : i32
      %parallel_loop3A_62 = arith.addi %parallel_loop3A_60, %parallel_loop3A_61 : i32
      %parallel_loop3A_63 = arith.constant 16 : i32
      %parallel_loop3A_64 = arith.muli %parallel_loop3A_62, %parallel_loop3A_63 : i32
      %parallel_loop3A_65 = arith.index_cast %parallel_loop3A_64 : i32 to index
      %parallel_loop3A_66 = tpu.vector_load %arg6[%parallel_loop3A_65] {strides = array<i32>} : memref<68096xf32, #tpu.memory_space<vmem>>, vector<16xf32>,
      tpu.vector_store %arg6[%parallel_loop3A_65], %parallel_loop3A_58 {strides = array<i32>} : memref<68096xf32, #tpu.memory_space<vmem>>, vector<16xf32>,
      %parallel_loop3A_67 = vector.extract_strided_slice %parallel_loop3A_22 {offsets = [4], sizes = [1], strides = [1]} : vector<16xf32> to vector<1xf32>
      %parallel_loop3A_68 = vector.extract %parallel_loop3A_67[0] : f32 from vector<1xf32>
      %parallel_loop3A_69 = vector.broadcast %parallel_loop3A_68 : f32 to vector<16xf32>
      %parallel_loop3A_70 = arith.constant 16 : i32
      %parallel_loop3A_71 = arith.muli %parallel_loop3A_18, %parallel_loop3A_70 : i32
      %parallel_loop3A_72 = arith.constant 4 : i32
      %parallel_loop3A_73 = arith.addi %parallel_loop3A_71, %parallel_loop3A_72 : i32
      %parallel_loop3A_74 = arith.constant 16 : i32
      %parallel_loop3A_75 = arith.muli %parallel_loop3A_73, %parallel_loop3A_74 : i32
      %parallel_loop3A_76 = arith.index_cast %parallel_loop3A_75 : i32 to index
      %parallel_loop3A_77 = tpu.vector_load %arg6[%parallel_loop3A_76] {strides = array<i32>} : memref<68096xf32, #tpu.memory_space<vmem>>, vector<16xf32>,
      tpu.vector_store %arg6[%parallel_loop3A_76], %parallel_loop3A_69 {strides = array<i32>} : memref<68096xf32, #tpu.memory_space<vmem>>, vector<16xf32>,
      %parallel_loop3A_78 = vector.extract_strided_slice %parallel_loop3A_22 {offsets = [5], sizes = [1], strides = [1]} : vector<16xf32> to vector<1xf32>
      %parallel_loop3A_79 = vector.extract %parallel_loop3A_78[0] : f32 from vector<1xf32>
      %parallel_loop3A_80 = vector.broadcast %parallel_loop3A_79 : f32 to vector<16xf32>
      %parallel_loop3A_81 = arith.constant 16 : i32
      %parallel_loop3A_82 = arith.muli %parallel_loop3A_18, %parallel_loop3A_81 : i32
      %parallel_loop3A_83 = arith.constant 5 : i32
      %parallel_loop3A_84 = arith.addi %parallel_loop3A_82, %parallel_loop3A_83 : i32
      %parallel_loop3A_85 = arith.constant 16 : i32
      %parallel_loop3A_86 = arith.muli %parallel_loop3A_84, %parallel_loop3A_85 : i32
      %parallel_loop3A_87 = arith.index_cast %parallel_loop3A_86 : i32 to index
      %parallel_loop3A_88 = tpu.vector_load %arg6[%parallel_loop3A_87] {strides = array<i32>} : memref<68096xf32, #tpu.memory_space<vmem>>, vector<16xf32>,
      tpu.vector_store %arg6[%parallel_loop3A_87], %parallel_loop3A_80 {strides = array<i32>} : memref<68096xf32, #tpu.memory_space<vmem>>, vector<16xf32>,
      %parallel_loop3A_89 = vector.extract_strided_slice %parallel_loop3A_22 {offsets = [6], sizes = [1], strides = [1]} : vector<16xf32> to vector<1xf32>
      %parallel_loop3A_90 = vector.extract %parallel_loop3A_89[0] : f32 from vector<1xf32>
      %parallel_loop3A_91 = vector.broadcast %parallel_loop3A_90 : f32 to vector<16xf32>
      %parallel_loop3A_92 = arith.constant 16 : i32
      %parallel_loop3A_93 = arith.muli %parallel_loop3A_18, %parallel_loop3A_92 : i32
      %parallel_loop3A_94 = arith.constant 6 : i32
      %parallel_loop3A_95 = arith.addi %parallel_loop3A_93, %parallel_loop3A_94 : i32
      %parallel_loop3A_96 = arith.constant 16 : i32
      %parallel_loop3A_97 = arith.muli %parallel_loop3A_95, %parallel_loop3A_96 : i32
      %parallel_loop3A_98 = arith.index_cast %parallel_loop3A_97 : i32 to index
      %parallel_loop3A_99 = tpu.vector_load %arg6[%parallel_loop3A_98] {strides = array<i32>} : memref<68096xf32, #tpu.memory_space<vmem>>, vector<16xf32>,
      tpu.vector_store %arg6[%parallel_loop3A_98], %parallel_loop3A_91 {strides = array<i32>} : memref<68096xf32, #tpu.memory_space<vmem>>, vector<16xf32>,
      %parallel_loop3A_100 = vector.extract_strided_slice %parallel_loop3A_22 {offsets = [7], sizes = [1], strides = [1]} : vector<16xf32> to vector<1xf32>
      %parallel_loop3A_101 = vector.extract %parallel_loop3A_100[0] : f32 from vector<1xf32>
      %parallel_loop3A_102 = vector.broadcast %parallel_loop3A_101 : f32 to vector<16xf32>
      %parallel_loop3A_103 = arith.constant 16 : i32
      %parallel_loop3A_104 = arith.muli %parallel_loop3A_18, %parallel_loop3A_103 : i32
      %parallel_loop3A_105 = arith.constant 7 : i32
      %parallel_loop3A_106 = arith.addi %parallel_loop3A_104, %parallel_loop3A_105 : i32
      %parallel_loop3A_107 = arith.constant 16 : i32
      %parallel_loop3A_108 = arith.muli %parallel_loop3A_106, %parallel_loop3A_107 : i32
      %parallel_loop3A_109 = arith.index_cast %parallel_loop3A_108 : i32 to index
      %parallel_loop3A_110 = tpu.vector_load %arg6[%parallel_loop3A_109] {strides = array<i32>} : memref<68096xf32, #tpu.memory_space<vmem>>, vector<16xf32>,
      tpu.vector_store %arg6[%parallel_loop3A_109], %parallel_loop3A_102 {strides = array<i32>} : memref<68096xf32, #tpu.memory_space<vmem>>, vector<16xf32>,
      %parallel_loop3A_111 = vector.extract_strided_slice %parallel_loop3A_22 {offsets = [8], sizes = [1], strides = [1]} : vector<16xf32> to vector<1xf32>
      %parallel_loop3A_112 = vector.extract %parallel_loop3A_111[0] : f32 from vector<1xf32>
      %parallel_loop3A_113 = vector.broadcast %parallel_loop3A_112 : f32 to vector<16xf32>
      %parallel_loop3A_114 = arith.constant 16 : i32
      %parallel_loop3A_115 = arith.muli %parallel_loop3A_18, %parallel_loop3A_114 : i32
      %parallel_loop3A_116 = arith.constant 8 : i32
      %parallel_loop3A_117 = arith.addi %parallel_loop3A_115, %parallel_loop3A_116 : i32
      %parallel_loop3A_118 = arith.constant 16 : i32
      %parallel_loop3A_119 = arith.muli %parallel_loop3A_117, %parallel_loop3A_118 : i32
      %parallel_loop3A_120 = arith.index_cast %parallel_loop3A_119 : i32 to index
      %parallel_loop3A_121 = tpu.vector_load %arg6[%parallel_loop3A_120] {strides = array<i32>} : memref<68096xf32, #tpu.memory_space<vmem>>, vector<16xf32>,
      tpu.vector_store %arg6[%parallel_loop3A_120], %parallel_loop3A_113 {strides = array<i32>} : memref<68096xf32, #tpu.memory_space<vmem>>, vector<16xf32>,
      %parallel_loop3A_122 = vector.extract_strided_slice %parallel_loop3A_22 {offsets = [9], sizes = [1], strides = [1]} : vector<16xf32> to vector<1xf32>
      %parallel_loop3A_123 = vector.extract %parallel_loop3A_122[0] : f32 from vector<1xf32>
      %parallel_loop3A_124 = vector.broadcast %parallel_loop3A_123 : f32 to vector<16xf32>
      %parallel_loop3A_125 = arith.constant 16 : i32
      %parallel_loop3A_126 = arith.muli %parallel_loop3A_18, %parallel_loop3A_125 : i32
      %parallel_loop3A_127 = arith.constant 9 : i32
      %parallel_loop3A_128 = arith.addi %parallel_loop3A_126, %parallel_loop3A_127 : i32
      %parallel_loop3A_129 = arith.constant 16 : i32
      %parallel_loop3A_130 = arith.muli %parallel_loop3A_128, %parallel_loop3A_129 : i32
      %parallel_loop3A_131 = arith.index_cast %parallel_loop3A_130 : i32 to index
      %parallel_loop3A_132 = tpu.vector_load %arg6[%parallel_loop3A_131] {strides = array<i32>} : memref<68096xf32, #tpu.memory_space<vmem>>, vector<16xf32>,
      tpu.vector_store %arg6[%parallel_loop3A_131], %parallel_loop3A_124 {strides = array<i32>} : memref<68096xf32, #tpu.memory_space<vmem>>, vector<16xf32>,
      %parallel_loop3A_133 = vector.extract_strided_slice %parallel_loop3A_22 {offsets = [10], sizes = [1], strides = [1]} : vector<16xf32> to vector<1xf32>
      %parallel_loop3A_134 = vector.extract %parallel_loop3A_133[0] : f32 from vector<1xf32>
      %parallel_loop3A_135 = vector.broadcast %parallel_loop3A_134 : f32 to vector<16xf32>
      %parallel_loop3A_136 = arith.constant 16 : i32
      %parallel_loop3A_137 = arith.muli %parallel_loop3A_18, %parallel_loop3A_136 : i32
      %parallel_loop3A_138 = arith.constant 10 : i32
      %parallel_loop3A_139 = arith.addi %parallel_loop3A_137, %parallel_loop3A_138 : i32
      %parallel_loop3A_140 = arith.constant 16 : i32
      %parallel_loop3A_141 = arith.muli %parallel_loop3A_139, %parallel_loop3A_140 : i32
      %parallel_loop3A_142 = arith.index_cast %parallel_loop3A_141 : i32 to index
      %parallel_loop3A_143 = tpu.vector_load %arg6[%parallel_loop3A_142] {strides = array<i32>} : memref<68096xf32, #tpu.memory_space<vmem>>, vector<16xf32>,
      tpu.vector_store %arg6[%parallel_loop3A_142], %parallel_loop3A_135 {strides = array<i32>} : memref<68096xf32, #tpu.memory_space<vmem>>, vector<16xf32>,
      %parallel_loop3A_144 = vector.extract_strided_slice %parallel_loop3A_22 {offsets = [11], sizes = [1], strides = [1]} : vector<16xf32> to vector<1xf32>
      %parallel_loop3A_145 = vector.extract %parallel_loop3A_144[0] : f32 from vector<1xf32>
      %parallel_loop3A_146 = vector.broadcast %parallel_loop3A_145 : f32 to vector<16xf32>
      %parallel_loop3A_147 = arith.constant 16 : i32
      %parallel_loop3A_148 = arith.muli %parallel_loop3A_18, %parallel_loop3A_147 : i32
      %parallel_loop3A_149 = arith.constant 11 : i32
      %parallel_loop3A_150 = arith.addi %parallel_loop3A_148, %parallel_loop3A_149 : i32
      %parallel_loop3A_151 = arith.constant 16 : i32
      %parallel_loop3A_152 = arith.muli %parallel_loop3A_150, %parallel_loop3A_151 : i32
      %parallel_loop3A_153 = arith.index_cast %parallel_loop3A_152 : i32 to index
      %parallel_loop3A_154 = tpu.vector_load %arg6[%parallel_loop3A_153] {strides = array<i32>} : memref<68096xf32, #tpu.memory_space<vmem>>, vector<16xf32>,
      tpu.vector_store %arg6[%parallel_loop3A_153], %parallel_loop3A_146 {strides = array<i32>} : memref<68096xf32, #tpu.memory_space<vmem>>, vector<16xf32>,
      %parallel_loop3A_155 = vector.extract_strided_slice %parallel_loop3A_22 {offsets = [12], sizes = [1], strides = [1]} : vector<16xf32> to vector<1xf32>
      %parallel_loop3A_156 = vector.extract %parallel_loop3A_155[0] : f32 from vector<1xf32>
      %parallel_loop3A_157 = vector.broadcast %parallel_loop3A_156 : f32 to vector<16xf32>
      %parallel_loop3A_158 = arith.constant 16 : i32
      %parallel_loop3A_159 = arith.muli %parallel_loop3A_18, %parallel_loop3A_158 : i32
      %parallel_loop3A_160 = arith.constant 12 : i32
      %parallel_loop3A_161 = arith.addi %parallel_loop3A_159, %parallel_loop3A_160 : i32
      %parallel_loop3A_162 = arith.constant 16 : i32
      %parallel_loop3A_163 = arith.muli %parallel_loop3A_161, %parallel_loop3A_162 : i32
      %parallel_loop3A_164 = arith.index_cast %parallel_loop3A_163 : i32 to index
      %parallel_loop3A_165 = tpu.vector_load %arg6[%parallel_loop3A_164] {strides = array<i32>} : memref<68096xf32, #tpu.memory_space<vmem>>, vector<16xf32>,
      tpu.vector_store %arg6[%parallel_loop3A_164], %parallel_loop3A_157 {strides = array<i32>} : memref<68096xf32, #tpu.memory_space<vmem>>, vector<16xf32>,
      %parallel_loop3A_166 = vector.extract_strided_slice %parallel_loop3A_22 {offsets = [13], sizes = [1], strides = [1]} : vector<16xf32> to vector<1xf32>
      %parallel_loop3A_167 = vector.extract %parallel_loop3A_166[0] : f32 from vector<1xf32>
      %parallel_loop3A_168 = vector.broadcast %parallel_loop3A_167 : f32 to vector<16xf32>
      %parallel_loop3A_169 = arith.constant 16 : i32
      %parallel_loop3A_170 = arith.muli %parallel_loop3A_18, %parallel_loop3A_169 : i32
      %parallel_loop3A_171 = arith.constant 13 : i32
      %parallel_loop3A_172 = arith.addi %parallel_loop3A_170, %parallel_loop3A_171 : i32
      %parallel_loop3A_173 = arith.constant 16 : i32
      %parallel_loop3A_174 = arith.muli %parallel_loop3A_172, %parallel_loop3A_173 : i32
      %parallel_loop3A_175 = arith.index_cast %parallel_loop3A_174 : i32 to index
      %parallel_loop3A_176 = tpu.vector_load %arg6[%parallel_loop3A_175] {strides = array<i32>} : memref<68096xf32, #tpu.memory_space<vmem>>, vector<16xf32>,
      tpu.vector_store %arg6[%parallel_loop3A_175], %parallel_loop3A_168 {strides = array<i32>} : memref<68096xf32, #tpu.memory_space<vmem>>, vector<16xf32>,
      %parallel_loop3A_177 = vector.extract_strided_slice %parallel_loop3A_22 {offsets = [14], sizes = [1], strides = [1]} : vector<16xf32> to vector<1xf32>
      %parallel_loop3A_178 = vector.extract %parallel_loop3A_177[0] : f32 from vector<1xf32>
      %parallel_loop3A_179 = vector.broadcast %parallel_loop3A_178 : f32 to vector<16xf32>
      %parallel_loop3A_180 = arith.constant 16 : i32
      %parallel_loop3A_181 = arith.muli %parallel_loop3A_18, %parallel_loop3A_180 : i32
      %parallel_loop3A_182 = arith.constant 14 : i32
      %parallel_loop3A_183 = arith.addi %parallel_loop3A_181, %parallel_loop3A_182 : i32
      %parallel_loop3A_184 = arith.constant 16 : i32
      %parallel_loop3A_185 = arith.muli %parallel_loop3A_183, %parallel_loop3A_184 : i32
      %parallel_loop3A_186 = arith.index_cast %parallel_loop3A_185 : i32 to index
      %parallel_loop3A_187 = tpu.vector_load %arg6[%parallel_loop3A_186] {strides = array<i32>} : memref<68096xf32, #tpu.memory_space<vmem>>, vector<16xf32>,
      tpu.vector_store %arg6[%parallel_loop3A_186], %parallel_loop3A_179 {strides = array<i32>} : memref<68096xf32, #tpu.memory_space<vmem>>, vector<16xf32>,
      %parallel_loop3A_188 = vector.extract_strided_slice %parallel_loop3A_22 {offsets = [15], sizes = [1], strides = [1]} : vector<16xf32> to vector<1xf32>
      %parallel_loop3A_189 = vector.extract %parallel_loop3A_188[0] : f32 from vector<1xf32>
      %parallel_loop3A_190 = vector.broadcast %parallel_loop3A_189 : f32 to vector<16xf32>
      %parallel_loop3A_191 = arith.constant 16 : i32
      %parallel_loop3A_192 = arith.muli %parallel_loop3A_18, %parallel_loop3A_191 : i32
      %parallel_loop3A_193 = arith.constant 15 : i32
      %parallel_loop3A_194 = arith.addi %parallel_loop3A_192, %parallel_loop3A_193 : i32
      %parallel_loop3A_195 = arith.constant 16 : i32
      %parallel_loop3A_196 = arith.muli %parallel_loop3A_194, %parallel_loop3A_195 : i32
      %parallel_loop3A_197 = arith.index_cast %parallel_loop3A_196 : i32 to index
      %parallel_loop3A_198 = tpu.vector_load %arg6[%parallel_loop3A_197] {strides = array<i32>} : memref<68096xf32, #tpu.memory_space<vmem>>, vector<16xf32>,
      tpu.vector_store %arg6[%parallel_loop3A_197], %parallel_loop3A_190 {strides = array<i32>} : memref<68096xf32, #tpu.memory_space<vmem>>, vector<16xf32>,
    } {sc.loop_unroll_factor = 2 : i64, sc.parallel_access}
    %mul3A_3 = arith.constant 26 : i32
    %mul3A_4 = arith.muli %add3A, %mul3A_3 : i32
    %lt3A = arith.constant 802 : i32
    %lt3A_5 = arith.cmpi slt, %mul3A_4, %lt3A : i32
    %convert_element_type3A = arith.extui %lt3A_5 : i1 to i32
    %cond3A = arith.constant 0 : i32
    %cond3A_6 = arith.cmpi ne, %convert_element_type3A, %cond3A : i32
    scf.if %cond3A_6 {
      %dma_start3A = arith.constant 0 : i32
      %dma_start3A_18 = arith.constant 0 : i32
      %dma_start3A_19 = tpu.memref_slice %arg8[%dma_start3A, %dma_start3A_18] : memref<2x1024xi32, #tpu.memory_space<vmem>> -> memref<1x1024xi32, #tpu.memory_space<vmem>>
      %dma_start3A_20 = tpu.memref_squeeze %dma_start3A_19 : memref<1x1024xi32, #tpu.memory_space<vmem>> -> memref<1024xi32, #tpu.memory_space<vmem>>
      %dma_start3A_21 = arith.constant 0 : i32
      %dma_start3A_22 = tpu.memref_slice %arg3[%mul3A_4, %dma_start3A_21] : memref<802x1024xi32, #tpu.memory_space<hbm>> -> memref<1x1024xi32, #tpu.memory_space<hbm>>
      %dma_start3A_23 = tpu.memref_squeeze %dma_start3A_22 : memref<1x1024xi32, #tpu.memory_space<hbm>> -> memref<1024xi32, #tpu.memory_space<hbm>>
      %dma_start3A_24 = arith.constant 0 : i32
      %dma_start3A_25 = tpu.memref_slice %arg8[%dma_start3A, %dma_start3A_24] : memref<2x1024xi32, #tpu.memory_space<vmem>> -> memref<1x1024xi32, #tpu.memory_space<vmem>>
      %dma_start3A_26 = tpu.memref_squeeze %dma_start3A_25 : memref<1x1024xi32, #tpu.memory_space<vmem>> -> memref<1024xi32, #tpu.memory_space<vmem>>
      %dma_start3A_27 = arith.constant 0 : i32
      %dma_start3A_28 = tpu.memref_slice %arg3[%mul3A_4, %dma_start3A_27] : memref<802x1024xi32, #tpu.memory_space<hbm>> -> memref<1x1024xi32, #tpu.memory_space<hbm>>
      %dma_start3A_29 = tpu.memref_squeeze %dma_start3A_28 : memref<1x1024xi32, #tpu.memory_space<hbm>> -> memref<1024xi32, #tpu.memory_space<hbm>>
      tpu.enqueue_dma source(%dma_start3A_29 : memref<1024xi32, #tpu.memory_space<hbm>>) target(%dma_start3A_26 : memref<1024xi32, #tpu.memory_space<vmem>>) target_semaphore(%arg13 : memref<!tpu.dma_semaphore, #tpu.memory_space<semaphore_mem>>)
      %dma_start3A_30 = arith.constant 0 : i32
      %dma_start3A_31 = arith.constant 0 : i32
      %dma_start3A_32 = tpu.memref_slice %arg10[%dma_start3A_30, %dma_start3A_31] : memref<2x32xf32, #tpu.memory_space<vmem>> -> memref<1x32xf32, #tpu.memory_space<vmem>>
      %dma_start3A_33 = tpu.memref_squeeze %dma_start3A_32 : memref<1x32xf32, #tpu.memory_space<vmem>> -> memref<32xf32, #tpu.memory_space<vmem>>
      %dma_start3A_34 = arith.constant 0 : i32
      %dma_start3A_35 = tpu.memref_slice %arg4[%mul3A_4, %dma_start3A_34] : memref<802x32xf32, #tpu.memory_space<hbm>> -> memref<1x32xf32, #tpu.memory_space<hbm>>
      %dma_start3A_36 = tpu.memref_squeeze %dma_start3A_35 : memref<1x32xf32, #tpu.memory_space<hbm>> -> memref<32xf32, #tpu.memory_space<hbm>>
      %dma_start3A_37 = arith.constant 0 : i32
      %dma_start3A_38 = tpu.memref_slice %arg10[%dma_start3A_30, %dma_start3A_37] : memref<2x32xf32, #tpu.memory_space<vmem>> -> memref<1x32xf32, #tpu.memory_space<vmem>>
      %dma_start3A_39 = tpu.memref_squeeze %dma_start3A_38 : memref<1x32xf32, #tpu.memory_space<vmem>> -> memref<32xf32, #tpu.memory_space<vmem>>
      %dma_start3A_40 = arith.constant 0 : i32
      %dma_start3A_41 = tpu.memref_slice %arg4[%mul3A_4, %dma_start3A_40] : memref<802x32xf32, #tpu.memory_space<hbm>> -> memref<1x32xf32, #tpu.memory_space<hbm>>
      %dma_start3A_42 = tpu.memref_squeeze %dma_start3A_41 : memref<1x32xf32, #tpu.memory_space<hbm>> -> memref<32xf32, #tpu.memory_space<hbm>>
      tpu.enqueue_dma source(%dma_start3A_42 : memref<32xf32, #tpu.memory_space<hbm>>) target(%dma_start3A_39 : memref<32xf32, #tpu.memory_space<vmem>>) target_semaphore(%arg14 : memref<!tpu.dma_semaphore, #tpu.memory_space<semaphore_mem>>)
    } else {
    }
    %scan3A = arith.constant 0 : i32
    %scan3A_7 = arith.constant 26 : i32
    %scan3A_8 = arith.addi %scan3A, %scan3A_7 : i32
    %scan3A_9 = arith.constant 1 : i32
    scf.for %scan3A_18 = %scan3A to %scan3A_8 step %scan3A_9  : i32 {
      %mul3A_19 = arith.constant 1 : i32
      %mul3A_20 = arith.muli %scan3A_18, %mul3A_19 : i32
      %add3A_21 = arith.constant 0 : i32
      %add3A_22 = arith.addi %add3A_21, %mul3A_20 : i32
      %add3A_23 = arith.addi %mul3A_4, %add3A_22 : i32
      %lt3A_24 = arith.constant 802 : i32
      %lt3A_25 = arith.cmpi slt, %add3A_23, %lt3A_24 : i32
      %convert_element_type3A_26 = arith.extui %lt3A_25 : i1 to i32
      %cond3A_27 = arith.constant 0 : i32
      %cond3A_28 = arith.cmpi ne, %convert_element_type3A_26, %cond3A_27 : i32
      scf.if %cond3A_28 {
        %jit3A = arith.constant 2 : i32
        %eq3A = arith.constant 0 : i32
        %eq3A_29 = arith.cmpi eq, %jit3A, %eq3A : i32
        %jit3A_30 = arith.constant 1 : i32
        %select_n3A = arith.select %eq3A_29, %jit3A_30, %jit3A : i32
        %rem3A = arith.remsi %add3A_22, %select_n3A : i32
        %ne3A = arith.constant 0 : i32
        %ne3A_31 = arith.cmpi ne, %rem3A, %ne3A : i32
        %lt3A_32 = arith.constant 0 : i32
        %lt3A_33 = arith.cmpi slt, %rem3A, %lt3A_32 : i32
        %lt3A_34 = arith.constant 0 : i32
        %lt3A_35 = arith.cmpi slt, %select_n3A, %lt3A_34 : i32
        %ne3A_36 = arith.xori %lt3A_33, %lt3A_35 : i1
        %and3A = arith.andi %ne3A_36, %ne3A_31 : i1
        %add3A_37 = arith.addi %rem3A, %select_n3A : i32
        %select_n3A_38 = arith.select %and3A, %add3A_37, %rem3A : i32
        %add3A_39 = arith.constant 1 : i32
        %add3A_40 = arith.addi %add3A_22, %add3A_39 : i32
        %lt3A_41 = arith.constant 26 : i32
        %lt3A_42 = arith.cmpi slt, %add3A_40, %lt3A_41 : i32
        %add3A_43 = arith.constant 1 : i32
        %add3A_44 = arith.addi %add3A_23, %add3A_43 : i32
        %lt3A_45 = arith.constant 802 : i32
        %lt3A_46 = arith.cmpi slt, %add3A_44, %lt3A_45 : i32
        %and3A_47 = arith.andi %lt3A_42, %lt3A_46 : i1
        %convert_element_type3A_48 = arith.extui %and3A_47 : i1 to i32
        %cond3A_49 = arith.constant 0 : i32
        %cond3A_50 = arith.cmpi ne, %convert_element_type3A_48, %cond3A_49 : i32
        scf.if %cond3A_50 {
          %add3A_177 = arith.constant 1 : i32
          %add3A_178 = arith.addi %add3A_23, %add3A_177 : i32
          %sub3A = arith.constant 1 : i32
          %sub3A_179 = arith.subi %sub3A, %select_n3A_38 : i32
          %dma_start3A_180 = arith.constant 0 : i32
          %dma_start3A_181 = tpu.memref_slice %arg8[%sub3A_179, %dma_start3A_180] : memref<2x1024xi32, #tpu.memory_space<vmem>> -> memref<1x1024xi32, #tpu.memory_space<vmem>>
          %dma_start3A_182 = tpu.memref_squeeze %dma_start3A_181 : memref<1x1024xi32, #tpu.memory_space<vmem>> -> memref<1024xi32, #tpu.memory_space<vmem>>
          %dma_start3A_183 = arith.constant 0 : i32
          %dma_start3A_184 = tpu.memref_slice %arg3[%add3A_178, %dma_start3A_183] : memref<802x1024xi32, #tpu.memory_space<hbm>> -> memref<1x1024xi32, #tpu.memory_space<hbm>>
          %dma_start3A_185 = tpu.memref_squeeze %dma_start3A_184 : memref<1x1024xi32, #tpu.memory_space<hbm>> -> memref<1024xi32, #tpu.memory_space<hbm>>
          %dma_start3A_186 = arith.constant 0 : i32
          %dma_start3A_187 = tpu.memref_slice %arg8[%sub3A_179, %dma_start3A_186] : memref<2x1024xi32, #tpu.memory_space<vmem>> -> memref<1x1024xi32, #tpu.memory_space<vmem>>
          %dma_start3A_188 = tpu.memref_squeeze %dma_start3A_187 : memref<1x1024xi32, #tpu.memory_space<vmem>> -> memref<1024xi32, #tpu.memory_space<vmem>>
          %dma_start3A_189 = arith.constant 0 : i32
          %dma_start3A_190 = tpu.memref_slice %arg3[%add3A_178, %dma_start3A_189] : memref<802x1024xi32, #tpu.memory_space<hbm>> -> memref<1x1024xi32, #tpu.memory_space<hbm>>
          %dma_start3A_191 = tpu.memref_squeeze %dma_start3A_190 : memref<1x1024xi32, #tpu.memory_space<hbm>> -> memref<1024xi32, #tpu.memory_space<hbm>>
          tpu.enqueue_dma source(%dma_start3A_191 : memref<1024xi32, #tpu.memory_space<hbm>>) target(%dma_start3A_188 : memref<1024xi32, #tpu.memory_space<vmem>>) target_semaphore(%arg13 : memref<!tpu.dma_semaphore, #tpu.memory_space<semaphore_mem>>)
          %dma_start3A_192 = arith.constant 0 : i32
          %dma_start3A_193 = tpu.memref_slice %arg10[%sub3A_179, %dma_start3A_192] : memref<2x32xf32, #tpu.memory_space<vmem>> -> memref<1x32xf32, #tpu.memory_space<vmem>>
          %dma_start3A_194 = tpu.memref_squeeze %dma_start3A_193 : memref<1x32xf32, #tpu.memory_space<vmem>> -> memref<32xf32, #tpu.memory_space<vmem>>
          %dma_start3A_195 = arith.constant 0 : i32
          %dma_start3A_196 = tpu.memref_slice %arg4[%add3A_178, %dma_start3A_195] : memref<802x32xf32, #tpu.memory_space<hbm>> -> memref<1x32xf32, #tpu.memory_space<hbm>>
          %dma_start3A_197 = tpu.memref_squeeze %dma_start3A_196 : memref<1x32xf32, #tpu.memory_space<hbm>> -> memref<32xf32, #tpu.memory_space<hbm>>
          %dma_start3A_198 = arith.constant 0 : i32
          %dma_start3A_199 = tpu.memref_slice %arg10[%sub3A_179, %dma_start3A_198] : memref<2x32xf32, #tpu.memory_space<vmem>> -> memref<1x32xf32, #tpu.memory_space<vmem>>
          %dma_start3A_200 = tpu.memref_squeeze %dma_start3A_199 : memref<1x32xf32, #tpu.memory_space<vmem>> -> memref<32xf32, #tpu.memory_space<vmem>>
          %dma_start3A_201 = arith.constant 0 : i32
          %dma_start3A_202 = tpu.memref_slice %arg4[%add3A_178, %dma_start3A_201] : memref<802x32xf32, #tpu.memory_space<hbm>> -> memref<1x32xf32, #tpu.memory_space<hbm>>
          %dma_start3A_203 = tpu.memref_squeeze %dma_start3A_202 : memref<1x32xf32, #tpu.memory_space<hbm>> -> memref<32xf32, #tpu.memory_space<hbm>>
          tpu.enqueue_dma source(%dma_start3A_203 : memref<32xf32, #tpu.memory_space<hbm>>) target(%dma_start3A_200 : memref<32xf32, #tpu.memory_space<vmem>>) target_semaphore(%arg14 : memref<!tpu.dma_semaphore, #tpu.memory_space<semaphore_mem>>)
        } else {
        }
        %dma_wait3A = arith.constant 0 : i32
        %dma_wait3A_51 = arith.constant 0 : i32
        %dma_wait3A_52 = tpu.memref_slice %arg10[%select_n3A_38, %dma_wait3A_51] : memref<2x32xf32, #tpu.memory_space<vmem>> -> memref<1x32xf32, #tpu.memory_space<vmem>>
        %dma_wait3A_53 = tpu.memref_squeeze %dma_wait3A_52 : memref<1x32xf32, #tpu.memory_space<vmem>> -> memref<32xf32, #tpu.memory_space<vmem>>
        %dma_wait3A_54 = arith.constant 0 : i32
        %dma_wait3A_55 = tpu.memref_slice %arg4[%dma_wait3A, %dma_wait3A_54] : memref<802x32xf32, #tpu.memory_space<hbm>> -> memref<1x32xf32, #tpu.memory_space<hbm>>
        %dma_wait3A_56 = tpu.memref_squeeze %dma_wait3A_55 : memref<1x32xf32, #tpu.memory_space<hbm>> -> memref<32xf32, #tpu.memory_space<hbm>>
        %dma_wait3A_57 = arith.constant 0 : i32
        %dma_wait3A_58 = tpu.memref_slice %arg10[%select_n3A_38, %dma_wait3A_57] : memref<2x32xf32, #tpu.memory_space<vmem>> -> memref<1x32xf32, #tpu.memory_space<vmem>>
        %dma_wait3A_59 = tpu.memref_squeeze %dma_wait3A_58 : memref<1x32xf32, #tpu.memory_space<vmem>> -> memref<32xf32, #tpu.memory_space<vmem>>
        %dma_wait3A_60 = arith.constant 0 : i32
        %dma_wait3A_61 = tpu.memref_slice %arg4[%dma_wait3A, %dma_wait3A_60] : memref<802x32xf32, #tpu.memory_space<hbm>> -> memref<1x32xf32, #tpu.memory_space<hbm>>
        %dma_wait3A_62 = tpu.memref_squeeze %dma_wait3A_61 : memref<1x32xf32, #tpu.memory_space<hbm>> -> memref<32xf32, #tpu.memory_space<hbm>>
        tpu.wait_dma2 semaphore(%arg14 : memref<!tpu.dma_semaphore, #tpu.memory_space<semaphore_mem>>) src(%dma_wait3A_62 : memref<32xf32, #tpu.memory_space<hbm>>) dst(%dma_wait3A_59 : memref<32xf32, #tpu.memory_space<vmem>>)
        %dma_wait3A_63 = arith.constant 0 : i32
        %dma_wait3A_64 = arith.constant 0 : i32
        %dma_wait3A_65 = tpu.memref_slice %arg8[%select_n3A_38, %dma_wait3A_64] : memref<2x1024xi32, #tpu.memory_space<vmem>> -> memref<1x1024xi32, #tpu.memory_space<vmem>>
        %dma_wait3A_66 = tpu.memref_squeeze %dma_wait3A_65 : memref<1x1024xi32, #tpu.memory_space<vmem>> -> memref<1024xi32, #tpu.memory_space<vmem>>
        %dma_wait3A_67 = arith.constant 0 : i32
        %dma_wait3A_68 = tpu.memref_slice %arg3[%dma_wait3A_63, %dma_wait3A_67] : memref<802x1024xi32, #tpu.memory_space<hbm>> -> memref<1x1024xi32, #tpu.memory_space<hbm>>
        %dma_wait3A_69 = tpu.memref_squeeze %dma_wait3A_68 : memref<1x1024xi32, #tpu.memory_space<hbm>> -> memref<1024xi32, #tpu.memory_space<hbm>>
        %dma_wait3A_70 = arith.constant 0 : i32
        %dma_wait3A_71 = tpu.memref_slice %arg8[%select_n3A_38, %dma_wait3A_70] : memref<2x1024xi32, #tpu.memory_space<vmem>> -> memref<1x1024xi32, #tpu.memory_space<vmem>>
        %dma_wait3A_72 = tpu.memref_squeeze %dma_wait3A_71 : memref<1x1024xi32, #tpu.memory_space<vmem>> -> memref<1024xi32, #tpu.memory_space<vmem>>
        %dma_wait3A_73 = arith.constant 0 : i32
        %dma_wait3A_74 = tpu.memref_slice %arg3[%dma_wait3A_63, %dma_wait3A_73] : memref<802x1024xi32, #tpu.memory_space<hbm>> -> memref<1x1024xi32, #tpu.memory_space<hbm>>
        %dma_wait3A_75 = tpu.memref_squeeze %dma_wait3A_74 : memref<1x1024xi32, #tpu.memory_space<hbm>> -> memref<1024xi32, #tpu.memory_space<hbm>>
        tpu.wait_dma2 semaphore(%arg13 : memref<!tpu.dma_semaphore, #tpu.memory_space<semaphore_mem>>) src(%dma_wait3A_75 : memref<1024xi32, #tpu.memory_space<hbm>>) dst(%dma_wait3A_72 : memref<1024xi32, #tpu.memory_space<vmem>>)
        %get3A = arith.index_cast %select_n3A_38 : i32 to index
        %get3A_76 = arith.constant 0 : index
        %get3A_77 = tpu.vector_load %arg10[%get3A, %get3A_76] {strides = array<i32>} : memref<2x32xf32, #tpu.memory_space<vmem>>, vector<16xf32>,
        %get3A_78 = arith.index_cast %select_n3A_38 : i32 to index
        %get3A_79 = arith.constant 16 : index
        %get3A_80 = tpu.vector_load %arg10[%get3A_78, %get3A_79] {strides = array<i32>} : memref<2x32xf32, #tpu.memory_space<vmem>>, vector<16xf32>,
        %slice3A = vector.extract_strided_slice %get3A_77 {offsets = [0], sizes = [1], strides = [1]} : vector<16xf32> to vector<1xf32>
        %squeeze3A = vector.extract %slice3A[0] : f32 from vector<1xf32>
        %slice3A_81 = vector.extract_strided_slice %get3A_77 {offsets = [1], sizes = [1], strides = [1]} : vector<16xf32> to vector<1xf32>
        %squeeze3A_82 = vector.extract %slice3A_81[0] : f32 from vector<1xf32>
        %slice3A_83 = vector.extract_strided_slice %get3A_77 {offsets = [2], sizes = [1], strides = [1]} : vector<16xf32> to vector<1xf32>
        %squeeze3A_84 = vector.extract %slice3A_83[0] : f32 from vector<1xf32>
        %slice3A_85 = vector.extract_strided_slice %get3A_77 {offsets = [3], sizes = [1], strides = [1]} : vector<16xf32> to vector<1xf32>
        %squeeze3A_86 = vector.extract %slice3A_85[0] : f32 from vector<1xf32>
        %slice3A_87 = vector.extract_strided_slice %get3A_77 {offsets = [4], sizes = [1], strides = [1]} : vector<16xf32> to vector<1xf32>
        %squeeze3A_88 = vector.extract %slice3A_87[0] : f32 from vector<1xf32>
        %slice3A_89 = vector.extract_strided_slice %get3A_77 {offsets = [5], sizes = [1], strides = [1]} : vector<16xf32> to vector<1xf32>
        %squeeze3A_90 = vector.extract %slice3A_89[0] : f32 from vector<1xf32>
        %slice3A_91 = vector.extract_strided_slice %get3A_77 {offsets = [6], sizes = [1], strides = [1]} : vector<16xf32> to vector<1xf32>
        %squeeze3A_92 = vector.extract %slice3A_91[0] : f32 from vector<1xf32>
        %slice3A_93 = vector.extract_strided_slice %get3A_77 {offsets = [7], sizes = [1], strides = [1]} : vector<16xf32> to vector<1xf32>
        %squeeze3A_94 = vector.extract %slice3A_93[0] : f32 from vector<1xf32>
        %slice3A_95 = vector.extract_strided_slice %get3A_77 {offsets = [8], sizes = [1], strides = [1]} : vector<16xf32> to vector<1xf32>
        %squeeze3A_96 = vector.extract %slice3A_95[0] : f32 from vector<1xf32>
        %slice3A_97 = vector.extract_strided_slice %get3A_77 {offsets = [9], sizes = [1], strides = [1]} : vector<16xf32> to vector<1xf32>
        %squeeze3A_98 = vector.extract %slice3A_97[0] : f32 from vector<1xf32>
        %slice3A_99 = vector.extract_strided_slice %get3A_77 {offsets = [10], sizes = [1], strides = [1]} : vector<16xf32> to vector<1xf32>
        %squeeze3A_100 = vector.extract %slice3A_99[0] : f32 from vector<1xf32>
        %slice3A_101 = vector.extract_strided_slice %get3A_77 {offsets = [11], sizes = [1], strides = [1]} : vector<16xf32> to vector<1xf32>
        %squeeze3A_102 = vector.extract %slice3A_101[0] : f32 from vector<1xf32>
        %slice3A_103 = vector.extract_strided_slice %get3A_77 {offsets = [12], sizes = [1], strides = [1]} : vector<16xf32> to vector<1xf32>
        %squeeze3A_104 = vector.extract %slice3A_103[0] : f32 from vector<1xf32>
        %slice3A_105 = vector.extract_strided_slice %get3A_77 {offsets = [13], sizes = [1], strides = [1]} : vector<16xf32> to vector<1xf32>
        %squeeze3A_106 = vector.extract %slice3A_105[0] : f32 from vector<1xf32>
        %slice3A_107 = vector.extract_strided_slice %get3A_77 {offsets = [14], sizes = [1], strides = [1]} : vector<16xf32> to vector<1xf32>
        %squeeze3A_108 = vector.extract %slice3A_107[0] : f32 from vector<1xf32>
        %slice3A_109 = vector.extract_strided_slice %get3A_77 {offsets = [15], sizes = [1], strides = [1]} : vector<16xf32> to vector<1xf32>
        %squeeze3A_110 = vector.extract %slice3A_109[0] : f32 from vector<1xf32>
        %slice3A_111 = vector.extract_strided_slice %get3A_80 {offsets = [0], sizes = [1], strides = [1]} : vector<16xf32> to vector<1xf32>
        %squeeze3A_112 = vector.extract %slice3A_111[0] : f32 from vector<1xf32>
        %slice3A_113 = vector.extract_strided_slice %get3A_80 {offsets = [1], sizes = [1], strides = [1]} : vector<16xf32> to vector<1xf32>
        %squeeze3A_114 = vector.extract %slice3A_113[0] : f32 from vector<1xf32>
        %slice3A_115 = vector.extract_strided_slice %get3A_80 {offsets = [2], sizes = [1], strides = [1]} : vector<16xf32> to vector<1xf32>
        %squeeze3A_116 = vector.extract %slice3A_115[0] : f32 from vector<1xf32>
        %slice3A_117 = vector.extract_strided_slice %get3A_80 {offsets = [3], sizes = [1], strides = [1]} : vector<16xf32> to vector<1xf32>
        %squeeze3A_118 = vector.extract %slice3A_117[0] : f32 from vector<1xf32>
        %slice3A_119 = vector.extract_strided_slice %get3A_80 {offsets = [4], sizes = [1], strides = [1]} : vector<16xf32> to vector<1xf32>
        %squeeze3A_120 = vector.extract %slice3A_119[0] : f32 from vector<1xf32>
        %slice3A_121 = vector.extract_strided_slice %get3A_80 {offsets = [5], sizes = [1], strides = [1]} : vector<16xf32> to vector<1xf32>
        %squeeze3A_122 = vector.extract %slice3A_121[0] : f32 from vector<1xf32>
        %slice3A_123 = vector.extract_strided_slice %get3A_80 {offsets = [6], sizes = [1], strides = [1]} : vector<16xf32> to vector<1xf32>
        %squeeze3A_124 = vector.extract %slice3A_123[0] : f32 from vector<1xf32>
        %slice3A_125 = vector.extract_strided_slice %get3A_80 {offsets = [7], sizes = [1], strides = [1]} : vector<16xf32> to vector<1xf32>
        %squeeze3A_126 = vector.extract %slice3A_125[0] : f32 from vector<1xf32>
        %slice3A_127 = vector.extract_strided_slice %get3A_80 {offsets = [8], sizes = [1], strides = [1]} : vector<16xf32> to vector<1xf32>
        %squeeze3A_128 = vector.extract %slice3A_127[0] : f32 from vector<1xf32>
        %slice3A_129 = vector.extract_strided_slice %get3A_80 {offsets = [9], sizes = [1], strides = [1]} : vector<16xf32> to vector<1xf32>
        %squeeze3A_130 = vector.extract %slice3A_129[0] : f32 from vector<1xf32>
        %slice3A_131 = vector.extract_strided_slice %get3A_80 {offsets = [10], sizes = [1], strides = [1]} : vector<16xf32> to vector<1xf32>
        %squeeze3A_132 = vector.extract %slice3A_131[0] : f32 from vector<1xf32>
        %slice3A_133 = vector.extract_strided_slice %get3A_80 {offsets = [11], sizes = [1], strides = [1]} : vector<16xf32> to vector<1xf32>
        %squeeze3A_134 = vector.extract %slice3A_133[0] : f32 from vector<1xf32>
        %slice3A_135 = vector.extract_strided_slice %get3A_80 {offsets = [12], sizes = [1], strides = [1]} : vector<16xf32> to vector<1xf32>
        %squeeze3A_136 = vector.extract %slice3A_135[0] : f32 from vector<1xf32>
        %slice3A_137 = vector.extract_strided_slice %get3A_80 {offsets = [13], sizes = [1], strides = [1]} : vector<16xf32> to vector<1xf32>
        %squeeze3A_138 = vector.extract %slice3A_137[0] : f32 from vector<1xf32>
        %slice3A_139 = vector.extract_strided_slice %get3A_80 {offsets = [14], sizes = [1], strides = [1]} : vector<16xf32> to vector<1xf32>
        %squeeze3A_140 = vector.extract %slice3A_139[0] : f32 from vector<1xf32>
        %slice3A_141 = vector.extract_strided_slice %get3A_80 {offsets = [15], sizes = [1], strides = [1]} : vector<16xf32> to vector<1xf32>
        %squeeze3A_142 = vector.extract %slice3A_141[0] : f32 from vector<1xf32>
        %gt3A = arith.constant 0 : i32
        %gt3A_143 = arith.cmpi sgt, %add3A_22, %gt3A : i32
        %convert_element_type3A_144 = arith.extui %gt3A_143 : i1 to i32
        %cond3A_145 = arith.constant 0 : i32
        %cond3A_146 = arith.cmpi ne, %convert_element_type3A_144, %cond3A_145 : i32
        scf.if %cond3A_146 {
          %dma_wait3A_177 = arith.constant 0 : i32
          %dma_wait3A_178 = arith.constant 0 : i32
          %dma_wait3A_179 = tpu.memref_slice %arg9[%dma_wait3A_178] : memref<32768xf32, #tpu.memory_space<vmem>> -> memref<16384xf32, #tpu.memory_space<vmem>>
          %dma_wait3A_180 = arith.constant 0 : i32
          %dma_wait3A_181 = tpu.memref_slice %arg5[%dma_wait3A_177, %dma_wait3A_180] : memref<802x32768xf32, #tpu.memory_space<hbm>> -> memref<1x16384xf32, #tpu.memory_space<hbm>>
          %dma_wait3A_182 = tpu.memref_squeeze %dma_wait3A_181 : memref<1x16384xf32, #tpu.memory_space<hbm>> -> memref<16384xf32, #tpu.memory_space<hbm>>
          %dma_wait3A_183 = arith.constant 0 : i32
          %dma_wait3A_184 = tpu.memref_slice %arg5[%dma_wait3A_177, %dma_wait3A_183] : memref<802x32768xf32, #tpu.memory_space<hbm>> -> memref<1x16384xf32, #tpu.memory_space<hbm>>
          %dma_wait3A_185 = tpu.memref_squeeze %dma_wait3A_184 : memref<1x16384xf32, #tpu.memory_space<hbm>> -> memref<16384xf32, #tpu.memory_space<hbm>>
          %dma_wait3A_186 = arith.constant 0 : i32
          %dma_wait3A_187 = tpu.memref_slice %arg9[%dma_wait3A_186] : memref<32768xf32, #tpu.memory_space<vmem>> -> memref<16384xf32, #tpu.memory_space<vmem>>
          tpu.wait_dma2 semaphore(%arg11 : memref<!tpu.dma_semaphore, #tpu.memory_space<semaphore_mem>>) src(%dma_wait3A_187 : memref<16384xf32, #tpu.memory_space<vmem>>) dst(%dma_wait3A_185 : memref<16384xf32, #tpu.memory_space<hbm>>)
        } else {
        }
        %parallel_loop3A_147 = arith.constant 0 : i32
        %parallel_loop3A_148 = arith.constant 64 : i32
        %parallel_loop3A_149 = arith.constant 1 : i32
        scf.for %parallel_loop3A_177 = %parallel_loop3A_147 to %parallel_loop3A_148 step %parallel_loop3A_149  : i32 {
          %parallel_loop3A_178 = arith.constant 16 : i32
          %parallel_loop3A_179 = arith.muli %parallel_loop3A_177, %parallel_loop3A_178 : i32
          %parallel_loop3A_180 = arith.index_cast %select_n3A_38 : i32 to index
          %parallel_loop3A_181 = arith.index_cast %parallel_loop3A_179 : i32 to index
          %parallel_loop3A_182 = tpu.vector_load %arg8[%parallel_loop3A_180, %parallel_loop3A_181] {strides = array<i32>} : memref<2x1024xi32, #tpu.memory_space<vmem>>, vector<16xi32>,
          %parallel_loop3A_183 = arith.constant 4 : i32
          %parallel_loop3A_184 = vector.broadcast %parallel_loop3A_183 : i32 to vector<16xi32>
          %parallel_loop3A_185 = arith.shli %parallel_loop3A_182, %parallel_loop3A_184 : vector<16xi32>
          %parallel_loop3A_186 = arith.addi %parallel_loop3A_185, %iota3A : vector<16xi32>
          %parallel_loop3A_187 = arith.constant 8 : i32
          %parallel_loop3A_188 = arith.divsi %parallel_loop3A_177, %parallel_loop3A_187 : i32
          %parallel_loop3A_189 = arith.constant 0 : i32
          %parallel_loop3A_190 = arith.cmpi sgt, %parallel_loop3A_177, %parallel_loop3A_189 : i32
          %parallel_loop3A_191 = arith.extui %parallel_loop3A_190 : i1 to i32
          %parallel_loop3A_192 = arith.constant 0 : i32
          %parallel_loop3A_193 = arith.cmpi slt, %parallel_loop3A_177, %parallel_loop3A_192 : i32
          %parallel_loop3A_194 = arith.extui %parallel_loop3A_193 : i1 to i32
          %parallel_loop3A_195 = arith.subi %parallel_loop3A_191, %parallel_loop3A_194 : i32
          %parallel_loop3A_196 = arith.constant 0 : i32
          %parallel_loop3A_197 = arith.cmpi sgt, %parallel_loop3A_187, %parallel_loop3A_196 : i32
          %parallel_loop3A_198 = arith.extui %parallel_loop3A_197 : i1 to i32
          %parallel_loop3A_199 = arith.constant 0 : i32
          %parallel_loop3A_200 = arith.cmpi slt, %parallel_loop3A_187, %parallel_loop3A_199 : i32
          %parallel_loop3A_201 = arith.extui %parallel_loop3A_200 : i1 to i32
          %parallel_loop3A_202 = arith.subi %parallel_loop3A_198, %parallel_loop3A_201 : i32
          %parallel_loop3A_203 = arith.cmpi ne, %parallel_loop3A_195, %parallel_loop3A_202 : i32
          %parallel_loop3A_204 = arith.remsi %parallel_loop3A_177, %parallel_loop3A_187 : i32
          %parallel_loop3A_205 = arith.constant 0 : i32
          %parallel_loop3A_206 = arith.cmpi ne, %parallel_loop3A_204, %parallel_loop3A_205 : i32
          %parallel_loop3A_207 = arith.andi %parallel_loop3A_203, %parallel_loop3A_206 : i1
          %parallel_loop3A_208 = arith.constant 1 : i32
          %parallel_loop3A_209 = arith.subi %parallel_loop3A_188, %parallel_loop3A_208 : i32
          %parallel_loop3A_210 = arith.select %parallel_loop3A_207, %parallel_loop3A_209, %parallel_loop3A_188 : i32
          %parallel_loop3A_211 = arith.constant 1024 : i32
          %parallel_loop3A_212 = arith.muli %parallel_loop3A_210, %parallel_loop3A_211 : i32
          %parallel_loop3A_213 = arith.constant 8 : i32
          %parallel_loop3A_214 = arith.constant 0 : i32
          %parallel_loop3A_215 = arith.cmpi eq, %parallel_loop3A_213, %parallel_loop3A_214 : i32
          %parallel_loop3A_216 = arith.constant 1 : i32
          %parallel_loop3A_217 = arith.select %parallel_loop3A_215, %parallel_loop3A_216, %parallel_loop3A_213 : i32
          %parallel_loop3A_218 = arith.remsi %parallel_loop3A_177, %parallel_loop3A_217 : i32
          %parallel_loop3A_219 = arith.constant 0 : i32
          %parallel_loop3A_220 = arith.cmpi ne, %parallel_loop3A_218, %parallel_loop3A_219 : i32
          %parallel_loop3A_221 = arith.constant 0 : i32
          %parallel_loop3A_222 = arith.cmpi slt, %parallel_loop3A_218, %parallel_loop3A_221 : i32
          %parallel_loop3A_223 = arith.constant 0 : i32
          %parallel_loop3A_224 = arith.cmpi slt, %parallel_loop3A_217, %parallel_loop3A_223 : i32
          %parallel_loop3A_225 = arith.xori %parallel_loop3A_222, %parallel_loop3A_224 : i1
          %parallel_loop3A_226 = arith.andi %parallel_loop3A_225, %parallel_loop3A_220 : i1
          %parallel_loop3A_227 = arith.addi %parallel_loop3A_218, %parallel_loop3A_217 : i32
          %parallel_loop3A_228 = arith.select %parallel_loop3A_226, %parallel_loop3A_227, %parallel_loop3A_218 : i32
          %parallel_loop3A_229 = arith.constant 16 : i32
          %parallel_loop3A_230 = arith.muli %parallel_loop3A_228, %parallel_loop3A_229 : i32
          %parallel_loop3A_231 = arith.addi %parallel_loop3A_212, %parallel_loop3A_230 : i32
          %parallel_loop3A_232 = arith.constant 0 : i32
          %parallel_loop3A_233 = tpu.memref_slice %arg6[%parallel_loop3A_232] : memref<68096xf32, #tpu.memory_space<vmem>> -> memref<2128xf32, #tpu.memory_space<vmem>>
          %parallel_loop3A_234 = tpu.vector_load_idx %parallel_loop3A_233[%parallel_loop3A_186] : memref<2128xf32, #tpu.memory_space<vmem>>[vector<16xi32>], vector<16xf32>,
          %parallel_loop3A_235 = vector.broadcast %squeeze3A : f32 to vector<16xf32>
          %parallel_loop3A_236 = arith.addf %parallel_loop3A_234, %parallel_loop3A_235 : vector<16xf32>
          %parallel_loop3A_237 = arith.constant 0 : i32
          %parallel_loop3A_238 = arith.addi %parallel_loop3A_237, %parallel_loop3A_231 : i32
          %parallel_loop3A_239 = arith.constant 0 : i32
          %parallel_loop3A_240 = arith.addi %parallel_loop3A_238, %parallel_loop3A_239 : i32
          %parallel_loop3A_241 = arith.index_cast %parallel_loop3A_240 : i32 to index
          %parallel_loop3A_242 = tpu.vector_load %arg9[%parallel_loop3A_241] {strides = array<i32>} : memref<32768xf32, #tpu.memory_space<vmem>>, vector<16xf32>,
          tpu.vector_store %arg9[%parallel_loop3A_241], %parallel_loop3A_236 {strides = array<i32>} : memref<32768xf32, #tpu.memory_space<vmem>>, vector<16xf32>,
          %parallel_loop3A_243 = arith.constant 2128 : i32
          %parallel_loop3A_244 = tpu.memref_slice %arg6[%parallel_loop3A_243] : memref<68096xf32, #tpu.memory_space<vmem>> -> memref<2128xf32, #tpu.memory_space<vmem>>
          %parallel_loop3A_245 = tpu.vector_load_idx %parallel_loop3A_244[%parallel_loop3A_186] : memref<2128xf32, #tpu.memory_space<vmem>>[vector<16xi32>], vector<16xf32>,
          %parallel_loop3A_246 = vector.broadcast %squeeze3A_82 : f32 to vector<16xf32>
          %parallel_loop3A_247 = arith.addf %parallel_loop3A_245, %parallel_loop3A_246 : vector<16xf32>
          %parallel_loop3A_248 = arith.constant 0 : i32
          %parallel_loop3A_249 = arith.addi %parallel_loop3A_248, %parallel_loop3A_231 : i32
          %parallel_loop3A_250 = arith.constant 128 : i32
          %parallel_loop3A_251 = arith.addi %parallel_loop3A_249, %parallel_loop3A_250 : i32
          %parallel_loop3A_252 = arith.index_cast %parallel_loop3A_251 : i32 to index
          %parallel_loop3A_253 = tpu.vector_load %arg9[%parallel_loop3A_252] {strides = array<i32>} : memref<32768xf32, #tpu.memory_space<vmem>>, vector<16xf32>,
          tpu.vector_store %arg9[%parallel_loop3A_252], %parallel_loop3A_247 {strides = array<i32>} : memref<32768xf32, #tpu.memory_space<vmem>>, vector<16xf32>,
          %parallel_loop3A_254 = arith.constant 4256 : i32
          %parallel_loop3A_255 = tpu.memref_slice %arg6[%parallel_loop3A_254] : memref<68096xf32, #tpu.memory_space<vmem>> -> memref<2128xf32, #tpu.memory_space<vmem>>
          %parallel_loop3A_256 = tpu.vector_load_idx %parallel_loop3A_255[%parallel_loop3A_186] : memref<2128xf32, #tpu.memory_space<vmem>>[vector<16xi32>], vector<16xf32>,
          %parallel_loop3A_257 = vector.broadcast %squeeze3A_84 : f32 to vector<16xf32>
          %parallel_loop3A_258 = arith.addf %parallel_loop3A_256, %parallel_loop3A_257 : vector<16xf32>
          %parallel_loop3A_259 = arith.constant 0 : i32
          %parallel_loop3A_260 = arith.addi %parallel_loop3A_259, %parallel_loop3A_231 : i32
          %parallel_loop3A_261 = arith.constant 256 : i32
          %parallel_loop3A_262 = arith.addi %parallel_loop3A_260, %parallel_loop3A_261 : i32
          %parallel_loop3A_263 = arith.index_cast %parallel_loop3A_262 : i32 to index
          %parallel_loop3A_264 = tpu.vector_load %arg9[%parallel_loop3A_263] {strides = array<i32>} : memref<32768xf32, #tpu.memory_space<vmem>>, vector<16xf32>,
          tpu.vector_store %arg9[%parallel_loop3A_263], %parallel_loop3A_258 {strides = array<i32>} : memref<32768xf32, #tpu.memory_space<vmem>>, vector<16xf32>,
          %parallel_loop3A_265 = arith.constant 6384 : i32
          %parallel_loop3A_266 = tpu.memref_slice %arg6[%parallel_loop3A_265] : memref<68096xf32, #tpu.memory_space<vmem>> -> memref<2128xf32, #tpu.memory_space<vmem>>
          %parallel_loop3A_267 = tpu.vector_load_idx %parallel_loop3A_266[%parallel_loop3A_186] : memref<2128xf32, #tpu.memory_space<vmem>>[vector<16xi32>], vector<16xf32>,
          %parallel_loop3A_268 = vector.broadcast %squeeze3A_86 : f32 to vector<16xf32>
          %parallel_loop3A_269 = arith.addf %parallel_loop3A_267, %parallel_loop3A_268 : vector<16xf32>
          %parallel_loop3A_270 = arith.constant 0 : i32
          %parallel_loop3A_271 = arith.addi %parallel_loop3A_270, %parallel_loop3A_231 : i32
          %parallel_loop3A_272 = arith.constant 384 : i32
          %parallel_loop3A_273 = arith.addi %parallel_loop3A_271, %parallel_loop3A_272 : i32
          %parallel_loop3A_274 = arith.index_cast %parallel_loop3A_273 : i32 to index
          %parallel_loop3A_275 = tpu.vector_load %arg9[%parallel_loop3A_274] {strides = array<i32>} : memref<32768xf32, #tpu.memory_space<vmem>>, vector<16xf32>,
          tpu.vector_store %arg9[%parallel_loop3A_274], %parallel_loop3A_269 {strides = array<i32>} : memref<32768xf32, #tpu.memory_space<vmem>>, vector<16xf32>,
          %parallel_loop3A_276 = arith.constant 8512 : i32
          %parallel_loop3A_277 = tpu.memref_slice %arg6[%parallel_loop3A_276] : memref<68096xf32, #tpu.memory_space<vmem>> -> memref<2128xf32, #tpu.memory_space<vmem>>
          %parallel_loop3A_278 = tpu.vector_load_idx %parallel_loop3A_277[%parallel_loop3A_186] : memref<2128xf32, #tpu.memory_space<vmem>>[vector<16xi32>], vector<16xf32>,
          %parallel_loop3A_279 = vector.broadcast %squeeze3A_88 : f32 to vector<16xf32>
          %parallel_loop3A_280 = arith.addf %parallel_loop3A_278, %parallel_loop3A_279 : vector<16xf32>
          %parallel_loop3A_281 = arith.constant 0 : i32
          %parallel_loop3A_282 = arith.addi %parallel_loop3A_281, %parallel_loop3A_231 : i32
          %parallel_loop3A_283 = arith.constant 512 : i32
          %parallel_loop3A_284 = arith.addi %parallel_loop3A_282, %parallel_loop3A_283 : i32
          %parallel_loop3A_285 = arith.index_cast %parallel_loop3A_284 : i32 to index
          %parallel_loop3A_286 = tpu.vector_load %arg9[%parallel_loop3A_285] {strides = array<i32>} : memref<32768xf32, #tpu.memory_space<vmem>>, vector<16xf32>,
          tpu.vector_store %arg9[%parallel_loop3A_285], %parallel_loop3A_280 {strides = array<i32>} : memref<32768xf32, #tpu.memory_space<vmem>>, vector<16xf32>,
          %parallel_loop3A_287 = arith.constant 10640 : i32
          %parallel_loop3A_288 = tpu.memref_slice %arg6[%parallel_loop3A_287] : memref<68096xf32, #tpu.memory_space<vmem>> -> memref<2128xf32, #tpu.memory_space<vmem>>
          %parallel_loop3A_289 = tpu.vector_load_idx %parallel_loop3A_288[%parallel_loop3A_186] : memref<2128xf32, #tpu.memory_space<vmem>>[vector<16xi32>], vector<16xf32>,
          %parallel_loop3A_290 = vector.broadcast %squeeze3A_90 : f32 to vector<16xf32>
          %parallel_loop3A_291 = arith.addf %parallel_loop3A_289, %parallel_loop3A_290 : vector<16xf32>
          %parallel_loop3A_292 = arith.constant 0 : i32
          %parallel_loop3A_293 = arith.addi %parallel_loop3A_292, %parallel_loop3A_231 : i32
          %parallel_loop3A_294 = arith.constant 640 : i32
          %parallel_loop3A_295 = arith.addi %parallel_loop3A_293, %parallel_loop3A_294 : i32
          %parallel_loop3A_296 = arith.index_cast %parallel_loop3A_295 : i32 to index
          %parallel_loop3A_297 = tpu.vector_load %arg9[%parallel_loop3A_296] {strides = array<i32>} : memref<32768xf32, #tpu.memory_space<vmem>>, vector<16xf32>,
          tpu.vector_store %arg9[%parallel_loop3A_296], %parallel_loop3A_291 {strides = array<i32>} : memref<32768xf32, #tpu.memory_space<vmem>>, vector<16xf32>,
          %parallel_loop3A_298 = arith.constant 12768 : i32
          %parallel_loop3A_299 = tpu.memref_slice %arg6[%parallel_loop3A_298] : memref<68096xf32, #tpu.memory_space<vmem>> -> memref<2128xf32, #tpu.memory_space<vmem>>
          %parallel_loop3A_300 = tpu.vector_load_idx %parallel_loop3A_299[%parallel_loop3A_186] : memref<2128xf32, #tpu.memory_space<vmem>>[vector<16xi32>], vector<16xf32>,
          %parallel_loop3A_301 = vector.broadcast %squeeze3A_92 : f32 to vector<16xf32>
          %parallel_loop3A_302 = arith.addf %parallel_loop3A_300, %parallel_loop3A_301 : vector<16xf32>
          %parallel_loop3A_303 = arith.constant 0 : i32
          %parallel_loop3A_304 = arith.addi %parallel_loop3A_303, %parallel_loop3A_231 : i32
          %parallel_loop3A_305 = arith.constant 768 : i32
          %parallel_loop3A_306 = arith.addi %parallel_loop3A_304, %parallel_loop3A_305 : i32
          %parallel_loop3A_307 = arith.index_cast %parallel_loop3A_306 : i32 to index
          %parallel_loop3A_308 = tpu.vector_load %arg9[%parallel_loop3A_307] {strides = array<i32>} : memref<32768xf32, #tpu.memory_space<vmem>>, vector<16xf32>,
          tpu.vector_store %arg9[%parallel_loop3A_307], %parallel_loop3A_302 {strides = array<i32>} : memref<32768xf32, #tpu.memory_space<vmem>>, vector<16xf32>,
          %parallel_loop3A_309 = arith.constant 14896 : i32
          %parallel_loop3A_310 = tpu.memref_slice %arg6[%parallel_loop3A_309] : memref<68096xf32, #tpu.memory_space<vmem>> -> memref<2128xf32, #tpu.memory_space<vmem>>
          %parallel_loop3A_311 = tpu.vector_load_idx %parallel_loop3A_310[%parallel_loop3A_186] : memref<2128xf32, #tpu.memory_space<vmem>>[vector<16xi32>], vector<16xf32>,
          %parallel_loop3A_312 = vector.broadcast %squeeze3A_94 : f32 to vector<16xf32>
          %parallel_loop3A_313 = arith.addf %parallel_loop3A_311, %parallel_loop3A_312 : vector<16xf32>
          %parallel_loop3A_314 = arith.constant 0 : i32
          %parallel_loop3A_315 = arith.addi %parallel_loop3A_314, %parallel_loop3A_231 : i32
          %parallel_loop3A_316 = arith.constant 896 : i32
          %parallel_loop3A_317 = arith.addi %parallel_loop3A_315, %parallel_loop3A_316 : i32
          %parallel_loop3A_318 = arith.index_cast %parallel_loop3A_317 : i32 to index
          %parallel_loop3A_319 = tpu.vector_load %arg9[%parallel_loop3A_318] {strides = array<i32>} : memref<32768xf32, #tpu.memory_space<vmem>>, vector<16xf32>,
          tpu.vector_store %arg9[%parallel_loop3A_318], %parallel_loop3A_313 {strides = array<i32>} : memref<32768xf32, #tpu.memory_space<vmem>>, vector<16xf32>,
          %parallel_loop3A_320 = arith.constant 17024 : i32
          %parallel_loop3A_321 = tpu.memref_slice %arg6[%parallel_loop3A_320] : memref<68096xf32, #tpu.memory_space<vmem>> -> memref<2128xf32, #tpu.memory_space<vmem>>
          %parallel_loop3A_322 = tpu.vector_load_idx %parallel_loop3A_321[%parallel_loop3A_186] : memref<2128xf32, #tpu.memory_space<vmem>>[vector<16xi32>], vector<16xf32>,
          %parallel_loop3A_323 = vector.broadcast %squeeze3A_96 : f32 to vector<16xf32>
          %parallel_loop3A_324 = arith.addf %parallel_loop3A_322, %parallel_loop3A_323 : vector<16xf32>
          %parallel_loop3A_325 = arith.constant 0 : i32
          %parallel_loop3A_326 = arith.addi %parallel_loop3A_325, %parallel_loop3A_231 : i32
          %parallel_loop3A_327 = arith.constant 8192 : i32
          %parallel_loop3A_328 = arith.addi %parallel_loop3A_326, %parallel_loop3A_327 : i32
          %parallel_loop3A_329 = arith.index_cast %parallel_loop3A_328 : i32 to index
          %parallel_loop3A_330 = tpu.vector_load %arg9[%parallel_loop3A_329] {strides = array<i32>} : memref<32768xf32, #tpu.memory_space<vmem>>, vector<16xf32>,
          tpu.vector_store %arg9[%parallel_loop3A_329], %parallel_loop3A_324 {strides = array<i32>} : memref<32768xf32, #tpu.memory_space<vmem>>, vector<16xf32>,
          %parallel_loop3A_331 = arith.constant 19152 : i32
          %parallel_loop3A_332 = tpu.memref_slice %arg6[%parallel_loop3A_331] : memref<68096xf32, #tpu.memory_space<vmem>> -> memref<2128xf32, #tpu.memory_space<vmem>>
          %parallel_loop3A_333 = tpu.vector_load_idx %parallel_loop3A_332[%parallel_loop3A_186] : memref<2128xf32, #tpu.memory_space<vmem>>[vector<16xi32>], vector<16xf32>,
          %parallel_loop3A_334 = vector.broadcast %squeeze3A_98 : f32 to vector<16xf32>
          %parallel_loop3A_335 = arith.addf %parallel_loop3A_333, %parallel_loop3A_334 : vector<16xf32>
          %parallel_loop3A_336 = arith.constant 0 : i32
          %parallel_loop3A_337 = arith.addi %parallel_loop3A_336, %parallel_loop3A_231 : i32
          %parallel_loop3A_338 = arith.constant 8320 : i32
          %parallel_loop3A_339 = arith.addi %parallel_loop3A_337, %parallel_loop3A_338 : i32
          %parallel_loop3A_340 = arith.index_cast %parallel_loop3A_339 : i32 to index
          %parallel_loop3A_341 = tpu.vector_load %arg9[%parallel_loop3A_340] {strides = array<i32>} : memref<32768xf32, #tpu.memory_space<vmem>>, vector<16xf32>,
          tpu.vector_store %arg9[%parallel_loop3A_340], %parallel_loop3A_335 {strides = array<i32>} : memref<32768xf32, #tpu.memory_space<vmem>>, vector<16xf32>,
          %parallel_loop3A_342 = arith.constant 21280 : i32
          %parallel_loop3A_343 = tpu.memref_slice %arg6[%parallel_loop3A_342] : memref<68096xf32, #tpu.memory_space<vmem>> -> memref<2128xf32, #tpu.memory_space<vmem>>
          %parallel_loop3A_344 = tpu.vector_load_idx %parallel_loop3A_343[%parallel_loop3A_186] : memref<2128xf32, #tpu.memory_space<vmem>>[vector<16xi32>], vector<16xf32>,
          %parallel_loop3A_345 = vector.broadcast %squeeze3A_100 : f32 to vector<16xf32>
          %parallel_loop3A_346 = arith.addf %parallel_loop3A_344, %parallel_loop3A_345 : vector<16xf32>
          %parallel_loop3A_347 = arith.constant 0 : i32
          %parallel_loop3A_348 = arith.addi %parallel_loop3A_347, %parallel_loop3A_231 : i32
          %parallel_loop3A_349 = arith.constant 8448 : i32
          %parallel_loop3A_350 = arith.addi %parallel_loop3A_348, %parallel_loop3A_349 : i32
          %parallel_loop3A_351 = arith.index_cast %parallel_loop3A_350 : i32 to index
          %parallel_loop3A_352 = tpu.vector_load %arg9[%parallel_loop3A_351] {strides = array<i32>} : memref<32768xf32, #tpu.memory_space<vmem>>, vector<16xf32>,
          tpu.vector_store %arg9[%parallel_loop3A_351], %parallel_loop3A_346 {strides = array<i32>} : memref<32768xf32, #tpu.memory_space<vmem>>, vector<16xf32>,
          %parallel_loop3A_353 = arith.constant 23408 : i32
          %parallel_loop3A_354 = tpu.memref_slice %arg6[%parallel_loop3A_353] : memref<68096xf32, #tpu.memory_space<vmem>> -> memref<2128xf32, #tpu.memory_space<vmem>>
          %parallel_loop3A_355 = tpu.vector_load_idx %parallel_loop3A_354[%parallel_loop3A_186] : memref<2128xf32, #tpu.memory_space<vmem>>[vector<16xi32>], vector<16xf32>,
          %parallel_loop3A_356 = vector.broadcast %squeeze3A_102 : f32 to vector<16xf32>
          %parallel_loop3A_357 = arith.addf %parallel_loop3A_355, %parallel_loop3A_356 : vector<16xf32>
          %parallel_loop3A_358 = arith.constant 0 : i32
          %parallel_loop3A_359 = arith.addi %parallel_loop3A_358, %parallel_loop3A_231 : i32
          %parallel_loop3A_360 = arith.constant 8576 : i32
          %parallel_loop3A_361 = arith.addi %parallel_loop3A_359, %parallel_loop3A_360 : i32
          %parallel_loop3A_362 = arith.index_cast %parallel_loop3A_361 : i32 to index
          %parallel_loop3A_363 = tpu.vector_load %arg9[%parallel_loop3A_362] {strides = array<i32>} : memref<32768xf32, #tpu.memory_space<vmem>>, vector<16xf32>,
          tpu.vector_store %arg9[%parallel_loop3A_362], %parallel_loop3A_357 {strides = array<i32>} : memref<32768xf32, #tpu.memory_space<vmem>>, vector<16xf32>,
          %parallel_loop3A_364 = arith.constant 25536 : i32
          %parallel_loop3A_365 = tpu.memref_slice %arg6[%parallel_loop3A_364] : memref<68096xf32, #tpu.memory_space<vmem>> -> memref<2128xf32, #tpu.memory_space<vmem>>
          %parallel_loop3A_366 = tpu.vector_load_idx %parallel_loop3A_365[%parallel_loop3A_186] : memref<2128xf32, #tpu.memory_space<vmem>>[vector<16xi32>], vector<16xf32>,
          %parallel_loop3A_367 = vector.broadcast %squeeze3A_104 : f32 to vector<16xf32>
          %parallel_loop3A_368 = arith.addf %parallel_loop3A_366, %parallel_loop3A_367 : vector<16xf32>
          %parallel_loop3A_369 = arith.constant 0 : i32
          %parallel_loop3A_370 = arith.addi %parallel_loop3A_369, %parallel_loop3A_231 : i32
          %parallel_loop3A_371 = arith.constant 8704 : i32
          %parallel_loop3A_372 = arith.addi %parallel_loop3A_370, %parallel_loop3A_371 : i32
          %parallel_loop3A_373 = arith.index_cast %parallel_loop3A_372 : i32 to index
          %parallel_loop3A_374 = tpu.vector_load %arg9[%parallel_loop3A_373] {strides = array<i32>} : memref<32768xf32, #tpu.memory_space<vmem>>, vector<16xf32>,
          tpu.vector_store %arg9[%parallel_loop3A_373], %parallel_loop3A_368 {strides = array<i32>} : memref<32768xf32, #tpu.memory_space<vmem>>, vector<16xf32>,
          %parallel_loop3A_375 = arith.constant 27664 : i32
          %parallel_loop3A_376 = tpu.memref_slice %arg6[%parallel_loop3A_375] : memref<68096xf32, #tpu.memory_space<vmem>> -> memref<2128xf32, #tpu.memory_space<vmem>>
          %parallel_loop3A_377 = tpu.vector_load_idx %parallel_loop3A_376[%parallel_loop3A_186] : memref<2128xf32, #tpu.memory_space<vmem>>[vector<16xi32>], vector<16xf32>,
          %parallel_loop3A_378 = vector.broadcast %squeeze3A_106 : f32 to vector<16xf32>
          %parallel_loop3A_379 = arith.addf %parallel_loop3A_377, %parallel_loop3A_378 : vector<16xf32>
          %parallel_loop3A_380 = arith.constant 0 : i32
          %parallel_loop3A_381 = arith.addi %parallel_loop3A_380, %parallel_loop3A_231 : i32
          %parallel_loop3A_382 = arith.constant 8832 : i32
          %parallel_loop3A_383 = arith.addi %parallel_loop3A_381, %parallel_loop3A_382 : i32
          %parallel_loop3A_384 = arith.index_cast %parallel_loop3A_383 : i32 to index
          %parallel_loop3A_385 = tpu.vector_load %arg9[%parallel_loop3A_384] {strides = array<i32>} : memref<32768xf32, #tpu.memory_space<vmem>>, vector<16xf32>,
          tpu.vector_store %arg9[%parallel_loop3A_384], %parallel_loop3A_379 {strides = array<i32>} : memref<32768xf32, #tpu.memory_space<vmem>>, vector<16xf32>,
          %parallel_loop3A_386 = arith.constant 29792 : i32
          %parallel_loop3A_387 = tpu.memref_slice %arg6[%parallel_loop3A_386] : memref<68096xf32, #tpu.memory_space<vmem>> -> memref<2128xf32, #tpu.memory_space<vmem>>
          %parallel_loop3A_388 = tpu.vector_load_idx %parallel_loop3A_387[%parallel_loop3A_186] : memref<2128xf32, #tpu.memory_space<vmem>>[vector<16xi32>], vector<16xf32>,
          %parallel_loop3A_389 = vector.broadcast %squeeze3A_108 : f32 to vector<16xf32>
          %parallel_loop3A_390 = arith.addf %parallel_loop3A_388, %parallel_loop3A_389 : vector<16xf32>
          %parallel_loop3A_391 = arith.constant 0 : i32
          %parallel_loop3A_392 = arith.addi %parallel_loop3A_391, %parallel_loop3A_231 : i32
          %parallel_loop3A_393 = arith.constant 8960 : i32
          %parallel_loop3A_394 = arith.addi %parallel_loop3A_392, %parallel_loop3A_393 : i32
          %parallel_loop3A_395 = arith.index_cast %parallel_loop3A_394 : i32 to index
          %parallel_loop3A_396 = tpu.vector_load %arg9[%parallel_loop3A_395] {strides = array<i32>} : memref<32768xf32, #tpu.memory_space<vmem>>, vector<16xf32>,
          tpu.vector_store %arg9[%parallel_loop3A_395], %parallel_loop3A_390 {strides = array<i32>} : memref<32768xf32, #tpu.memory_space<vmem>>, vector<16xf32>,
          %parallel_loop3A_397 = arith.constant 31920 : i32
          %parallel_loop3A_398 = tpu.memref_slice %arg6[%parallel_loop3A_397] : memref<68096xf32, #tpu.memory_space<vmem>> -> memref<2128xf32, #tpu.memory_space<vmem>>
          %parallel_loop3A_399 = tpu.vector_load_idx %parallel_loop3A_398[%parallel_loop3A_186] : memref<2128xf32, #tpu.memory_space<vmem>>[vector<16xi32>], vector<16xf32>,
          %parallel_loop3A_400 = vector.broadcast %squeeze3A_110 : f32 to vector<16xf32>
          %parallel_loop3A_401 = arith.addf %parallel_loop3A_399, %parallel_loop3A_400 : vector<16xf32>
          %parallel_loop3A_402 = arith.constant 0 : i32
          %parallel_loop3A_403 = arith.addi %parallel_loop3A_402, %parallel_loop3A_231 : i32
          %parallel_loop3A_404 = arith.constant 9088 : i32
          %parallel_loop3A_405 = arith.addi %parallel_loop3A_403, %parallel_loop3A_404 : i32
          %parallel_loop3A_406 = arith.index_cast %parallel_loop3A_405 : i32 to index
          %parallel_loop3A_407 = tpu.vector_load %arg9[%parallel_loop3A_406] {strides = array<i32>} : memref<32768xf32, #tpu.memory_space<vmem>>, vector<16xf32>,
          tpu.vector_store %arg9[%parallel_loop3A_406], %parallel_loop3A_401 {strides = array<i32>} : memref<32768xf32, #tpu.memory_space<vmem>>, vector<16xf32>,
        } {sc.loop_unroll_factor = 4 : i64, sc.parallel_access}
        %dma_start3A = arith.constant 0 : i32
        %dma_start3A_150 = tpu.memref_slice %arg9[%dma_start3A] : memref<32768xf32, #tpu.memory_space<vmem>> -> memref<16384xf32, #tpu.memory_space<vmem>>
        %dma_start3A_151 = arith.constant 0 : i32
        %dma_start3A_152 = tpu.memref_slice %arg5[%add3A_23, %dma_start3A_151] : memref<802x32768xf32, #tpu.memory_space<hbm>> -> memref<1x16384xf32, #tpu.memory_space<hbm>>
        %dma_start3A_153 = tpu.memref_squeeze %dma_start3A_152 : memref<1x16384xf32, #tpu.memory_space<hbm>> -> memref<16384xf32, #tpu.memory_space<hbm>>
        %dma_start3A_154 = arith.constant 0 : i32
        %dma_start3A_155 = tpu.memref_slice %arg5[%add3A_23, %dma_start3A_154] : memref<802x32768xf32, #tpu.memory_space<hbm>> -> memref<1x16384xf32, #tpu.memory_space<hbm>>
        %dma_start3A_156 = tpu.memref_squeeze %dma_start3A_155 : memref<1x16384xf32, #tpu.memory_space<hbm>> -> memref<16384xf32, #tpu.memory_space<hbm>>
        %dma_start3A_157 = arith.constant 0 : i32
        %dma_start3A_158 = tpu.memref_slice %arg9[%dma_start3A_157] : memref<32768xf32, #tpu.memory_space<vmem>> -> memref<16384xf32, #tpu.memory_space<vmem>>
        tpu.enqueue_dma source(%dma_start3A_158 : memref<16384xf32, #tpu.memory_space<vmem>>) target(%dma_start3A_156 : memref<16384xf32, #tpu.memory_space<hbm>>) target_semaphore(%arg11 : memref<!tpu.dma_semaphore, #tpu.memory_space<semaphore_mem>>)
        %gt3A_159 = arith.constant 0 : i32
        %gt3A_160 = arith.cmpi sgt, %add3A_22, %gt3A_159 : i32
        %convert_element_type3A_161 = arith.extui %gt3A_160 : i1 to i32
        %cond3A_162 = arith.constant 0 : i32
        %cond3A_163 = arith.cmpi ne, %convert_element_type3A_161, %cond3A_162 : i32
        scf.if %cond3A_163 {
          %dma_wait3A_177 = arith.constant 0 : i32
          %dma_wait3A_178 = arith.constant 0 : i32
          %dma_wait3A_179 = tpu.memref_slice %arg9[%dma_wait3A_178] : memref<32768xf32, #tpu.memory_space<vmem>> -> memref<16384xf32, #tpu.memory_space<vmem>>
          %dma_wait3A_180 = arith.constant 0 : i32
          %dma_wait3A_181 = tpu.memref_slice %arg5[%dma_wait3A_177, %dma_wait3A_180] : memref<802x32768xf32, #tpu.memory_space<hbm>> -> memref<1x16384xf32, #tpu.memory_space<hbm>>
          %dma_wait3A_182 = tpu.memref_squeeze %dma_wait3A_181 : memref<1x16384xf32, #tpu.memory_space<hbm>> -> memref<16384xf32, #tpu.memory_space<hbm>>
          %dma_wait3A_183 = arith.constant 0 : i32
          %dma_wait3A_184 = tpu.memref_slice %arg5[%dma_wait3A_177, %dma_wait3A_183] : memref<802x32768xf32, #tpu.memory_space<hbm>> -> memref<1x16384xf32, #tpu.memory_space<hbm>>
          %dma_wait3A_185 = tpu.memref_squeeze %dma_wait3A_184 : memref<1x16384xf32, #tpu.memory_space<hbm>> -> memref<16384xf32, #tpu.memory_space<hbm>>
          %dma_wait3A_186 = arith.constant 0 : i32
          %dma_wait3A_187 = tpu.memref_slice %arg9[%dma_wait3A_186] : memref<32768xf32, #tpu.memory_space<vmem>> -> memref<16384xf32, #tpu.memory_space<vmem>>
          tpu.wait_dma2 semaphore(%arg12 : memref<!tpu.dma_semaphore, #tpu.memory_space<semaphore_mem>>) src(%dma_wait3A_187 : memref<16384xf32, #tpu.memory_space<vmem>>) dst(%dma_wait3A_185 : memref<16384xf32, #tpu.memory_space<hbm>>)
        } else {
        }
        %parallel_loop3A_164 = arith.constant 0 : i32
        %parallel_loop3A_165 = arith.constant 64 : i32
        %parallel_loop3A_166 = arith.constant 1 : i32
        scf.for %parallel_loop3A_177 = %parallel_loop3A_164 to %parallel_loop3A_165 step %parallel_loop3A_166  : i32 {
          %parallel_loop3A_178 = arith.constant 16 : i32
          %parallel_loop3A_179 = arith.muli %parallel_loop3A_177, %parallel_loop3A_178 : i32
          %parallel_loop3A_180 = arith.index_cast %select_n3A_38 : i32 to index
          %parallel_loop3A_181 = arith.index_cast %parallel_loop3A_179 : i32 to index
          %parallel_loop3A_182 = tpu.vector_load %arg8[%parallel_loop3A_180, %parallel_loop3A_181] {strides = array<i32>} : memref<2x1024xi32, #tpu.memory_space<vmem>>, vector<16xi32>,
          %parallel_loop3A_183 = arith.constant 4 : i32
          %parallel_loop3A_184 = vector.broadcast %parallel_loop3A_183 : i32 to vector<16xi32>
          %parallel_loop3A_185 = arith.shli %parallel_loop3A_182, %parallel_loop3A_184 : vector<16xi32>
          %parallel_loop3A_186 = arith.addi %parallel_loop3A_185, %iota3A : vector<16xi32>
          %parallel_loop3A_187 = arith.constant 8 : i32
          %parallel_loop3A_188 = arith.divsi %parallel_loop3A_177, %parallel_loop3A_187 : i32
          %parallel_loop3A_189 = arith.constant 0 : i32
          %parallel_loop3A_190 = arith.cmpi sgt, %parallel_loop3A_177, %parallel_loop3A_189 : i32
          %parallel_loop3A_191 = arith.extui %parallel_loop3A_190 : i1 to i32
          %parallel_loop3A_192 = arith.constant 0 : i32
          %parallel_loop3A_193 = arith.cmpi slt, %parallel_loop3A_177, %parallel_loop3A_192 : i32
          %parallel_loop3A_194 = arith.extui %parallel_loop3A_193 : i1 to i32
          %parallel_loop3A_195 = arith.subi %parallel_loop3A_191, %parallel_loop3A_194 : i32
          %parallel_loop3A_196 = arith.constant 0 : i32
          %parallel_loop3A_197 = arith.cmpi sgt, %parallel_loop3A_187, %parallel_loop3A_196 : i32
          %parallel_loop3A_198 = arith.extui %parallel_loop3A_197 : i1 to i32
          %parallel_loop3A_199 = arith.constant 0 : i32
          %parallel_loop3A_200 = arith.cmpi slt, %parallel_loop3A_187, %parallel_loop3A_199 : i32
          %parallel_loop3A_201 = arith.extui %parallel_loop3A_200 : i1 to i32
          %parallel_loop3A_202 = arith.subi %parallel_loop3A_198, %parallel_loop3A_201 : i32
          %parallel_loop3A_203 = arith.cmpi ne, %parallel_loop3A_195, %parallel_loop3A_202 : i32
          %parallel_loop3A_204 = arith.remsi %parallel_loop3A_177, %parallel_loop3A_187 : i32
          %parallel_loop3A_205 = arith.constant 0 : i32
          %parallel_loop3A_206 = arith.cmpi ne, %parallel_loop3A_204, %parallel_loop3A_205 : i32
          %parallel_loop3A_207 = arith.andi %parallel_loop3A_203, %parallel_loop3A_206 : i1
          %parallel_loop3A_208 = arith.constant 1 : i32
          %parallel_loop3A_209 = arith.subi %parallel_loop3A_188, %parallel_loop3A_208 : i32
          %parallel_loop3A_210 = arith.select %parallel_loop3A_207, %parallel_loop3A_209, %parallel_loop3A_188 : i32
          %parallel_loop3A_211 = arith.constant 1024 : i32
          %parallel_loop3A_212 = arith.muli %parallel_loop3A_210, %parallel_loop3A_211 : i32
          %parallel_loop3A_213 = arith.constant 8 : i32
          %parallel_loop3A_214 = arith.constant 0 : i32
          %parallel_loop3A_215 = arith.cmpi eq, %parallel_loop3A_213, %parallel_loop3A_214 : i32
          %parallel_loop3A_216 = arith.constant 1 : i32
          %parallel_loop3A_217 = arith.select %parallel_loop3A_215, %parallel_loop3A_216, %parallel_loop3A_213 : i32
          %parallel_loop3A_218 = arith.remsi %parallel_loop3A_177, %parallel_loop3A_217 : i32
          %parallel_loop3A_219 = arith.constant 0 : i32
          %parallel_loop3A_220 = arith.cmpi ne, %parallel_loop3A_218, %parallel_loop3A_219 : i32
          %parallel_loop3A_221 = arith.constant 0 : i32
          %parallel_loop3A_222 = arith.cmpi slt, %parallel_loop3A_218, %parallel_loop3A_221 : i32
          %parallel_loop3A_223 = arith.constant 0 : i32
          %parallel_loop3A_224 = arith.cmpi slt, %parallel_loop3A_217, %parallel_loop3A_223 : i32
          %parallel_loop3A_225 = arith.xori %parallel_loop3A_222, %parallel_loop3A_224 : i1
          %parallel_loop3A_226 = arith.andi %parallel_loop3A_225, %parallel_loop3A_220 : i1
          %parallel_loop3A_227 = arith.addi %parallel_loop3A_218, %parallel_loop3A_217 : i32
          %parallel_loop3A_228 = arith.select %parallel_loop3A_226, %parallel_loop3A_227, %parallel_loop3A_218 : i32
          %parallel_loop3A_229 = arith.constant 16 : i32
          %parallel_loop3A_230 = arith.muli %parallel_loop3A_228, %parallel_loop3A_229 : i32
          %parallel_loop3A_231 = arith.addi %parallel_loop3A_212, %parallel_loop3A_230 : i32
          %parallel_loop3A_232 = arith.constant 34048 : i32
          %parallel_loop3A_233 = tpu.memref_slice %arg6[%parallel_loop3A_232] : memref<68096xf32, #tpu.memory_space<vmem>> -> memref<2128xf32, #tpu.memory_space<vmem>>
          %parallel_loop3A_234 = tpu.vector_load_idx %parallel_loop3A_233[%parallel_loop3A_186] : memref<2128xf32, #tpu.memory_space<vmem>>[vector<16xi32>], vector<16xf32>,
          %parallel_loop3A_235 = vector.broadcast %squeeze3A_112 : f32 to vector<16xf32>
          %parallel_loop3A_236 = arith.addf %parallel_loop3A_234, %parallel_loop3A_235 : vector<16xf32>
          %parallel_loop3A_237 = arith.constant 16384 : i32
          %parallel_loop3A_238 = arith.addi %parallel_loop3A_237, %parallel_loop3A_231 : i32
          %parallel_loop3A_239 = arith.constant 0 : i32
          %parallel_loop3A_240 = arith.addi %parallel_loop3A_238, %parallel_loop3A_239 : i32
          %parallel_loop3A_241 = arith.index_cast %parallel_loop3A_240 : i32 to index
          %parallel_loop3A_242 = tpu.vector_load %arg9[%parallel_loop3A_241] {strides = array<i32>} : memref<32768xf32, #tpu.memory_space<vmem>>, vector<16xf32>,
          tpu.vector_store %arg9[%parallel_loop3A_241], %parallel_loop3A_236 {strides = array<i32>} : memref<32768xf32, #tpu.memory_space<vmem>>, vector<16xf32>,
          %parallel_loop3A_243 = arith.constant 36176 : i32
          %parallel_loop3A_244 = tpu.memref_slice %arg6[%parallel_loop3A_243] : memref<68096xf32, #tpu.memory_space<vmem>> -> memref<2128xf32, #tpu.memory_space<vmem>>
          %parallel_loop3A_245 = tpu.vector_load_idx %parallel_loop3A_244[%parallel_loop3A_186] : memref<2128xf32, #tpu.memory_space<vmem>>[vector<16xi32>], vector<16xf32>,
          %parallel_loop3A_246 = vector.broadcast %squeeze3A_114 : f32 to vector<16xf32>
          %parallel_loop3A_247 = arith.addf %parallel_loop3A_245, %parallel_loop3A_246 : vector<16xf32>
          %parallel_loop3A_248 = arith.constant 16384 : i32
          %parallel_loop3A_249 = arith.addi %parallel_loop3A_248, %parallel_loop3A_231 : i32
          %parallel_loop3A_250 = arith.constant 128 : i32
          %parallel_loop3A_251 = arith.addi %parallel_loop3A_249, %parallel_loop3A_250 : i32
          %parallel_loop3A_252 = arith.index_cast %parallel_loop3A_251 : i32 to index
          %parallel_loop3A_253 = tpu.vector_load %arg9[%parallel_loop3A_252] {strides = array<i32>} : memref<32768xf32, #tpu.memory_space<vmem>>, vector<16xf32>,
          tpu.vector_store %arg9[%parallel_loop3A_252], %parallel_loop3A_247 {strides = array<i32>} : memref<32768xf32, #tpu.memory_space<vmem>>, vector<16xf32>,
          %parallel_loop3A_254 = arith.constant 38304 : i32
          %parallel_loop3A_255 = tpu.memref_slice %arg6[%parallel_loop3A_254] : memref<68096xf32, #tpu.memory_space<vmem>> -> memref<2128xf32, #tpu.memory_space<vmem>>
          %parallel_loop3A_256 = tpu.vector_load_idx %parallel_loop3A_255[%parallel_loop3A_186] : memref<2128xf32, #tpu.memory_space<vmem>>[vector<16xi32>], vector<16xf32>,
          %parallel_loop3A_257 = vector.broadcast %squeeze3A_116 : f32 to vector<16xf32>
          %parallel_loop3A_258 = arith.addf %parallel_loop3A_256, %parallel_loop3A_257 : vector<16xf32>
          %parallel_loop3A_259 = arith.constant 16384 : i32
          %parallel_loop3A_260 = arith.addi %parallel_loop3A_259, %parallel_loop3A_231 : i32
          %parallel_loop3A_261 = arith.constant 256 : i32
          %parallel_loop3A_262 = arith.addi %parallel_loop3A_260, %parallel_loop3A_261 : i32
          %parallel_loop3A_263 = arith.index_cast %parallel_loop3A_262 : i32 to index
          %parallel_loop3A_264 = tpu.vector_load %arg9[%parallel_loop3A_263] {strides = array<i32>} : memref<32768xf32, #tpu.memory_space<vmem>>, vector<16xf32>,
          tpu.vector_store %arg9[%parallel_loop3A_263], %parallel_loop3A_258 {strides = array<i32>} : memref<32768xf32, #tpu.memory_space<vmem>>, vector<16xf32>,
          %parallel_loop3A_265 = arith.constant 40432 : i32
          %parallel_loop3A_266 = tpu.memref_slice %arg6[%parallel_loop3A_265] : memref<68096xf32, #tpu.memory_space<vmem>> -> memref<2128xf32, #tpu.memory_space<vmem>>
          %parallel_loop3A_267 = tpu.vector_load_idx %parallel_loop3A_266[%parallel_loop3A_186] : memref<2128xf32, #tpu.memory_space<vmem>>[vector<16xi32>], vector<16xf32>,
          %parallel_loop3A_268 = vector.broadcast %squeeze3A_118 : f32 to vector<16xf32>
          %parallel_loop3A_269 = arith.addf %parallel_loop3A_267, %parallel_loop3A_268 : vector<16xf32>
          %parallel_loop3A_270 = arith.constant 16384 : i32
          %parallel_loop3A_271 = arith.addi %parallel_loop3A_270, %parallel_loop3A_231 : i32
          %parallel_loop3A_272 = arith.constant 384 : i32
          %parallel_loop3A_273 = arith.addi %parallel_loop3A_271, %parallel_loop3A_272 : i32
          %parallel_loop3A_274 = arith.index_cast %parallel_loop3A_273 : i32 to index
          %parallel_loop3A_275 = tpu.vector_load %arg9[%parallel_loop3A_274] {strides = array<i32>} : memref<32768xf32, #tpu.memory_space<vmem>>, vector<16xf32>,
          tpu.vector_store %arg9[%parallel_loop3A_274], %parallel_loop3A_269 {strides = array<i32>} : memref<32768xf32, #tpu.memory_space<vmem>>, vector<16xf32>,
          %parallel_loop3A_276 = arith.constant 42560 : i32
          %parallel_loop3A_277 = tpu.memref_slice %arg6[%parallel_loop3A_276] : memref<68096xf32, #tpu.memory_space<vmem>> -> memref<2128xf32, #tpu.memory_space<vmem>>
          %parallel_loop3A_278 = tpu.vector_load_idx %parallel_loop3A_277[%parallel_loop3A_186] : memref<2128xf32, #tpu.memory_space<vmem>>[vector<16xi32>], vector<16xf32>,
          %parallel_loop3A_279 = vector.broadcast %squeeze3A_120 : f32 to vector<16xf32>
          %parallel_loop3A_280 = arith.addf %parallel_loop3A_278, %parallel_loop3A_279 : vector<16xf32>
          %parallel_loop3A_281 = arith.constant 16384 : i32
          %parallel_loop3A_282 = arith.addi %parallel_loop3A_281, %parallel_loop3A_231 : i32
          %parallel_loop3A_283 = arith.constant 512 : i32
          %parallel_loop3A_284 = arith.addi %parallel_loop3A_282, %parallel_loop3A_283 : i32
          %parallel_loop3A_285 = arith.index_cast %parallel_loop3A_284 : i32 to index
          %parallel_loop3A_286 = tpu.vector_load %arg9[%parallel_loop3A_285] {strides = array<i32>} : memref<32768xf32, #tpu.memory_space<vmem>>, vector<16xf32>,
          tpu.vector_store %arg9[%parallel_loop3A_285], %parallel_loop3A_280 {strides = array<i32>} : memref<32768xf32, #tpu.memory_space<vmem>>, vector<16xf32>,
          %parallel_loop3A_287 = arith.constant 44688 : i32
          %parallel_loop3A_288 = tpu.memref_slice %arg6[%parallel_loop3A_287] : memref<68096xf32, #tpu.memory_space<vmem>> -> memref<2128xf32, #tpu.memory_space<vmem>>
          %parallel_loop3A_289 = tpu.vector_load_idx %parallel_loop3A_288[%parallel_loop3A_186] : memref<2128xf32, #tpu.memory_space<vmem>>[vector<16xi32>], vector<16xf32>,
          %parallel_loop3A_290 = vector.broadcast %squeeze3A_122 : f32 to vector<16xf32>
          %parallel_loop3A_291 = arith.addf %parallel_loop3A_289, %parallel_loop3A_290 : vector<16xf32>
          %parallel_loop3A_292 = arith.constant 16384 : i32
          %parallel_loop3A_293 = arith.addi %parallel_loop3A_292, %parallel_loop3A_231 : i32
          %parallel_loop3A_294 = arith.constant 640 : i32
          %parallel_loop3A_295 = arith.addi %parallel_loop3A_293, %parallel_loop3A_294 : i32
          %parallel_loop3A_296 = arith.index_cast %parallel_loop3A_295 : i32 to index
          %parallel_loop3A_297 = tpu.vector_load %arg9[%parallel_loop3A_296] {strides = array<i32>} : memref<32768xf32, #tpu.memory_space<vmem>>, vector<16xf32>,
          tpu.vector_store %arg9[%parallel_loop3A_296], %parallel_loop3A_291 {strides = array<i32>} : memref<32768xf32, #tpu.memory_space<vmem>>, vector<16xf32>,
          %parallel_loop3A_298 = arith.constant 46816 : i32
          %parallel_loop3A_299 = tpu.memref_slice %arg6[%parallel_loop3A_298] : memref<68096xf32, #tpu.memory_space<vmem>> -> memref<2128xf32, #tpu.memory_space<vmem>>
          %parallel_loop3A_300 = tpu.vector_load_idx %parallel_loop3A_299[%parallel_loop3A_186] : memref<2128xf32, #tpu.memory_space<vmem>>[vector<16xi32>], vector<16xf32>,
          %parallel_loop3A_301 = vector.broadcast %squeeze3A_124 : f32 to vector<16xf32>
          %parallel_loop3A_302 = arith.addf %parallel_loop3A_300, %parallel_loop3A_301 : vector<16xf32>
          %parallel_loop3A_303 = arith.constant 16384 : i32
          %parallel_loop3A_304 = arith.addi %parallel_loop3A_303, %parallel_loop3A_231 : i32
          %parallel_loop3A_305 = arith.constant 768 : i32
          %parallel_loop3A_306 = arith.addi %parallel_loop3A_304, %parallel_loop3A_305 : i32
          %parallel_loop3A_307 = arith.index_cast %parallel_loop3A_306 : i32 to index
          %parallel_loop3A_308 = tpu.vector_load %arg9[%parallel_loop3A_307] {strides = array<i32>} : memref<32768xf32, #tpu.memory_space<vmem>>, vector<16xf32>,
          tpu.vector_store %arg9[%parallel_loop3A_307], %parallel_loop3A_302 {strides = array<i32>} : memref<32768xf32, #tpu.memory_space<vmem>>, vector<16xf32>,
          %parallel_loop3A_309 = arith.constant 48944 : i32
          %parallel_loop3A_310 = tpu.memref_slice %arg6[%parallel_loop3A_309] : memref<68096xf32, #tpu.memory_space<vmem>> -> memref<2128xf32, #tpu.memory_space<vmem>>
          %parallel_loop3A_311 = tpu.vector_load_idx %parallel_loop3A_310[%parallel_loop3A_186] : memref<2128xf32, #tpu.memory_space<vmem>>[vector<16xi32>], vector<16xf32>,
          %parallel_loop3A_312 = vector.broadcast %squeeze3A_126 : f32 to vector<16xf32>
          %parallel_loop3A_313 = arith.addf %parallel_loop3A_311, %parallel_loop3A_312 : vector<16xf32>
          %parallel_loop3A_314 = arith.constant 16384 : i32
          %parallel_loop3A_315 = arith.addi %parallel_loop3A_314, %parallel_loop3A_231 : i32
          %parallel_loop3A_316 = arith.constant 896 : i32
          %parallel_loop3A_317 = arith.addi %parallel_loop3A_315, %parallel_loop3A_316 : i32
          %parallel_loop3A_318 = arith.index_cast %parallel_loop3A_317 : i32 to index
          %parallel_loop3A_319 = tpu.vector_load %arg9[%parallel_loop3A_318] {strides = array<i32>} : memref<32768xf32, #tpu.memory_space<vmem>>, vector<16xf32>,
          tpu.vector_store %arg9[%parallel_loop3A_318], %parallel_loop3A_313 {strides = array<i32>} : memref<32768xf32, #tpu.memory_space<vmem>>, vector<16xf32>,
          %parallel_loop3A_320 = arith.constant 51072 : i32
          %parallel_loop3A_321 = tpu.memref_slice %arg6[%parallel_loop3A_320] : memref<68096xf32, #tpu.memory_space<vmem>> -> memref<2128xf32, #tpu.memory_space<vmem>>
          %parallel_loop3A_322 = tpu.vector_load_idx %parallel_loop3A_321[%parallel_loop3A_186] : memref<2128xf32, #tpu.memory_space<vmem>>[vector<16xi32>], vector<16xf32>,
          %parallel_loop3A_323 = vector.broadcast %squeeze3A_128 : f32 to vector<16xf32>
          %parallel_loop3A_324 = arith.addf %parallel_loop3A_322, %parallel_loop3A_323 : vector<16xf32>
          %parallel_loop3A_325 = arith.constant 16384 : i32
          %parallel_loop3A_326 = arith.addi %parallel_loop3A_325, %parallel_loop3A_231 : i32
          %parallel_loop3A_327 = arith.constant 8192 : i32
          %parallel_loop3A_328 = arith.addi %parallel_loop3A_326, %parallel_loop3A_327 : i32
          %parallel_loop3A_329 = arith.index_cast %parallel_loop3A_328 : i32 to index
          %parallel_loop3A_330 = tpu.vector_load %arg9[%parallel_loop3A_329] {strides = array<i32>} : memref<32768xf32, #tpu.memory_space<vmem>>, vector<16xf32>,
          tpu.vector_store %arg9[%parallel_loop3A_329], %parallel_loop3A_324 {strides = array<i32>} : memref<32768xf32, #tpu.memory_space<vmem>>, vector<16xf32>,
          %parallel_loop3A_331 = arith.constant 53200 : i32
          %parallel_loop3A_332 = tpu.memref_slice %arg6[%parallel_loop3A_331] : memref<68096xf32, #tpu.memory_space<vmem>> -> memref<2128xf32, #tpu.memory_space<vmem>>
          %parallel_loop3A_333 = tpu.vector_load_idx %parallel_loop3A_332[%parallel_loop3A_186] : memref<2128xf32, #tpu.memory_space<vmem>>[vector<16xi32>], vector<16xf32>,
          %parallel_loop3A_334 = vector.broadcast %squeeze3A_130 : f32 to vector<16xf32>
          %parallel_loop3A_335 = arith.addf %parallel_loop3A_333, %parallel_loop3A_334 : vector<16xf32>
          %parallel_loop3A_336 = arith.constant 16384 : i32
          %parallel_loop3A_337 = arith.addi %parallel_loop3A_336, %parallel_loop3A_231 : i32
          %parallel_loop3A_338 = arith.constant 8320 : i32
          %parallel_loop3A_339 = arith.addi %parallel_loop3A_337, %parallel_loop3A_338 : i32
          %parallel_loop3A_340 = arith.index_cast %parallel_loop3A_339 : i32 to index
          %parallel_loop3A_341 = tpu.vector_load %arg9[%parallel_loop3A_340] {strides = array<i32>} : memref<32768xf32, #tpu.memory_space<vmem>>, vector<16xf32>,
          tpu.vector_store %arg9[%parallel_loop3A_340], %parallel_loop3A_335 {strides = array<i32>} : memref<32768xf32, #tpu.memory_space<vmem>>, vector<16xf32>,
          %parallel_loop3A_342 = arith.constant 55328 : i32
          %parallel_loop3A_343 = tpu.memref_slice %arg6[%parallel_loop3A_342] : memref<68096xf32, #tpu.memory_space<vmem>> -> memref<2128xf32, #tpu.memory_space<vmem>>
          %parallel_loop3A_344 = tpu.vector_load_idx %parallel_loop3A_343[%parallel_loop3A_186] : memref<2128xf32, #tpu.memory_space<vmem>>[vector<16xi32>], vector<16xf32>,
          %parallel_loop3A_345 = vector.broadcast %squeeze3A_132 : f32 to vector<16xf32>
          %parallel_loop3A_346 = arith.addf %parallel_loop3A_344, %parallel_loop3A_345 : vector<16xf32>
          %parallel_loop3A_347 = arith.constant 16384 : i32
          %parallel_loop3A_348 = arith.addi %parallel_loop3A_347, %parallel_loop3A_231 : i32
          %parallel_loop3A_349 = arith.constant 8448 : i32
          %parallel_loop3A_350 = arith.addi %parallel_loop3A_348, %parallel_loop3A_349 : i32
          %parallel_loop3A_351 = arith.index_cast %parallel_loop3A_350 : i32 to index
          %parallel_loop3A_352 = tpu.vector_load %arg9[%parallel_loop3A_351] {strides = array<i32>} : memref<32768xf32, #tpu.memory_space<vmem>>, vector<16xf32>,
          tpu.vector_store %arg9[%parallel_loop3A_351], %parallel_loop3A_346 {strides = array<i32>} : memref<32768xf32, #tpu.memory_space<vmem>>, vector<16xf32>,
          %parallel_loop3A_353 = arith.constant 57456 : i32
          %parallel_loop3A_354 = tpu.memref_slice %arg6[%parallel_loop3A_353] : memref<68096xf32, #tpu.memory_space<vmem>> -> memref<2128xf32, #tpu.memory_space<vmem>>
          %parallel_loop3A_355 = tpu.vector_load_idx %parallel_loop3A_354[%parallel_loop3A_186] : memref<2128xf32, #tpu.memory_space<vmem>>[vector<16xi32>], vector<16xf32>,
          %parallel_loop3A_356 = vector.broadcast %squeeze3A_134 : f32 to vector<16xf32>
          %parallel_loop3A_357 = arith.addf %parallel_loop3A_355, %parallel_loop3A_356 : vector<16xf32>
          %parallel_loop3A_358 = arith.constant 16384 : i32
          %parallel_loop3A_359 = arith.addi %parallel_loop3A_358, %parallel_loop3A_231 : i32
          %parallel_loop3A_360 = arith.constant 8576 : i32
          %parallel_loop3A_361 = arith.addi %parallel_loop3A_359, %parallel_loop3A_360 : i32
          %parallel_loop3A_362 = arith.index_cast %parallel_loop3A_361 : i32 to index
          %parallel_loop3A_363 = tpu.vector_load %arg9[%parallel_loop3A_362] {strides = array<i32>} : memref<32768xf32, #tpu.memory_space<vmem>>, vector<16xf32>,
          tpu.vector_store %arg9[%parallel_loop3A_362], %parallel_loop3A_357 {strides = array<i32>} : memref<32768xf32, #tpu.memory_space<vmem>>, vector<16xf32>,
          %parallel_loop3A_364 = arith.constant 59584 : i32
          %parallel_loop3A_365 = tpu.memref_slice %arg6[%parallel_loop3A_364] : memref<68096xf32, #tpu.memory_space<vmem>> -> memref<2128xf32, #tpu.memory_space<vmem>>
          %parallel_loop3A_366 = tpu.vector_load_idx %parallel_loop3A_365[%parallel_loop3A_186] : memref<2128xf32, #tpu.memory_space<vmem>>[vector<16xi32>], vector<16xf32>,
          %parallel_loop3A_367 = vector.broadcast %squeeze3A_136 : f32 to vector<16xf32>
          %parallel_loop3A_368 = arith.addf %parallel_loop3A_366, %parallel_loop3A_367 : vector<16xf32>
          %parallel_loop3A_369 = arith.constant 16384 : i32
          %parallel_loop3A_370 = arith.addi %parallel_loop3A_369, %parallel_loop3A_231 : i32
          %parallel_loop3A_371 = arith.constant 8704 : i32
          %parallel_loop3A_372 = arith.addi %parallel_loop3A_370, %parallel_loop3A_371 : i32
          %parallel_loop3A_373 = arith.index_cast %parallel_loop3A_372 : i32 to index
          %parallel_loop3A_374 = tpu.vector_load %arg9[%parallel_loop3A_373] {strides = array<i32>} : memref<32768xf32, #tpu.memory_space<vmem>>, vector<16xf32>,
          tpu.vector_store %arg9[%parallel_loop3A_373], %parallel_loop3A_368 {strides = array<i32>} : memref<32768xf32, #tpu.memory_space<vmem>>, vector<16xf32>,
          %parallel_loop3A_375 = arith.constant 61712 : i32
          %parallel_loop3A_376 = tpu.memref_slice %arg6[%parallel_loop3A_375] : memref<68096xf32, #tpu.memory_space<vmem>> -> memref<2128xf32, #tpu.memory_space<vmem>>
          %parallel_loop3A_377 = tpu.vector_load_idx %parallel_loop3A_376[%parallel_loop3A_186] : memref<2128xf32, #tpu.memory_space<vmem>>[vector<16xi32>], vector<16xf32>,
          %parallel_loop3A_378 = vector.broadcast %squeeze3A_138 : f32 to vector<16xf32>
          %parallel_loop3A_379 = arith.addf %parallel_loop3A_377, %parallel_loop3A_378 : vector<16xf32>
          %parallel_loop3A_380 = arith.constant 16384 : i32
          %parallel_loop3A_381 = arith.addi %parallel_loop3A_380, %parallel_loop3A_231 : i32
          %parallel_loop3A_382 = arith.constant 8832 : i32
          %parallel_loop3A_383 = arith.addi %parallel_loop3A_381, %parallel_loop3A_382 : i32
          %parallel_loop3A_384 = arith.index_cast %parallel_loop3A_383 : i32 to index
          %parallel_loop3A_385 = tpu.vector_load %arg9[%parallel_loop3A_384] {strides = array<i32>} : memref<32768xf32, #tpu.memory_space<vmem>>, vector<16xf32>,
          tpu.vector_store %arg9[%parallel_loop3A_384], %parallel_loop3A_379 {strides = array<i32>} : memref<32768xf32, #tpu.memory_space<vmem>>, vector<16xf32>,
          %parallel_loop3A_386 = arith.constant 63840 : i32
          %parallel_loop3A_387 = tpu.memref_slice %arg6[%parallel_loop3A_386] : memref<68096xf32, #tpu.memory_space<vmem>> -> memref<2128xf32, #tpu.memory_space<vmem>>
          %parallel_loop3A_388 = tpu.vector_load_idx %parallel_loop3A_387[%parallel_loop3A_186] : memref<2128xf32, #tpu.memory_space<vmem>>[vector<16xi32>], vector<16xf32>,
          %parallel_loop3A_389 = vector.broadcast %squeeze3A_140 : f32 to vector<16xf32>
          %parallel_loop3A_390 = arith.addf %parallel_loop3A_388, %parallel_loop3A_389 : vector<16xf32>
          %parallel_loop3A_391 = arith.constant 16384 : i32
          %parallel_loop3A_392 = arith.addi %parallel_loop3A_391, %parallel_loop3A_231 : i32
          %parallel_loop3A_393 = arith.constant 8960 : i32
          %parallel_loop3A_394 = arith.addi %parallel_loop3A_392, %parallel_loop3A_393 : i32
          %parallel_loop3A_395 = arith.index_cast %parallel_loop3A_394 : i32 to index
          %parallel_loop3A_396 = tpu.vector_load %arg9[%parallel_loop3A_395] {strides = array<i32>} : memref<32768xf32, #tpu.memory_space<vmem>>, vector<16xf32>,
          tpu.vector_store %arg9[%parallel_loop3A_395], %parallel_loop3A_390 {strides = array<i32>} : memref<32768xf32, #tpu.memory_space<vmem>>, vector<16xf32>,
          %parallel_loop3A_397 = arith.constant 65968 : i32
          %parallel_loop3A_398 = tpu.memref_slice %arg6[%parallel_loop3A_397] : memref<68096xf32, #tpu.memory_space<vmem>> -> memref<2128xf32, #tpu.memory_space<vmem>>
          %parallel_loop3A_399 = tpu.vector_load_idx %parallel_loop3A_398[%parallel_loop3A_186] : memref<2128xf32, #tpu.memory_space<vmem>>[vector<16xi32>], vector<16xf32>,
          %parallel_loop3A_400 = vector.broadcast %squeeze3A_142 : f32 to vector<16xf32>
          %parallel_loop3A_401 = arith.addf %parallel_loop3A_399, %parallel_loop3A_400 : vector<16xf32>
          %parallel_loop3A_402 = arith.constant 16384 : i32
          %parallel_loop3A_403 = arith.addi %parallel_loop3A_402, %parallel_loop3A_231 : i32
          %parallel_loop3A_404 = arith.constant 9088 : i32
          %parallel_loop3A_405 = arith.addi %parallel_loop3A_403, %parallel_loop3A_404 : i32
          %parallel_loop3A_406 = arith.index_cast %parallel_loop3A_405 : i32 to index
          %parallel_loop3A_407 = tpu.vector_load %arg9[%parallel_loop3A_406] {strides = array<i32>} : memref<32768xf32, #tpu.memory_space<vmem>>, vector<16xf32>,
          tpu.vector_store %arg9[%parallel_loop3A_406], %parallel_loop3A_401 {strides = array<i32>} : memref<32768xf32, #tpu.memory_space<vmem>>, vector<16xf32>,
        } {sc.loop_unroll_factor = 4 : i64, sc.parallel_access}
        %dma_start3A_167 = arith.constant 16384 : i32
        %dma_start3A_168 = tpu.memref_slice %arg9[%dma_start3A_167] : memref<32768xf32, #tpu.memory_space<vmem>> -> memref<16384xf32, #tpu.memory_space<vmem>>
        %dma_start3A_169 = arith.constant 16384 : i32
        %dma_start3A_170 = tpu.memref_slice %arg5[%add3A_23, %dma_start3A_169] : memref<802x32768xf32, #tpu.memory_space<hbm>> -> memref<1x16384xf32, #tpu.memory_space<hbm>>
        %dma_start3A_171 = tpu.memref_squeeze %dma_start3A_170 : memref<1x16384xf32, #tpu.memory_space<hbm>> -> memref<16384xf32, #tpu.memory_space<hbm>>
        %dma_start3A_172 = arith.constant 16384 : i32
        %dma_start3A_173 = tpu.memref_slice %arg5[%add3A_23, %dma_start3A_172] : memref<802x32768xf32, #tpu.memory_space<hbm>> -> memref<1x16384xf32, #tpu.memory_space<hbm>>
        %dma_start3A_174 = tpu.memref_squeeze %dma_start3A_173 : memref<1x16384xf32, #tpu.memory_space<hbm>> -> memref<16384xf32, #tpu.memory_space<hbm>>
        %dma_start3A_175 = arith.constant 16384 : i32
        %dma_start3A_176 = tpu.memref_slice %arg9[%dma_start3A_175] : memref<32768xf32, #tpu.memory_space<vmem>> -> memref<16384xf32, #tpu.memory_space<vmem>>
        tpu.enqueue_dma source(%dma_start3A_176 : memref<16384xf32, #tpu.memory_space<vmem>>) target(%dma_start3A_174 : memref<16384xf32, #tpu.memory_space<hbm>>) target_semaphore(%arg12 : memref<!tpu.dma_semaphore, #tpu.memory_space<semaphore_mem>>)
      } else {
      }
    }
    %scan3A_10 = arith.constant 26 : i32
    %mul3A_11 = arith.constant 26 : i32
    %mul3A_12 = arith.muli %add3A, %mul3A_11 : i32
    %lt3A_13 = arith.constant 802 : i32
    %lt3A_14 = arith.cmpi slt, %mul3A_12, %lt3A_13 : i32
    %convert_element_type3A_15 = arith.extui %lt3A_14 : i1 to i32
    %cond3A_16 = arith.constant 0 : i32
    %cond3A_17 = arith.cmpi ne, %convert_element_type3A_15, %cond3A_16 : i32
    scf.if %cond3A_17 {
      %dma_wait3A = arith.constant 0 : i32
      %dma_wait3A_18 = arith.constant 0 : i32
      %dma_wait3A_19 = tpu.memref_slice %arg9[%dma_wait3A_18] : memref<32768xf32, #tpu.memory_space<vmem>> -> memref<16384xf32, #tpu.memory_space<vmem>>
      %dma_wait3A_20 = arith.constant 0 : i32
      %dma_wait3A_21 = tpu.memref_slice %arg5[%dma_wait3A, %dma_wait3A_20] : memref<802x32768xf32, #tpu.memory_space<hbm>> -> memref<1x16384xf32, #tpu.memory_space<hbm>>
      %dma_wait3A_22 = tpu.memref_squeeze %dma_wait3A_21 : memref<1x16384xf32, #tpu.memory_space<hbm>> -> memref<16384xf32, #tpu.memory_space<hbm>>
      %dma_wait3A_23 = arith.constant 0 : i32
      %dma_wait3A_24 = tpu.memref_slice %arg5[%dma_wait3A, %dma_wait3A_23] : memref<802x32768xf32, #tpu.memory_space<hbm>> -> memref<1x16384xf32, #tpu.memory_space<hbm>>
      %dma_wait3A_25 = tpu.memref_squeeze %dma_wait3A_24 : memref<1x16384xf32, #tpu.memory_space<hbm>> -> memref<16384xf32, #tpu.memory_space<hbm>>
      %dma_wait3A_26 = arith.constant 0 : i32
      %dma_wait3A_27 = tpu.memref_slice %arg9[%dma_wait3A_26] : memref<32768xf32, #tpu.memory_space<vmem>> -> memref<16384xf32, #tpu.memory_space<vmem>>
      tpu.wait_dma2 semaphore(%arg11 : memref<!tpu.dma_semaphore, #tpu.memory_space<semaphore_mem>>) src(%dma_wait3A_27 : memref<16384xf32, #tpu.memory_space<vmem>>) dst(%dma_wait3A_25 : memref<16384xf32, #tpu.memory_space<hbm>>)
      %dma_wait3A_28 = arith.constant 0 : i32
      %dma_wait3A_29 = arith.constant 0 : i32
      %dma_wait3A_30 = tpu.memref_slice %arg9[%dma_wait3A_29] : memref<32768xf32, #tpu.memory_space<vmem>> -> memref<16384xf32, #tpu.memory_space<vmem>>
      %dma_wait3A_31 = arith.constant 0 : i32
      %dma_wait3A_32 = tpu.memref_slice %arg5[%dma_wait3A_28, %dma_wait3A_31] : memref<802x32768xf32, #tpu.memory_space<hbm>> -> memref<1x16384xf32, #tpu.memory_space<hbm>>
      %dma_wait3A_33 = tpu.memref_squeeze %dma_wait3A_32 : memref<1x16384xf32, #tpu.memory_space<hbm>> -> memref<16384xf32, #tpu.memory_space<hbm>>
      %dma_wait3A_34 = arith.constant 0 : i32
      %dma_wait3A_35 = tpu.memref_slice %arg5[%dma_wait3A_28, %dma_wait3A_34] : memref<802x32768xf32, #tpu.memory_space<hbm>> -> memref<1x16384xf32, #tpu.memory_space<hbm>>
      %dma_wait3A_36 = tpu.memref_squeeze %dma_wait3A_35 : memref<1x16384xf32, #tpu.memory_space<hbm>> -> memref<16384xf32, #tpu.memory_space<hbm>>
      %dma_wait3A_37 = arith.constant 0 : i32
      %dma_wait3A_38 = tpu.memref_slice %arg9[%dma_wait3A_37] : memref<32768xf32, #tpu.memory_space<vmem>> -> memref<16384xf32, #tpu.memory_space<vmem>>
      tpu.wait_dma2 semaphore(%arg12 : memref<!tpu.dma_semaphore, #tpu.memory_space<semaphore_mem>>) src(%dma_wait3A_38 : memref<16384xf32, #tpu.memory_space<vmem>>) dst(%dma_wait3A_36 : memref<16384xf32, #tpu.memory_space<hbm>>)
    } else {
    }
    return
  }
}

</mosaic_0001>

<sc_bundles>
// kernel: kernel.3.cloned.1.call-start
scs
__scs_entry_jumppad:
0x0: {  	(pc) =	sbr.rel $0x88, $3  }
0x1: {  	(tag) =	ssettag $0x0;
	lr =	simm.s32 $0x1  }
0x2: {  	[smem:$0x3F9E] =	sst lr;
	_ =	strace $0xD0000000  }
0x3: {  	_ = 	snop  }
0x4: {  	_ = 	snop  }
0x5: {  	_ = 	snop  }
0x6: {  	_ = 	snop  }
0x7: {  	_ = 	snop  }
__scs_overlays_trampoline_lowered:
0x8: {  	[smem:$0x3FAD] =	sst s0  }
0x9: {  	[smem:$0x3FAE] =	sst s1  }
0xa: {  	[smem:$0x3FAF] =	sst s2  }
0xb: {  	[smem:$0x3FB0] =	sst s3  }
0xc: {  	[smem:$0x3FB1] =	sst s4  }
0xd: {  	[smem:$0x3FB2] =	sst s5  }
0xe: {  	[smem:$0x3FB3] =	sst s6  }
0xf: {  	[smem:$0x3FB4] =	sst s7  }
0x10: {  	[smem:$0x3FB5] =	sst s8  }
0x11: {  	[smem:$0x3FB6] =	sst s9;
	s0 =	simm.s32 @!p0 $0x0  }
0x12: {  	s1 =	sld [smem:$0x3F9C];
	s0 =	simm.s32 @p0 $0x1  }
0x13: {  	[smem:$0x3FB7] =	sst s0;
	s0 =	simm.s32 @!p1 $0x0  }
0x14: {  	s2 =	sld [smem:$0x3F9B];
	s0 =	simm.s32 @p1 $0x1  }
0x15: {  	[smem:$0x3FB8] =	sst s0;
	s0 =	simm.s32 @!p2 $0x0  }
0x16: {  	s3 =	sld [smem:$0x3FDB];
	s0 =	simm.s32 @p2 $0x1  }
0x17: {  	s4 =	simm.s32 $0x1BF5;
	[smem:$0x3FBA] =	sst s0  }
0x18: {  	s0 =	sld [smem:$0x3F9D];
	_ =	swait.ge [sflag:s4], $0x0  }
0x19: {  	s7 =	sld [smem:$0x3F9E]  }
0x1a: {  	s8 =	sadd.s32 $0xFFFFE003, lr  }
0x1b: {  	s9 =	sadd.s32 $0xFFFFFEF7, lr;
	s5 =	simm.s32 $0xFFFFFFFF;
	p2 =	slt.u32 s8, $0xFFFFF086  }
0x1c: {  	p1 =	slt.u32 s9, $0xF7A;
	s5 =	simm.s32 @!p2 $0x0  }
0x1d: {  	s5 =	simm.s32 @p1 $0x1;
	p0 =	seq.s32 s7, s2  }
0x1e: {  	s7 =	smul.u32 @!p0 $0xF7A, s2;
	p2 =	seq.s32 @!p0 s5, $0x0  }
0x1f: {  	s9 =	smul.u32 $0xF7A, s1;
	s8 =	simm.s32 @!p0 $0x1BF5;
	p2 =	por !p2, p0  }
0x20: {  	[sflag:s8] =	ssyncset.s32 @!p0 $0xFFFFF086;
	s6 =	sadd.s32 @!p0 s3, s7;
	s7 =	simm.s32 @!p0 $0x108  }
0x21: {  	s3 =	sadd.s32 s3, s9;
	s6 =	sadd.s32 @!p0 $0x88, s6;
	s7 =	simm.s32 @p2 $0x1082  }
0x22: {  	[simem:s7], [sflag:s8] =	dma.local @!p0 [hbm:s6], $0xF7A  }
0x23: {  	s9 =	sor.u32 $0xD0000000, s2;
	s6 =	simm.s32 $0x108;
	_ =	swait.ge @!p0 [sflag:s8], $0x0  }
0x24: {  	s3 =	sadd.s32 $0x88, s3;
	s6 =	simm.s32 @!p1 $0x1082;
	[sflag:s4] =	ssyncset.s32 $0xFFFFF086  }
0x25: {  	[simem:s6], [sflag:s4] =	dma.local [hbm:s3], $0xF7A  }
0x26: {  	[smem:$0x3F9E] =	sst s1;
	(tag) =	ssettag s2;
	_ =	strace s9  }
0x27: {  	s1 =	sld [smem:$0x3FAE]  }
0x28: {  	s2 =	sld [smem:$0x3FAF]  }
0x29: {  	s4 =	sld [smem:$0x3FB1]  }
0x2a: {  	p0 =	seq.s32 s5, $0x0;
	s5 =	sld [smem:$0x3FB2]  }
0x2b: {  	s6 =	sld [smem:$0x3FB3]  }
0x2c: {  	s7 =	sld [smem:$0x3FB4]  }
0x2d: {  	s3 =	simm.s32 $0x108;
	s8 =	sld [smem:$0x3FB5]  }
0x2e: {  	s3 =	simm.s32 @!p0 $0x1082;
	s9 =	sld [smem:$0x3FB6]  }
0x2f: {  	lr =	sadd.s32 s0, s3;
	s0 =	sld [smem:$0x3FAD]  }
0x30: {  	s3 =	sld [smem:$0x3FB0]  }
0x31: {  	[smem:$0x3FB9] =	sst s10  }
0x32: {  	s10 =	sld [smem:$0x3FB7];
	_ =	sdelay $0x3  }
0x33: {  	p0 =	seq.s32 s10, $0x1;
	s10 =	sld [smem:$0x3FB9];
	_ =	sdelay $0x3  }
0x34: {  	[smem:$0x3FB9] =	sst s10  }
0x35: {  	s10 =	sld [smem:$0x3FB8];
	_ =	sdelay $0x3  }
0x36: {  	p1 =	seq.s32 s10, $0x1;
	s10 =	sld [smem:$0x3FB9];
	_ =	sdelay $0x3  }
0x37: {  	[smem:$0x3FB9] =	sst s10  }
0x38: {  	s10 =	sld [smem:$0x3FBA]  }
0x39: {  	_ = 	snop;
	(pc) =	sbr.ind lr, $3  }
0x3a: {  	_ = 	snop  }
0x3b: {  	_ = 	snop  }
0x3c: {  	p2 =	seq.s32 s10, $0x1;
	s10 =	sld [smem:$0x3FB9]  }
0x3d: {  	_ =	shalt  }
0x3e: {  	_ =	shalt  }
0x3f: {  	_ =	shalt  }
0x40: {  	_ =	shalt  }
0x41: {  	_ =	shalt  }
0x42: {  	_ =	shalt  }
0x43: {  	_ =	shalt  }
0x44: {  	_ =	shalt  }
0x45: {  	_ =	shalt  }
0x46: {  	_ =	shalt  }
0x47: {  	_ =	shalt  }
0x48: {  	_ =	shalt  }
0x49: {  	_ =	shalt  }
0x4a: {  	_ =	shalt  }
0x4b: {  	_ =	shalt  }
0x4c: {  	_ =	shalt  }
0x4d: {  	_ =	shalt  }
0x4e: {  	_ =	shalt  }
0x4f: {  	_ =	shalt  }
0x50: {  	_ =	shalt  }
0x51: {  	_ =	shalt  }
0x52: {  	_ =	shalt  }
0x53: {  	_ =	shalt  }
0x54: {  	_ =	shalt  }
0x55: {  	_ =	shalt  }
0x56: {  	_ =	shalt  }
0x57: {  	_ =	shalt  }
0x58: {  	_ =	shalt  }
0x59: {  	_ =	shalt  }
0x5a: {  	_ =	shalt  }
0x5b: {  	_ =	shalt  }
0x5c: {  	_ =	shalt  }
0x5d: {  	_ =	shalt  }
0x5e: {  	_ =	shalt  }
0x5f: {  	_ =	shalt  }
0x60: {  	_ =	shalt  }
0x61: {  	_ =	shalt  }
0x62: {  	_ =	shalt  }
0x63: {  	_ =	shalt  }
0x64: {  	_ =	shalt  }
0x65: {  	_ =	shalt  }
0x66: {  	_ =	shalt  }
0x67: {  	_ =	shalt  }
0x68: {  	_ =	shalt  }
0x69: {  	_ =	shalt  }
0x6a: {  	_ =	shalt  }
0x6b: {  	_ =	shalt  }
0x6c: {  	_ =	shalt  }
0x6d: {  	_ =	shalt  }
0x6e: {  	_ =	shalt  }
0x6f: {  	_ =	shalt  }
0x70: {  	_ =	shalt  }
0x71: {  	_ =	shalt  }
0x72: {  	_ =	shalt  }
0x73: {  	_ =	shalt  }
0x74: {  	_ =	shalt  }
0x75: {  	_ =	shalt  }
0x76: {  	_ =	shalt  }
0x77: {  	_ =	shalt  }
0x78: {  	_ =	shalt  }
0x79: {  	_ =	shalt  }
0x7a: {  	_ =	shalt  }
0x7b: {  	_ =	shalt  }
0x7c: {  	_ =	shalt  }
0x7d: {  	_ =	shalt  }
0x7e: {  	_ =	shalt  }
0x7f: {  	_ =	shalt  }
0x80: {  	_ =	shalt  }
0x81: {  	_ =	shalt  }
0x82: {  	_ =	shalt  }
0x83: {  	_ =	shalt  }
0x84: {  	_ =	shalt  }
0x85: {  	_ =	shalt  }
0x86: {  	_ =	shalt  }
0x87: {  	_ =	shalt  }
.Lfunc_end0:
.L_simem_size_0:
called_computation_lowered:
.L_overlay_start_0:
0x88: {  	s2 =	sld [smem:$0x3FD9]  }
0x89: {  	s3 =	sld [smem:$0x3FFE];
	_ =	sdelay $0x1  }
0x8a: {  	s1 =	srdreg.scid  }
0x8b: {  	s0 =	sand.u32 $0x1, s1  }
0x8c: {  	s17 =	sshll.u32 s0, $0xA;
	s2 =	sadd.s32 s3, s2  }
0x8d: {  	s2 =	sadd.s32 s2, s17  }
0x8e: {  	[smem:$0x3FC5] =	sst s2  }
0x8f: {  	_ = 	snop  }
0x90: {  	s2 =	sld [smem:$0x3FD0];
	(tm) =	ssettm $0x1  }
0x91: {  	s18 =	sld [smem:$0x3FFB];
	_ =	sdelay $0x3  }
0x92: {  	_ =	strace s18  }
0x93: {  	s3 =	sld [smem:$0x3FFC];
	_ =	sdelay $0x3  }
0x94: {  	_ =	strace s3  }
0x95: {  	s3 =	sld [smem:$0x3FFD];
	_ =	sdelay $0x3  }
0x96: {  	_ =	strace s3  }
0x97: {  	_ =	strace $0x8FFFFFFF  }
0x98: {  	s19 =	sld [smem:$0x3FDB];
	_ =	sdelay $0x1  }
0x99: {  	s4 =	simm.s32 $_scs_section_size  }
0x9a: {  	s5 =	simm.s32 $_size__tile_overlayer_lowered;
	s6 =	simm.s32 $_tile_overlayer_lowered  }
0x9b: {  	s22 =	simm.s32 $0x1BFF;
	s21 =	sshll.u32 s6, $0x1;
	s3 =	sadd.s32 s4, s19  }
0x9c: {  	s7 =	simm.s32 $0x0;
	s20 =	sshll.u32 s5, $0x1;
	s5 =	sadd.s32 s21, s3  }
0x9d: {  	[timem:s7], [sflag:s22] =	dma.local [hbm:s5], s20  }
0x9e: {  	_ =	swait.ge [sflag:s22], s20  }
0x9f: {  	s4 =	ssub.s32 $0x0, s20;
	[sflag:s22] =	ssyncset.done $0x0  }
0xa0: {  	[sflag:s22] =	ssyncadd.s32 s4;
	_ =	sdelay $0x1  }
0xa1: {  	s23 =	simm.s32 $0x1B8B  }
0xa2: {  	_ =	swait.ge [sflag:s23], $0x1  }
0xa3: {  	[sflag:s23] =	ssyncset.done $0x0  }
0xa4: {  	s25 =	simm.s32 $0x1B8E;
	s24 =	sld [smem:$0x3FFE];
	[sflag:s23] =	ssyncadd.s32 $0xFFFFFFFF  }
0xa5: {  	s26 =	simm.s32 $execute0_lowered;
	[smem:$0x3FD2] =	sst s25  }
0xa6: {  	s5 =	sshll.u32 s26, $0x1;
	_ =	strace $0x80000046;
	[dreg:$0x1] =	wrdreg $0xFFFFFFFF  }
0xa7: {  	s28 =	simm.s32 $_size_execute0_lowered;
	s3 =	sadd.s32 s3, s5;
	[dreg:$0x0] =	wrdreg $0x0  }
0xa8: {  	s5 =	sshll.u32 s28, $0x1;
	[dreg:$0x2] =	wrdreg s3  }
0xa9: {  	[dreg:$0x3] =	wrdreg s5  }
0xaa: {  	[dreg:$0x4] =	wrdreg $0xC0  }
0xab: {  	_ =	task [dreg:s7], $0x5FFFF  }
0xac: {  	[dreg:$0x1] =	wrdreg $0xFFFFFFFF  }
0xad: {  	[dreg:$0x0] =	wrdreg $0x60  }
0xae: {  	[dreg:$0x2] =	wrdreg s24  }
0xaf: {  	[dreg:$0x3] =	wrdreg s2  }
0xb0: {  	[dreg:$0x4] =	wrdreg $0x9  }
0xb1: {  	_ =	task.clear_ibuf [dreg:s7], $0x5FFFF;
	_ =	strace $0x90000046  }
0xb2: {  	s29 =	simm.s32 $0x9;
	_ =	strace $0x80000048  }
0xb3: {  	_ =	swait.ge [sflag:s29], $0x1  }
0xb4: {  	[sflag:s29] =	ssyncadd.s32 $0xFFFFFFFF  }
0xb5: {  	_ =	strace $0x90000048  }
0xb6: {  	_ =	sfence  }
0xb7: {  	s30 =	sld [smem:$0x0];
	_ =	sdelay $0x2  }
0xb8: {  	s31 =	sshll.u32 s1, $0xD;
	s1 =	sshrl.u32 s1, $0x2  }
0xb9: {  	s3 =	sand.u32 $0x4000, s31;
	s1 =	sadd.s32 s1, s30  }
0xba: {  	s0 =	sor.u32 s3, s0;
	s1 =	sshll.u32 s1, $0x11  }
0xbb: {  	s0 =	sor.u32 s1, s0  }
0xbc: {  	s0 =	sadd.s32 $0x8F2B, s0  }
0xbd: {  	[sflag:s0] =	ssyncadd.remote.s32 $0x1  }
0xbe: {  	_ =	sfence.sel $0xFFFF  }
0xbf: {  	[dreg:$0x0] =	wrdreg $0xFFFFFFFF;
	(pc) =	sbr.abs _section_cstart, $3  }
0xc0: {  	[dreg:$0x1] =	wrdreg $0xFFFFFFFF  }
0xc1: {  	_ =	task.clear_ibuf [dreg:s7], $0x2FFFF;
	_ =	strace $0x9FFFFFFF  }
0xc2: {  	(tm) =	ssettm $0x7FFFFFFF  }
0xc3: {  	_ =	shalt  }
tec
execute0_lowered:
.L_overlay_start_1:
0x0: {  	(tag) =	ssettag $0x1  }
0x1: {  	s0 =	rddreg [dreg:$0x0]  }
0x2: {  	s5 =	rddreg [dreg:$0x1]  }
0x3: {  	s12 =	simm.s32 $0x0;
	s1 =	srdreg.scid;
	s2 =	stileid.u32  }
0x4: {  	s30 =	simm.s32 $0x850;
	s8 =	simm.s32 $0x10A0;
	s9 =	simm.s32 $0x18F0  }
0x5: {  	s11 =	simm.s32 $0x2140;
	s13 =	simm.s32 $0x2990;
	s28 =	simm.s32 $0x3A30  }
0x6: {  	s15 =	simm.s32 $0x4280;
	s14 =	simm.s32 $0x4AD0;
	s10 =	simm.s32 $0x7460  }
0x7: {  	s31 =	simm.s32 $0x7CB0;
	s29 =	simm.s32 $0x0;
	[smem:$0x7FF] =	sst s12  }
0x8: {  	s1 =	sand.u32 $0x1, s1;
	s2 =	sshll.u32 s2, $0x1;
	s3 =	sadd.s32 $0x400, s0  }
0x9: {  	s6 =	sadd.s32 $0x1600, s0;
	s7 =	sadd.s32 $0x800, s0;
	s26 =	sadd.s32 $0x800, s5  }
0xa: {  	_ =	strace $0x80000047;
	[dreg:$0x3] =	wrdreg s3;
	s2 =	sor.u32 s1, s2  }
0xb: {  	s5 =	simm.s32 $0x31E0;
	[dreg:$0x4] =	wrdreg s6;
	s22 =	smul.u32 $0xD00, s2  }
0xc: {  	s1 =	ssub.s32 $0x2, s1;
	[dreg:$0x5] =	wrdreg s7;
	s4 =	smul.u32 $0x68, s2  }
0xd: {  	[dreg:$0x9] =	wrdreg s26;
	s3 =	simm.s32 $0x63C0;
	s19 =	smul.u32 $0x1A, s2  }
.Ltmp0:
0xe: {  	[dreg:$0xb] =	wrdreg s29;
	s23 =	sshrl.u32 s1, $0x1;
	(pc) =	sbr.rel .LBB2_1-.Ltmp0, $4  }
0xf: {  	p0 =	seq.s32 s2, $0x1F;
	s24 =	sadd.s32 s6, s22;
	[dreg:$0x6] =	wrdreg s19  }
0x10: {  	s0 =	ssub.s32 s1, s23;
	s25 =	sadd.s32 s7, s4;
	[dreg:$0x7] =	wrdreg s24  }
0x11: {  	s2 =	simm.s32 $0x6C10;
	s0 =	smax.u32 s0, $0x1;
	[dreg:$0x8] =	wrdreg s25  }
0x12: {  	v0 =	vlaneseq.u32;
	s7 =	simm.s32 $0x5320;
	s6 =	simm.s32 $0x5B70;
	[dreg:$0xa] =	wrdreg s0  }
.LBB2_11:
0x13: {  	s1 =	simm.s32 @!p0 $0x1  }
0x14: {  	_ =	swait.ge @!p0 [sflag:s1], $0x4000  }
0x15: {  	[sflag:s1] =	ssyncset.done @!p0 $0x0  }
0x16: {  	[sflag:s1] =	ssyncadd.s32 @!p0 $0xFFFFC000;
	s1 =	simm.s32 @!p0 $0x2  }
0x17: {  	_ =	swait.ge @!p0 [sflag:s1], $0x4000  }
0x18: {  	s0 =	rddreg [dreg:$0xb]  }
0x19: {  	s4 =	rddreg [dreg:$0xa];
	s0 =	sadd.s32 $0x1, s0  }
0x1a: {  	p1 =	sne.s32 s0, s4  }
.Ltmp1:
0x1b: {  	_ = 	snop;
	(pc) =	sbr.rel @!p1 .LBB2_12-.Ltmp1, $3  }
0x1c: {  	_ =	sdelay $0x1  }
0x1d: {  	[sflag:s1] =	ssyncset.done @!p0 $0x0  }
0x1e: {  	[sflag:s1] =	ssyncadd.s32 @!p0 $0xFFFFC000;
	[dreg:$0xb] =	wrdreg s0  }
.LBB2_1:
0x1f: {  	s1 =	rddreg [dreg:$0x3];
	s4 =	simm.s32 $0x10A00;
	s29 =	simm.s32 $0x5  }
0x20: {  	[tilespmem:s4], [sflag:$0x5] =	stream.linear.gather [hbm4b:s1+s12], $0x10A0, $0x38;
	[tilespmem:$0x1A2E0] =	vst v63  }
0x21: {  	_ =	swait.ge [sflag:s29], $0x10A0  }
0x22: {  	[sflag:s29] =	ssyncset.done $0x0  }
0x23: {  	s16 =	simm.s32 $0x10A10;
	[sflag:s29] =	ssyncadd.s32 $0xFFFFEF60  }
0x24: {  	v1 =	vld [tilespmem:s16+$0x0]  }
0x25: {  	v2 =	vld [tilespmem:s16+$0xFFFFFFF0];
	_ =	sdelay $0x3  }
0x26: {  	v3 =	vbroadcast v1, $0xF  }
0x27: {  	s16 =	simm.s32 $0x100;
	v4 =	vbroadcast v2, $0x0  }
0x28: {  	v5 =	vbroadcast v2, $0x1;
	[tilespmem:s16+$0xF0] =	vst v3  }
0x29: {  	v6 =	vbroadcast v1, $0x5;
	[tilespmem:s16+$0xFFFFFF00] =	vst v4  }
0x2a: {  	v7 =	vbroadcast v1, $0x6;
	[tilespmem:s16+$0xFFFFFF10] =	vst v5  }
0x2b: {  	v8 =	vbroadcast v1, $0x7;
	[tilespmem:s16+$0x50] =	vst v6  }
0x2c: {  	v3 =	vbroadcast v2, $0x2;
	[tilespmem:s16+$0x60] =	vst v7  }
0x2d: {  	v4 =	vbroadcast v2, $0x3;
	[tilespmem:s16+$0x70] =	vst v8  }
0x2e: {  	v5 =	vbroadcast v2, $0x4;
	[tilespmem:s16+$0xFFFFFF20] =	vst v3  }
0x2f: {  	v3 =	vbroadcast v2, $0x5;
	[tilespmem:s16+$0xFFFFFF30] =	vst v4  }
0x30: {  	v4 =	vbroadcast v2, $0x6;
	[tilespmem:s16+$0xFFFFFF40] =	vst v5  }
0x31: {  	v5 =	vbroadcast v2, $0x7;
	[tilespmem:s16+$0xFFFFFF50] =	vst v3  }
0x32: {  	v3 =	vbroadcast v2, $0x8;
	[tilespmem:s16+$0xFFFFFF60] =	vst v4  }
0x33: {  	v4 =	vbroadcast v2, $0x9;
	[tilespmem:s16+$0xFFFFFF70] =	vst v5  }
0x34: {  	v5 =	vbroadcast v2, $0xA;
	[tilespmem:s16+$0xFFFFFF80] =	vst v3  }
0x35: {  	v3 =	vbroadcast v2, $0xB;
	[tilespmem:s16+$0xFFFFFF90] =	vst v4  }
0x36: {  	v4 =	vbroadcast v2, $0xC;
	[tilespmem:s16+$0xFFFFFFA0] =	vst v5  }
0x37: {  	v5 =	vbroadcast v2, $0xD;
	[tilespmem:s16+$0xFFFFFFB0] =	vst v3  }
0x38: {  	v3 =	vbroadcast v2, $0xE;
	[tilespmem:s16+$0xFFFFFFC0] =	vst v4  }
0x39: {  	v2 =	vbroadcast v2, $0xF;
	[tilespmem:s16+$0xFFFFFFD0] =	vst v5  }
0x3a: {  	v4 =	vbroadcast v1, $0x0;
	[tilespmem:s16+$0xFFFFFFE0] =	vst v3  }
0x3b: {  	v5 =	vbroadcast v1, $0x4;
	[tilespmem:s16+$0xFFFFFFF0] =	vst v2  }
0x3c: {  	v6 =	vbroadcast v1, $0xB;
	v3 =	vbroadcast v1, $0x1;
	[tilespmem:s16+$0x0] =	vst v4  }
0x3d: {  	v7 =	vbroadcast v1, $0xD;
	v4 =	vbroadcast v1, $0x3;
	[tilespmem:s16+$0x40] =	vst v5  }
0x3e: {  	v2 =	vbroadcast v1, $0x2;
	v5 =	vbroadcast v1, $0xC;
	[tilespmem:s16+$0x10] =	vst v3  }
0x3f: {  	[tilespmem:s16+$0x30] =	vst v4;
	v3 =	vbroadcast v1, $0x8;
	v4 =	vbroadcast v1, $0x9  }
0x40: {  	s17 =	simm.s32 $0x0;
	s18 =	simm.s32 $0x10A30;
	[tilespmem:s16+$0x20] =	vst v2;
	v2 =	vbroadcast v1, $0xA;
	v1 =	vbroadcast v1, $0xE  }
.LBB2_2:
0x41: {  	v8 =	vld [tilespmem:s18+$0x0];
	s17 =	sadd.s32 $0x2, s17;
	[tilespmem:s16+$0x80] =	vst v3  }
0x42: {  	v3 =	vld [tilespmem:s18+$0xFFFFFFF0];
	p1 =	slt.u32 s17, $0x108;
	[tilespmem:s16+$0x90] =	vst v4  }
0x43: {  	[tilespmem:s16+$0xA0] =	vst v2  }
0x44: {  	[tilespmem:s16+$0xB0] =	vst v6  }
0x45: {  	[tilespmem:s16+$0xC0] =	vst v5  }
0x46: {  	v9 =	vbroadcast v8, $0x0;
	v2 =	vbroadcast v8, $0xF;
	[tilespmem:s16+$0xD0] =	vst v7  }
0x47: {  	v4 =	vbroadcast v3, $0x0;
	v5 =	vbroadcast v3, $0x1;
	[tilespmem:s16+$0xE0] =	vst v1;
	s16 =	sadd.s32 $0x200, s16  }
0x48: {  	v1 =	vbroadcast v3, $0x2;
	v6 =	vbroadcast v3, $0x3;
	[tilespmem:s16+$0xF0] =	vst v2  }
0x49: {  	v2 =	vbroadcast v3, $0x4;
	[tilespmem:s16+$0xFFFFFF00] =	vst v4;
	v4 =	vbroadcast v3, $0x5  }
0x4a: {  	v7 =	vbroadcast v3, $0x7;
	[tilespmem:s16+$0xFFFFFF10] =	vst v5;
	v5 =	vbroadcast v3, $0x6  }
0x4b: {  	v10 =	vbroadcast v3, $0x9;
	[tilespmem:s16+$0xFFFFFF20] =	vst v1;
	v1 =	vbroadcast v3, $0x8  }
0x4c: {  	v11 =	vbroadcast v3, $0xB;
	[tilespmem:s16+$0xFFFFFF30] =	vst v6;
	v6 =	vbroadcast v3, $0xA  }
0x4d: {  	v12 =	vbroadcast v3, $0xC;
	v13 =	vbroadcast v3, $0xD;
	[tilespmem:s16+$0xFFFFFF40] =	vst v2  }
0x4e: {  	v14 =	vbroadcast v3, $0xE;
	v15 =	vbroadcast v3, $0xF;
	[tilespmem:s16+$0xFFFFFF50] =	vst v4  }
0x4f: {  	v16 =	vbroadcast v8, $0x1;
	v17 =	vbroadcast v8, $0x2;
	[tilespmem:s16+$0xFFFFFF60] =	vst v5  }
0x50: {  	v18 =	vbroadcast v8, $0x3;
	v19 =	vbroadcast v8, $0x4;
	[tilespmem:s16+$0xFFFFFF70] =	vst v7  }
0x51: {  	v20 =	vbroadcast v8, $0x5;
	v21 =	vbroadcast v8, $0x6;
	[tilespmem:s16+$0xFFFFFF80] =	vst v1  }
0x52: {  	v3 =	vbroadcast v8, $0x8;
	[tilespmem:s16+$0xFFFFFF90] =	vst v10;
	v10 =	vbroadcast v8, $0x7  }
0x53: {  	v2 =	vbroadcast v8, $0xA;
	v4 =	vbroadcast v8, $0x9;
	[tilespmem:s16+$0xFFFFFFA0] =	vst v6  }
0x54: {  	v5 =	vbroadcast v8, $0xC;
	v6 =	vbroadcast v8, $0xB;
	[tilespmem:s16+$0xFFFFFFB0] =	vst v11  }
0x55: {  	v7 =	vbroadcast v8, $0xD;
	v1 =	vbroadcast v8, $0xE;
	[tilespmem:s16+$0xFFFFFFC0] =	vst v12  }
0x56: {  	[tilespmem:s16+$0xFFFFFFD0] =	vst v13  }
0x57: {  	[tilespmem:s16+$0xFFFFFFE0] =	vst v14  }
0x58: {  	[tilespmem:s16+$0xFFFFFFF0] =	vst v15  }
0x59: {  	[tilespmem:s16+$0x0] =	vst v9  }
0x5a: {  	[tilespmem:s16+$0x10] =	vst v16  }
0x5b: {  	[tilespmem:s16+$0x20] =	vst v17  }
.Ltmp2:
0x5c: {  	[tilespmem:s16+$0x30] =	vst v18;
	(pc) =	sbr.rel @p1 .LBB2_2-.Ltmp2, $4  }
0x5d: {  	[tilespmem:s16+$0x40] =	vst v19  }
0x5e: {  	[tilespmem:s16+$0x50] =	vst v20  }
0x5f: {  	[tilespmem:s16+$0x60] =	vst v21  }
0x60: {  	s18 =	sadd.s32 $0x20, s18;
	[tilespmem:s16+$0x70] =	vst v10  }
0x61: {  	[tilespmem:s16+$0x80] =	vst v3  }
0x62: {  	[tilespmem:s16+$0x90] =	vst v4  }
0x63: {  	[tilespmem:s16+$0xA0] =	vst v2  }
0x64: {  	[tilespmem:s16+$0xB0] =	vst v6  }
0x65: {  	[tilespmem:s16+$0xC0] =	vst v5  }
0x66: {  	[tilespmem:s16+$0xD0] =	vst v7  }
.Ltmp3:
0x67: {  	[tilespmem:s16+$0xE0] =	vst v1;
	s16 =	simm.s32 @!p0 $0x0;
	(pc) =	sbr.rel .LBB2_4-.Ltmp3, $4  }
0x68: {  	s17 =	simm.s32 @!p0 $0x11AA0;
	s0 =	simm.s32 $0x0;
	s1 =	rddreg [dreg:$0x7]  }
0x69: {  	[tilespmem:s17], [sflag:$0x3] =	stream.linear.gather @!p0 [hbm4b:s1+s16], $0x400, $0x38;
	[tilespmem:$0x1A2E0] =	vst v63  }
0x6a: {  	p1 =	por $0x0, $0x0;
	s17 =	simm.s32 @!p0 $0x1A2A0;
	s1 =	rddreg [dreg:$0x8]  }
0x6b: {  	[tilespmem:s17], [sflag:$0x4] =	stream.linear.gather @!p0 [hbm4b:s1+s16], $0x20, $0x38;
	[tilespmem:$0x1A2E0] =	vst v63  }
.LBB2_10:
0x6c: {  	s0 =	sadd.s32 $0x1, s0  }
0x6d: {  	p2 =	sne.s32 s0, $0x1A  }
.Ltmp4:
0x6e: {  	_ = 	snop;
	(pc) =	sbr.rel @!p2 .LBB2_11-.Ltmp4, $2  }
0x6f: {  	_ =	sdelay $0x2  }
0x70: {  	p1 =	por !p1, !p1  }
.LBB2_4:
0x71: {  	s1 =	sadd.s32 s19, s0  }
0x72: {  	p2 =	sgt.u32 s1, $0x321  }
.Ltmp5:
0x73: {  	_ = 	snop;
	(pc) =	sbr.rel @p2 .LBB2_10-.Ltmp5, $1  }
0x74: {  	_ =	sdelay $0x3  }
0x75: {  	p2 =	seq.s32 s0, $0x19  }
0x76: {  	p3 =	seq.s32 @!p2 s1, $0x321  }
0x77: {  	s16 =	sand.u32 $0x1, s0;
	p2 =	por p3, p2  }
0x78: {  	[dreg:$0xe] =	wrdreg s1;
	s17 =	sadd.s32 @!p2 $0x1, s1;
	s18 =	sxor.u32 @!p2 $0x1, s16  }
0x79: {  	s1 =	rddreg [dreg:$0x4];
	s21 =	simm.s32 @!p2 $0x0;
	s19 =	sshll.u32 @!p2 s18, $0xA  }
0x7a: {  	s20 =	sshll.u32 @!p2 s17, $0x7;
	s18 =	sshll.u32 @!p2 s18, $0x5;
	s17 =	sshll.u32 @!p2 s17, $0x2  }
0x7b: {  	s19 =	sor.u32 @!p2 $0x11AA0, s19;
	s20 =	sadd.s32 @!p2 s1, s20;
	s1 =	rddreg [dreg:$0x5]  }
0x7c: {  	[tilespmem:s19], [sflag:$0x3] =	stream.linear.gather @!p2 [hbm4b:s20+s21], $0x400, $0x38;
	[tilespmem:$0x1A2E0] =	vst v63  }
0x7d: {  	s18 =	sadd.s32 @!p2 $0x1A2A0, s18;
	s17 =	sadd.s32 @!p2 s1, s17  }
0x7e: {  	[tilespmem:s18], [sflag:$0x4] =	stream.linear.gather @!p2 [hbm4b:s17+s21], $0x20, $0x38;
	[tilespmem:$0x1A2E0] =	vst v63  }
0x7f: {  	s21 =	simm.s32 $0x4  }
0x80: {  	_ =	swait.ge [sflag:s21], $0x20  }
0x81: {  	[sflag:s21] =	ssyncset.done $0x0  }
0x82: {  	s22 =	simm.s32 $0x3;
	[sflag:s21] =	ssyncadd.s32 $0xFFFFFFE0  }
0x83: {  	_ =	swait.ge [sflag:s22], $0x400  }
0x84: {  	[sflag:s22] =	ssyncset.done $0x0  }
0x85: {  	s16 =	sshll.u32 s16, $0x5;
	[sflag:s22] =	ssyncadd.s32 $0xFFFFFC00  }
0x86: {  	p2 =	seq.s32 s0, $0x0;
	v24 =	vld [tilespmem:s16+$0x1A2A0]  }
0x87: {  	s17 =	simm.s32 $0x1;
	[dreg:$0xc] =	wrdreg s0;
	v1 =	vld [tilespmem:s16+$0x1A2B0];
	s16 =	simm.s32 @!p2 $0x1  }
0x88: {  	s17 =	simm.s32 @!p1 $0x0;
	_ =	swait.ge @!p2 [sflag:s16], $0x4000  }
0x89: {  	s17 =	sshll.u32 s17, $0xA;
	[sflag:s16] =	ssyncset.done @!p2 $0x0  }
0x8a: {  	s23 =	sor.u32 $0x11AC0, s17;
	[sflag:s16] =	ssyncadd.s32 @!p2 $0xFFFFC000  }
0x8b: {  	v2 =	vld [tilespmem:s23+$0x10]  }
0x8c: {  	v3 =	vld [tilespmem:s23+$0xFFFFFFF0];
	_ =	sdelay $0x3  }
0x8d: {  	v2 =	vshll.u32 v2, $0x4  }
0x8e: {  	v4 =	vld [tilespmem:s23+$0x0];
	v25 =	vor.u32 v0, v2;
	v2 =	vshll.u32 v3, $0x4  }
0x8f: {  	v3 =	vld [tilespmem:s23+$0xFFFFFFE0];
	v27 =	vor.u32 v0, v2;
	_ =	sdelay $0x3  }
0x90: {  	v2 =	vshll.u32 v4, $0x4;
	v4 =	vld.idx.msk [tilespmem:v25+s12+$0x0], $0xffff  }
0x91: {  	v26 =	vor.u32 v0, v2;
	v3 =	vshll.u32 v3, $0x4;
	v2 =	vld.idx.msk [tilespmem:v27+s12+$0x0], $0xffff  }
0x92: {  	v28 =	vor.u32 v0, v3  }
0x93: {  	s24 =	simm.s32 $0x0;
	v6 =	vbroadcast v24, $0x0  }
0x94: {  	s25 =	simm.s32 $0x30;
	s16 =	sand.u32 $0x1C00, s24  }
0x95: {  	s4 =	simm.s32 $0x10;
	s1 =	sand.u32 $0x70, s25;
	s26 =	sor.u32 $0x122A0, s16;
	v3 =	vadd.f32 v4, v6  }
0x96: {  	s17 =	sand.u32 $0x50, s4;
	s22 =	sadd.s32 s1, s26;
	v4 =	vld.idx.msk [tilespmem:v26+s12+$0x0], $0xffff;
	v2 =	vadd.f32 v2, v6  }
0x97: {  	s1 =	sor.u32 s17, s26;
	v5 =	vld.idx.msk [tilespmem:v28+s12+$0x0], $0xffff;
	[tilespmem:s22+$0x0] =	vst v3  }
0x98: {  	v3 =	vld.idx.msk [tilespmem:v25+s30+$0x0], $0xffff;
	[tilespmem:s1+$0x0] =	vst v2  }
0x99: {  	v2 =	vld.idx.msk [tilespmem:v27+s30+$0x0], $0xffff  }
0x9a: {  	s19 =	simm.s32 $0x20  }
0x9b: {  	s20 =	simm.s32 $0x0;
	s16 =	sand.u32 $0x60, s19;
	v7 =	vbroadcast v24, $0x1;
	v4 =	vadd.f32 v4, v6  }
0x9c: {  	s17 =	sand.u32 $0x40, s20;
	s16 =	sadd.s32 s16, s26;
	v5 =	vadd.f32 v5, v6  }
0x9d: {  	s4 =	sor.u32 s17, s26;
	[tilespmem:s16+$0x0] =	vst v4;
	v3 =	vadd.f32 v3, v7  }
0x9e: {  	v4 =	vld.idx.msk [tilespmem:v26+s30+$0x0], $0xffff;
	[tilespmem:s4+$0x0] =	vst v5;
	v2 =	vadd.f32 v2, v7  }
0x9f: {  	v5 =	vld.idx.msk [tilespmem:v28+s30+$0x0], $0xffff;
	[tilespmem:s22+$0x80] =	vst v3  }
0xa0: {  	v3 =	vld.idx.msk [tilespmem:v25+s8+$0x0], $0xffff;
	[tilespmem:s1+$0x80] =	vst v2  }
0xa1: {  	v2 =	vld.idx.msk [tilespmem:v27+s8+$0x0], $0xffff;
	_ =	sdelay $0x1  }
0xa2: {  	v8 =	vbroadcast v24, $0x2;
	v4 =	vadd.f32 v4, v7  }
0xa3: {  	v5 =	vadd.f32 v5, v7  }
0xa4: {  	[tilespmem:s16+$0x80] =	vst v4;
	v3 =	vadd.f32 v3, v8  }
0xa5: {  	v4 =	vld.idx.msk [tilespmem:v26+s8+$0x0], $0xffff;
	[tilespmem:s4+$0x80] =	vst v5;
	v2 =	vadd.f32 v2, v8  }
0xa6: {  	v5 =	vld.idx.msk [tilespmem:v28+s8+$0x0], $0xffff;
	[tilespmem:s22+$0x100] =	vst v3  }
0xa7: {  	v3 =	vld.idx.msk [tilespmem:v25+s9+$0x0], $0xffff;
	[tilespmem:s1+$0x100] =	vst v2  }
0xa8: {  	v2 =	vld.idx.msk [tilespmem:v27+s9+$0x0], $0xffff;
	_ =	sdelay $0x1  }
0xa9: {  	v9 =	vbroadcast v24, $0x3;
	v4 =	vadd.f32 v4, v8  }
0xaa: {  	v5 =	vadd.f32 v5, v8  }
0xab: {  	[tilespmem:s16+$0x100] =	vst v4;
	v3 =	vadd.f32 v3, v9  }
0xac: {  	v4 =	vld.idx.msk [tilespmem:v26+s9+$0x0], $0xffff;
	[tilespmem:s4+$0x100] =	vst v5;
	v2 =	vadd.f32 v2, v9  }
0xad: {  	v5 =	vld.idx.msk [tilespmem:v28+s9+$0x0], $0xffff;
	[tilespmem:s22+$0x180] =	vst v3  }
0xae: {  	v3 =	vld.idx.msk [tilespmem:v25+s11+$0x0], $0xffff;
	[tilespmem:s1+$0x180] =	vst v2  }
0xaf: {  	v2 =	vld.idx.msk [tilespmem:v27+s11+$0x0], $0xffff;
	_ =	sdelay $0x1  }
0xb0: {  	v10 =	vbroadcast v24, $0x4;
	v4 =	vadd.f32 v4, v9  }
0xb1: {  	v5 =	vadd.f32 v5, v9  }
0xb2: {  	[tilespmem:s16+$0x180] =	vst v4;
	v3 =	vadd.f32 v3, v10  }
0xb3: {  	v4 =	vld.idx.msk [tilespmem:v26+s11+$0x0], $0xffff;
	[tilespmem:s4+$0x180] =	vst v5;
	v2 =	vadd.f32 v2, v10  }
0xb4: {  	v5 =	vld.idx.msk [tilespmem:v28+s11+$0x0], $0xffff;
	[tilespmem:s22+$0x200] =	vst v3  }
0xb5: {  	v3 =	vld.idx.msk [tilespmem:v25+s13+$0x0], $0xffff;
	[tilespmem:s1+$0x200] =	vst v2  }
0xb6: {  	v2 =	vld.idx.msk [tilespmem:v27+s13+$0x0], $0xffff;
	_ =	sdelay $0x1  }
0xb7: {  	v11 =	vbroadcast v24, $0x5;
	v4 =	vadd.f32 v4, v10  }
0xb8: {  	v5 =	vadd.f32 v5, v10  }
0xb9: {  	[tilespmem:s16+$0x200] =	vst v4;
	v3 =	vadd.f32 v3, v11  }
0xba: {  	v4 =	vld.idx.msk [tilespmem:v26+s13+$0x0], $0xffff;
	[tilespmem:s4+$0x200] =	vst v5;
	v2 =	vadd.f32 v2, v11  }
0xbb: {  	v5 =	vld.idx.msk [tilespmem:v28+s13+$0x0], $0xffff;
	[tilespmem:s22+$0x280] =	vst v3  }
0xbc: {  	v3 =	vld.idx.msk [tilespmem:v25+s5+$0x0], $0xffff;
	[tilespmem:s1+$0x280] =	vst v2  }
0xbd: {  	s0 =	sadd.s32 $0x40, s23;
	v2 =	vld.idx.msk [tilespmem:v27+s5+$0x0], $0xffff;
	[dreg:$0xf] =	wrdreg s23  }
0xbe: {  	v13 =	vld [tilespmem:s0+$0x10]  }
0xbf: {  	v12 =	vbroadcast v24, $0x6;
	v14 =	vld [tilespmem:s0+$0xFFFFFFF0]  }
0xc0: {  	v15 =	vld [tilespmem:s0+$0x0]  }
0xc1: {  	v3 =	vadd.f32 v3, v12  }
0xc2: {  	v16 =	vld [tilespmem:s0+$0xFFFFFFE0]  }
0xc3: {  	v5 =	vadd.f32 v5, v11;
	v13 =	vshll.u32 v13, $0x4;
	[tilespmem:s22+$0x300] =	vst v3  }
0xc4: {  	v4 =	vadd.f32 v4, v11;
	v3 =	vor.u32 v0, v13;
	v17 =	vld.idx.msk [tilespmem:v25+s28+$0x0], $0xffff;
	v13 =	vshll.u32 v14, $0x4  }
0xc5: {  	[tilespmem:s4+$0x280] =	vst v5;
	v5 =	vadd.f32 v2, v12;
	v2 =	vor.u32 v0, v13;
	v13 =	vshll.u32 v15, $0x4  }
0xc6: {  	[tilespmem:s16+$0x280] =	vst v4;
	v14 =	vld.idx.msk [tilespmem:v28+s5+$0x0], $0xffff;
	v4 =	vor.u32 v0, v13  }
0xc7: {  	[tilespmem:s1+$0x300] =	vst v5;
	v5 =	vshll.u32 v16, $0x4;
	v15 =	vld.idx.msk [tilespmem:v26+s5+$0x0], $0xffff;
	v13 =	vbroadcast v24, $0x7  }
0xc8: {  	v16 =	vld.idx.msk [tilespmem:v27+s28+$0x0], $0xffff;
	v5 =	vor.u32 v0, v5  }
0xc9: {  	v18 =	vld.idx.msk [tilespmem:v3+s12+$0x0], $0xffff;
	v17 =	vadd.f32 v17, v13  }
0xca: {  	v19 =	vld.idx.msk [tilespmem:v2+s12+$0x0], $0xffff  }
0xcb: {  	v14 =	vadd.f32 v14, v12;
	v20 =	vld.idx.msk [tilespmem:v4+s12+$0x0], $0xffff;
	[tilespmem:s22+$0x380] =	vst v17  }
0xcc: {  	s21 =	simm.s32 $0x200;
	v15 =	vadd.f32 v15, v12;
	v17 =	vld.idx.msk [tilespmem:v25+s15+$0x0], $0xffff  }
0xcd: {  	s17 =	sand.u32 $0x1C00, s21;
	s23 =	simm.s32 $0x70;
	v16 =	vadd.f32 v16, v13;
	v21 =	vld.idx.msk [tilespmem:v5+s12+$0x0], $0xffff;
	[tilespmem:s4+$0x300] =	vst v14  }
0xce: {  	s25 =	simm.s32 $0x50;
	s19 =	sor.u32 $0x122A0, s17;
	s24 =	sand.u32 $0x70, s23;
	[tilespmem:s16+$0x300] =	vst v15;
	v15 =	vadd.f32 v18, v6;
	v18 =	vld.idx.msk [tilespmem:v28+s28+$0x0], $0xffff  }
0xcf: {  	s18 =	sand.u32 $0x50, s25;
	s26 =	simm.s32 $0x60;
	s20 =	sadd.s32 s24, s19;
	v14 =	vbroadcast v24, $0x8;
	[tilespmem:s1+$0x380] =	vst v16;
	v16 =	vld.idx.msk [tilespmem:v26+s28+$0x0], $0xffff;
	v19 =	vadd.f32 v19, v6  }
0xd0: {  	s21 =	sand.u32 $0x60, s26;
	s17 =	sor.u32 s18, s19;
	[tilespmem:s20+$0x0] =	vst v15;
	v15 =	vld.idx.msk [tilespmem:v27+s15+$0x0], $0xffff;
	v20 =	vadd.f32 v20, v6  }
0xd1: {  	s18 =	sadd.s32 s21, s19;
	s23 =	simm.s32 $0x40;
	v22 =	vld.idx.msk [tilespmem:v3+s30+$0x0], $0xffff;
	[tilespmem:s17+$0x0] =	vst v19;
	v17 =	vadd.f32 v17, v14  }
0xd2: {  	s21 =	sand.u32 $0x40, s23;
	v19 =	vadd.f32 v21, v6;
	v21 =	vld.idx.msk [tilespmem:v2+s30+$0x0], $0xffff;
	[tilespmem:s18+$0x0] =	vst v20  }
0xd3: {  	s19 =	sor.u32 s21, s19;
	v20 =	vld.idx.msk [tilespmem:v4+s30+$0x0], $0xffff;
	v18 =	vadd.f32 v18, v13;
	[tilespmem:s22+$0x2000] =	vst v17  }
0xd4: {  	v16 =	vadd.f32 v16, v13;
	[tilespmem:s19+$0x0] =	vst v19;
	v17 =	vld.idx.msk [tilespmem:v25+s14+$0x0], $0xffff  }
0xd5: {  	v19 =	vld.idx.msk [tilespmem:v5+s30+$0x0], $0xffff;
	[tilespmem:s4+$0x380] =	vst v18;
	v18 =	vadd.f32 v15, v14  }
0xd6: {  	[tilespmem:s16+$0x380] =	vst v16;
	v22 =	vadd.f32 v22, v7;
	v23 =	vld.idx.msk [tilespmem:v28+s15+$0x0], $0xffff  }
0xd7: {  	v15 =	vbroadcast v24, $0x9;
	v16 =	vld.idx.msk [tilespmem:v26+s15+$0x0], $0xffff;
	[tilespmem:s1+$0x2000] =	vst v18;
	v18 =	vadd.f32 v21, v7  }
0xd8: {  	[tilespmem:s20+$0x80] =	vst v22;
	v21 =	vld.idx.msk [tilespmem:v27+s14+$0x0], $0xffff;
	v20 =	vadd.f32 v20, v7  }
0xd9: {  	v22 =	vld.idx.msk [tilespmem:v3+s8+$0x0], $0xffff;
	[tilespmem:s17+$0x80] =	vst v18;
	v17 =	vadd.f32 v17, v15  }
0xda: {  	v18 =	vadd.f32 v19, v7;
	v19 =	vld.idx.msk [tilespmem:v2+s8+$0x0], $0xffff;
	[tilespmem:s18+$0x80] =	vst v20  }
0xdb: {  	v20 =	vld.idx.msk [tilespmem:v4+s8+$0x0], $0xffff;
	v23 =	vadd.f32 v23, v14;
	[tilespmem:s22+$0x2080] =	vst v17  }
0xdc: {  	v16 =	vadd.f32 v16, v14;
	[tilespmem:s19+$0x80] =	vst v18;
	v17 =	vld.idx.msk [tilespmem:v25+s7+$0x0], $0xffff  }
0xdd: {  	v18 =	vld.idx.msk [tilespmem:v5+s8+$0x0], $0xffff;
	[tilespmem:s4+$0x2000] =	vst v23;
	v21 =	vadd.f32 v21, v15  }
0xde: {  	[tilespmem:s16+$0x2000] =	vst v16;
	v22 =	vadd.f32 v22, v8;
	v23 =	vld.idx.msk [tilespmem:v28+s14+$0x0], $0xffff  }
0xdf: {  	v16 =	vbroadcast v24, $0xA;
	[tilespmem:s1+$0x2080] =	vst v21;
	v21 =	vld.idx.msk [tilespmem:v26+s14+$0x0], $0xffff;
	v19 =	vadd.f32 v19, v8  }
0xe0: {  	[tilespmem:s20+$0x100] =	vst v22;
	v22 =	vld.idx.msk [tilespmem:v27+s7+$0x0], $0xffff;
	v20 =	vadd.f32 v20, v8  }
0xe1: {  	v29 =	vld.idx.msk [tilespmem:v3+s9+$0x0], $0xffff;
	[tilespmem:s17+$0x100] =	vst v19;
	v17 =	vadd.f32 v17, v16  }
0xe2: {  	v18 =	vadd.f32 v18, v8;
	v19 =	vld.idx.msk [tilespmem:v2+s9+$0x0], $0xffff;
	[tilespmem:s18+$0x100] =	vst v20  }
0xe3: {  	v20 =	vld.idx.msk [tilespmem:v4+s9+$0x0], $0xffff;
	v23 =	vadd.f32 v23, v15;
	[tilespmem:s22+$0x2100] =	vst v17  }
0xe4: {  	[tilespmem:s19+$0x100] =	vst v18;
	v17 =	vadd.f32 v21, v15;
	v18 =	vld.idx.msk [tilespmem:v25+s6+$0x0], $0xffff  }
0xe5: {  	v21 =	vld.idx.msk [tilespmem:v5+s9+$0x0], $0xffff;
	[tilespmem:s4+$0x2080] =	vst v23;
	v22 =	vadd.f32 v22, v16  }
0xe6: {  	v23 =	vadd.f32 v29, v9;
	v29 =	vld.idx.msk [tilespmem:v28+s7+$0x0], $0xffff;
	[tilespmem:s16+$0x2080] =	vst v17  }
0xe7: {  	v17 =	vbroadcast v24, $0xB;
	[tilespmem:s1+$0x2100] =	vst v22;
	v22 =	vld.idx.msk [tilespmem:v26+s7+$0x0], $0xffff;
	v19 =	vadd.f32 v19, v9  }
0xe8: {  	[tilespmem:s20+$0x180] =	vst v23;
	v23 =	vld.idx.msk [tilespmem:v27+s6+$0x0], $0xffff;
	v20 =	vadd.f32 v20, v9  }
0xe9: {  	v30 =	vld.idx.msk [tilespmem:v3+s11+$0x0], $0xffff;
	[tilespmem:s17+$0x180] =	vst v19;
	v18 =	vadd.f32 v18, v17  }
0xea: {  	v19 =	vadd.f32 v21, v9;
	v21 =	vld.idx.msk [tilespmem:v2+s11+$0x0], $0xffff;
	[tilespmem:s18+$0x180] =	vst v20  }
0xeb: {  	v20 =	vld.idx.msk [tilespmem:v4+s11+$0x0], $0xffff;
	v29 =	vadd.f32 v29, v16;
	[tilespmem:s22+$0x2180] =	vst v18  }
0xec: {  	[tilespmem:s19+$0x180] =	vst v19;
	v18 =	vadd.f32 v22, v16;
	v22 =	vld.idx.msk [tilespmem:v25+s3+$0x0], $0xffff  }
0xed: {  	v31 =	vld.idx.msk [tilespmem:v5+s11+$0x0], $0xffff;
	[tilespmem:s4+$0x2100] =	vst v29;
	v23 =	vadd.f32 v23, v17  }
0xee: {  	v29 =	vadd.f32 v30, v10;
	v30 =	vld.idx.msk [tilespmem:v28+s6+$0x0], $0xffff;
	[tilespmem:s16+$0x2100] =	vst v18  }
0xef: {  	v19 =	vbroadcast v24, $0xC;
	[tilespmem:s1+$0x2180] =	vst v23;
	v18 =	vld.idx.msk [tilespmem:v26+s6+$0x0], $0xffff;
	v21 =	vadd.f32 v21, v10  }
0xf0: {  	[tilespmem:s20+$0x200] =	vst v29;
	v23 =	vld.idx.msk [tilespmem:v27+s3+$0x0], $0xffff;
	v20 =	vadd.f32 v20, v10  }
0xf1: {  	v29 =	vld.idx.msk [tilespmem:v3+s13+$0x0], $0xffff;
	[tilespmem:s17+$0x200] =	vst v21;
	v21 =	vadd.f32 v22, v19  }
0xf2: {  	v22 =	vadd.f32 v31, v10;
	v31 =	vld.idx.msk [tilespmem:v2+s13+$0x0], $0xffff;
	[tilespmem:s18+$0x200] =	vst v20  }
0xf3: {  	v32 =	vld.idx.msk [tilespmem:v4+s13+$0x0], $0xffff;
	v20 =	vadd.f32 v30, v17;
	[tilespmem:s22+$0x2200] =	vst v21  }
0xf4: {  	[tilespmem:s19+$0x200] =	vst v22;
	v18 =	vadd.f32 v18, v17;
	v21 =	vld.idx.msk [tilespmem:v25+s2+$0x0], $0xffff  }
0xf5: {  	v22 =	vld.idx.msk [tilespmem:v5+s13+$0x0], $0xffff;
	[tilespmem:s4+$0x2180] =	vst v20;
	v23 =	vadd.f32 v23, v19  }
0xf6: {  	v29 =	vadd.f32 v29, v11;
	v30 =	vld.idx.msk [tilespmem:v28+s3+$0x0], $0xffff;
	[tilespmem:s16+$0x2180] =	vst v18  }
0xf7: {  	[tilespmem:s1+$0x2200] =	vst v23;
	v23 =	vld.idx.msk [tilespmem:v26+s3+$0x0], $0xffff;
	v18 =	vadd.f32 v31, v11  }
0xf8: {  	v20 =	vbroadcast v24, $0xD;
	[tilespmem:s20+$0x280] =	vst v29;
	v29 =	vld.idx.msk [tilespmem:v27+s2+$0x0], $0xffff  }
0xf9: {  	v31 =	vld.idx.msk [tilespmem:v3+s5+$0x0], $0xffff;
	[tilespmem:s17+$0x280] =	vst v18  }
0xfa: {  	v18 =	vadd.f32 v21, v20;
	v21 =	vld.idx.msk [tilespmem:v2+s5+$0x0], $0xffff;
	[dreg:$0x10] =	wrdreg s0;
	s0 =	sadd.s32 $0x40, s0  }
0xfb: {  	v33 =	vld [tilespmem:s0+$0x10]  }
0xfc: {  	v35 =	vld [tilespmem:s0+$0xFFFFFFF0]  }
0xfd: {  	[tilespmem:s22+$0x2280] =	vst v18;
	v36 =	vld [tilespmem:s0+$0x0]  }
0xfe: {  	v18 =	vadd.f32 v22, v11;
	v34 =	vld.idx.msk [tilespmem:v25+s10+$0x0], $0xffff  }
0xff: {  	v22 =	vadd.f32 v31, v12  }
0x100: {  	v52 =	vld [tilespmem:s0+$0xFFFFFFE0];
	v30 =	vadd.f32 v30, v19;
	[tilespmem:s19+$0x280] =	vst v18;
	v31 =	vadd.f32 v32, v11  }
0x101: {  	v56 =	vadd.f32 v23, v19;
	v18 =	vbroadcast v24, $0xE;
	v37 =	vld.idx.msk [tilespmem:v5+s5+$0x0], $0xffff;
	v33 =	vshll.u32 v33, $0x4;
	[tilespmem:s20+$0x300] =	vst v22  }
0x102: {  	v21 =	vadd.f32 v21, v12;
	[tilespmem:s18+$0x280] =	vst v31;
	v22 =	vor.u32 v0, v33;
	v31 =	vld.idx.msk [tilespmem:v3+s28+$0x0], $0xffff  }
0x103: {  	[tilespmem:s4+$0x2200] =	vst v30;
	v53 =	vshll.u32 v35, $0x4;
	v30 =	vshll.u32 v36, $0x4;
	v54 =	vld.idx.msk [tilespmem:v4+s5+$0x0], $0xffff;
	v34 =	vadd.f32 v34, v18  }
0x104: {  	[tilespmem:s17+$0x300] =	vst v21;
	v21 =	vor.u32 v0, v53;
	v23 =	vor.u32 v0, v30;
	v30 =	vld.idx.msk [tilespmem:v28+s2+$0x0], $0xffff  }
0x105: {  	v29 =	vadd.f32 v29, v20;
	v55 =	vld.idx.msk [tilespmem:v2+s28+$0x0], $0xffff;
	[tilespmem:s22+$0x2300] =	vst v34  }
0x106: {  	[tilespmem:s16+$0x2200] =	vst v56;
	v58 =	vadd.f32 v37, v12;
	v34 =	vld.idx.msk [tilespmem:v25+s31+$0x0], $0xffff  }
0x107: {  	[tilespmem:s1+$0x2280] =	vst v29;
	v32 =	vshll.u32 v52, $0x4;
	v57 =	vld.idx.msk [tilespmem:v22+s12+$0x0], $0xffff;
	v29 =	vadd.f32 v31, v13  }
0x108: {  	v25 =	vor.u32 v0, v32;
	[tilespmem:s19+$0x300] =	vst v58;
	v31 =	vld.idx.msk [tilespmem:v26+s2+$0x0], $0xffff;
	v35 =	vadd.f32 v54, v12  }
0x109: {  	v24 =	vbroadcast v24, $0xF;
	v59 =	vld.idx.msk [tilespmem:v21+s12+$0x0], $0xffff;
	v30 =	vadd.f32 v30, v20;
	[tilespmem:s20+$0x380] =	vst v29  }
0x10a: {  	s25 =	simm.s32 $0x400;
	v63 =	vld.idx.msk [tilespmem:v5+s28+$0x0], $0xffff;
	v33 =	vadd.f32 v55, v13;
	[tilespmem:s18+$0x300] =	vst v35  }
0x10b: {  	s26 =	simm.s32 $0xB0;
	s24 =	sand.u32 $0x1C00, s25;
	v60 =	vld.idx.msk [tilespmem:v23+s12+$0x0], $0xffff;
	[tilespmem:s4+$0x2280] =	vst v30;
	v62 =	vadd.f32 v34, v24  }
0x10c: {  	s23 =	sor.u32 $0x122A0, s24;
	s21 =	sand.u32 $0x70, s26;
	v29 =	vld.idx.msk [tilespmem:v3+s15+$0x0], $0xffff;
	[tilespmem:s17+$0x380] =	vst v33;
	v32 =	vadd.f32 v57, v6  }
0x10d: {  	s24 =	simm.s32 $0x90;
	s21 =	sadd.s32 s21, s23;
	v61 =	vld.idx.msk [tilespmem:v25+s12+$0x0], $0xffff;
	v31 =	vadd.f32 v31, v20;
	[tilespmem:s22+$0x2380] =	vst v62  }
0x10e: {  	s24 =	sand.u32 $0x50, s24;
	v41 =	vld.idx.msk [tilespmem:v2+s15+$0x0], $0xffff;
	s22 =	simm.s32 $0xA0;
	v40 =	vadd.f32 v59, v6;
	[tilespmem:s21+$0x0] =	vst v32  }
0x10f: {  	v30 =	vld.idx.msk [tilespmem:v4+s28+$0x0], $0xffff;
	v34 =	vadd.f32 v63, v13;
	s28 =	sand.u32 $0x60, s22;
	s22 =	sor.u32 s24, s23;
	[tilespmem:s16+$0x2280] =	vst v31  }
0x110: {  	v36 =	vadd.f32 v60, v6;
	[tilespmem:s22+$0x0] =	vst v40;
	v31 =	vld.idx.msk [tilespmem:v28+s10+$0x0], $0xffff  }
0x111: {  	s29 =	simm.s32 $0x80;
	s24 =	sadd.s32 s28, s23;
	[tilespmem:s19+$0x380] =	vst v34;
	v42 =	vld.idx.msk [tilespmem:v22+s30+$0x0], $0xffff;
	v29 =	vadd.f32 v29, v14  }
0x112: {  	s28 =	sand.u32 $0x40, s29;
	v43 =	vadd.f32 v61, v6;
	v44 =	vld.idx.msk [tilespmem:v21+s30+$0x0], $0xffff;
	[tilespmem:s24+$0x0] =	vst v36  }
0x113: {  	s23 =	sor.u32 s28, s23;
	v46 =	vld.idx.msk [tilespmem:v5+s15+$0x0], $0xffff;
	v32 =	vadd.f32 v41, v14;
	[tilespmem:s20+$0x2000] =	vst v29  }
0x114: {  	v36 =	vld.idx.msk [tilespmem:v23+s30+$0x0], $0xffff;
	[tilespmem:s23+$0x0] =	vst v43;
	v29 =	vadd.f32 v30, v13  }
0x115: {  	v30 =	vld.idx.msk [tilespmem:v3+s14+$0x0], $0xffff;
	[tilespmem:s17+$0x2000] =	vst v32;
	v31 =	vadd.f32 v31, v18  }
0x116: {  	v33 =	vld.idx.msk [tilespmem:v25+s30+$0x0], $0xffff;
	[tilespmem:s18+$0x380] =	vst v29;
	v45 =	vadd.f32 v42, v7  }
0x117: {  	v48 =	vld.idx.msk [tilespmem:v2+s14+$0x0], $0xffff;
	v47 =	vadd.f32 v44, v7;
	[tilespmem:s4+$0x2300] =	vst v31  }
0x118: {  	v29 =	vld.idx.msk [tilespmem:v4+s15+$0x0], $0xffff;
	v37 =	vadd.f32 v46, v14;
	[tilespmem:s21+$0x80] =	vst v45  }
0x119: {  	v49 =	vadd.f32 v36, v7;
	v31 =	vld.idx.msk [tilespmem:v27+s10+$0x0], $0xffff;
	[tilespmem:s22+$0x80] =	vst v47  }
0x11a: {  	[tilespmem:s19+$0x2000] =	vst v37;
	v28 =	vld.idx.msk [tilespmem:v28+s31+$0x0], $0xffff;
	v30 =	vadd.f32 v30, v15  }
0x11b: {  	v50 =	vld.idx.msk [tilespmem:v22+s8+$0x0], $0xffff;
	v51 =	vadd.f32 v33, v7;
	[tilespmem:s24+$0x80] =	vst v49  }
0x11c: {  	v52 =	vld.idx.msk [tilespmem:v21+s8+$0x0], $0xffff;
	v34 =	vadd.f32 v48, v15;
	[tilespmem:s20+$0x2080] =	vst v30  }
0x11d: {  	v37 =	vld.idx.msk [tilespmem:v5+s14+$0x0], $0xffff;
	[tilespmem:s23+$0x80] =	vst v51;
	v29 =	vadd.f32 v29, v14  }
0x11e: {  	v35 =	vld.idx.msk [tilespmem:v23+s8+$0x0], $0xffff;
	[tilespmem:s17+$0x2080] =	vst v34;
	v31 =	vadd.f32 v31, v18  }
0x11f: {  	v30 =	vld.idx.msk [tilespmem:v3+s7+$0x0], $0xffff;
	[tilespmem:s18+$0x2000] =	vst v29;
	v28 =	vadd.f32 v28, v24  }
0x120: {  	v32 =	vld.idx.msk [tilespmem:v25+s8+$0x0], $0xffff;
	v36 =	vadd.f32 v50, v8;
	[tilespmem:s1+$0x2300] =	vst v31  }
0x121: {  	v34 =	vld.idx.msk [tilespmem:v2+s7+$0x0], $0xffff;
	v33 =	vadd.f32 v52, v8;
	[tilespmem:s4+$0x2380] =	vst v28  }
0x122: {  	v29 =	vld.idx.msk [tilespmem:v4+s14+$0x0], $0xffff;
	v37 =	vadd.f32 v37, v15;
	[tilespmem:s21+$0x100] =	vst v36  }
0x123: {  	v31 =	vld.idx.msk [tilespmem:v26+s10+$0x0], $0xffff;
	v35 =	vadd.f32 v35, v8;
	[tilespmem:s22+$0x100] =	vst v33  }
0x124: {  	[tilespmem:s19+$0x2080] =	vst v37;
	v36 =	vld.idx.msk [tilespmem:v22+s9+$0x0], $0xffff;
	v30 =	vadd.f32 v30, v16  }
0x125: {  	v32 =	vadd.f32 v32, v8;
	v33 =	vld.idx.msk [tilespmem:v21+s9+$0x0], $0xffff;
	[tilespmem:s24+$0x100] =	vst v35  }
0x126: {  	v37 =	vld.idx.msk [tilespmem:v5+s7+$0x0], $0xffff;
	v34 =	vadd.f32 v34, v16;
	[tilespmem:s20+$0x2100] =	vst v30  }
0x127: {  	v35 =	vld.idx.msk [tilespmem:v23+s9+$0x0], $0xffff;
	[tilespmem:s23+$0x100] =	vst v32;
	v29 =	vadd.f32 v29, v15  }
0x128: {  	v31 =	vadd.f32 v31, v18;
	v30 =	vld.idx.msk [tilespmem:v3+s6+$0x0], $0xffff;
	[tilespmem:s17+$0x2100] =	vst v34  }
0x129: {  	v32 =	vld.idx.msk [tilespmem:v25+s9+$0x0], $0xffff;
	[tilespmem:s18+$0x2080] =	vst v29;
	v36 =	vadd.f32 v36, v9  }
0x12a: {  	[tilespmem:s16+$0x2300] =	vst v31;
	v29 =	vld.idx.msk [tilespmem:v4+s7+$0x0], $0xffff;
	v33 =	vadd.f32 v33, v9  }
0x12b: {  	v34 =	vld.idx.msk [tilespmem:v2+s6+$0x0], $0xffff;
	v55 =	vadd.f32 v37, v16;
	[tilespmem:s21+$0x180] =	vst v36  }
0x12c: {  	v35 =	vadd.f32 v35, v9;
	[tilespmem:s22+$0x180] =	vst v33;
	v36 =	vld.idx.msk [tilespmem:v22+s11+$0x0], $0xffff  }
0x12d: {  	[tilespmem:s19+$0x2100] =	vst v55;
	v30 =	vadd.f32 v30, v17;
	v53 =	vld.idx.msk [tilespmem:v21+s11+$0x0], $0xffff  }
0x12e: {  	v31 =	vadd.f32 v32, v9;
	[tilespmem:s24+$0x180] =	vst v35;
	v57 =	vld.idx.msk [tilespmem:v5+s6+$0x0], $0xffff  }
0x12f: {  	v54 =	vld.idx.msk [tilespmem:v23+s11+$0x0], $0xffff;
	[tilespmem:s20+$0x2180] =	vst v30;
	v29 =	vadd.f32 v29, v16  }
0x130: {  	v34 =	vadd.f32 v34, v17;
	[tilespmem:s23+$0x180] =	vst v31;
	v30 =	vld.idx.msk [tilespmem:v3+s3+$0x0], $0xffff  }
0x131: {  	v31 =	vld.idx.msk [tilespmem:v25+s11+$0x0], $0xffff;
	[tilespmem:s18+$0x2100] =	vst v29;
	v56 =	vadd.f32 v36, v10  }
0x132: {  	[tilespmem:s17+$0x2180] =	vst v34;
	v29 =	vld.idx.msk [tilespmem:v4+s6+$0x0], $0xffff;
	v32 =	vadd.f32 v53, v10  }
0x133: {  	v34 =	vld.idx.msk [tilespmem:v2+s3+$0x0], $0xffff;
	v59 =	vadd.f32 v57, v17;
	[tilespmem:s21+$0x200] =	vst v56  }
0x134: {  	v27 =	vld.idx.msk [tilespmem:v27+s31+$0x0], $0xffff;
	v33 =	vadd.f32 v54, v10;
	[tilespmem:s22+$0x200] =	vst v32  }
0x135: {  	[tilespmem:s19+$0x2180] =	vst v59;
	v35 =	vld.idx.msk [tilespmem:v22+s13+$0x0], $0xffff;
	v28 =	vadd.f32 v30, v19  }
0x136: {  	v30 =	vadd.f32 v31, v10;
	v31 =	vld.idx.msk [tilespmem:v21+s13+$0x0], $0xffff;
	[tilespmem:s24+$0x200] =	vst v33  }
0x137: {  	v58 =	vld.idx.msk [tilespmem:v23+s13+$0x0], $0xffff;
	[tilespmem:s20+$0x2200] =	vst v28;
	v28 =	vadd.f32 v29, v17  }
0x138: {  	[tilespmem:s23+$0x200] =	vst v30;
	v29 =	vadd.f32 v34, v19;
	v30 =	vld.idx.msk [tilespmem:v5+s3+$0x0], $0xffff  }
0x139: {  	v60 =	vld.idx.msk [tilespmem:v3+s2+$0x0], $0xffff;
	[tilespmem:s18+$0x2180] =	vst v28;
	v28 =	vadd.f32 v27, v24  }
0x13a: {  	v61 =	vld.idx.msk [tilespmem:v25+s13+$0x0], $0xffff;
	[tilespmem:s17+$0x2200] =	vst v29;
	v62 =	vadd.f32 v35, v11  }
0x13b: {  	s29 =	sadd.s32 $0x40, s0;
	v29 =	vld.idx.msk [tilespmem:v4+s3+$0x0], $0xffff;
	v31 =	vadd.f32 v31, v11;
	[tilespmem:s1+$0x2380] =	vst v28  }
0x13c: {  	s28 =	simm.s32 $0x8;
	s8 =	simm.s32 $0x850;
	s14 =	simm.s32 $0x5320;
	v27 =	vld.idx.msk [tilespmem:v2+s2+$0x0], $0xffff;
	v63 =	vadd.f32 v58, v11;
	[tilespmem:s21+$0x280] =	vst v62  }
0x13d: {  	s10 =	simm.s32 $0x4AD0;
	s9 =	simm.s32 $0x10A0;
	s11 =	simm.s32 $0x18F0;
	v28 =	vld.idx.msk [tilespmem:v26+s31+$0x0], $0xffff;
	[tilespmem:s22+$0x280] =	vst v31  }
0x13e: {  	s6 =	simm.s32 $0x4280;
	s13 =	simm.s32 $0x2140;
	s2 =	simm.s32 $0x2990;
	v32 =	vld.idx.msk [tilespmem:v22+s5+$0x0], $0xffff;
	v31 =	vadd.f32 v60, v20;
	[tilespmem:s24+$0x280] =	vst v63  }
0x13f: {  	v33 =	vadd.f32 v61, v11;
	v26 =	vld.idx.msk [tilespmem:v21+s5+$0x0], $0xffff;
	s5 =	simm.s32 $0x3A30;
	[dreg:$0xd] =	wrdreg s0;
	s0 =	simm.s32 $0x31E0  }
.LBB2_6:
0x140: {  	v34 =	vld [tilespmem:s29+$0x10];
	s28 =	sadd.s32 $0x4, s28;
	v30 =	vadd.f32 v30, v19;
	[tilespmem:s20+$0x2280] =	vst v31;
	s7 =	simm.s32 $0x7460  }
0x141: {  	v29 =	vadd.f32 v29, v19;
	p3 =	slt.u32 s28, $0x3C;
	[tilespmem:s23+$0x280] =	vst v33;
	v31 =	vld.idx.msk [tilespmem:v3+s7+$0x0], $0xffff  }
0x142: {  	v27 =	vadd.f32 v27, v20;
	v33 =	vld [tilespmem:s29+$0xFFFFFFF0];
	[tilespmem:s19+$0x2200] =	vst v30  }
0x143: {  	v32 =	vadd.f32 v32, v12;
	v30 =	vld [tilespmem:s29+$0x0];
	[tilespmem:s18+$0x2200] =	vst v29  }
0x144: {  	v29 =	vld [tilespmem:s29+$0xFFFFFFE0];
	[tilespmem:s17+$0x2280] =	vst v27;
	v27 =	vadd.f32 v28, v24  }
0x145: {  	v26 =	vadd.f32 v26, v12;
	v28 =	vshll.u32 v34, $0x4;
	v34 =	vld.idx.msk [tilespmem:v25+s0+$0x0], $0xffff;
	[tilespmem:s21+$0x300] =	vst v32  }
0x146: {  	v32 =	vor.u32 v0, v28;
	v35 =	vld.idx.msk [tilespmem:v22+s5+$0x0], $0xffff;
	[tilespmem:s16+$0x2380] =	vst v27;
	s16 =	smov.u32 s18;
	s18 =	smov.u32 s24  }
0x147: {  	v28 =	vadd.f32 v31, v18;
	v27 =	vshll.u32 v33, $0x4;
	[tilespmem:s22+$0x300] =	vst v26;
	v33 =	vld.idx.msk [tilespmem:v23+s0+$0x0], $0xffff  }
0x148: {  	s15 =	simm.s32 $0x6C10;
	v27 =	vor.u32 v0, v27;
	v26 =	vshll.u32 v30, $0x4;
	v30 =	vld.idx.msk [tilespmem:v21+s5+$0x0], $0xffff  }
0x149: {  	v29 =	vshll.u32 v29, $0x4;
	v26 =	vor.u32 v0, v26;
	v31 =	vld.idx.msk [tilespmem:v5+s15+$0x0], $0xffff;
	[tilespmem:s20+$0x2300] =	vst v28  }
0x14a: {  	v28 =	vor.u32 v0, v29;
	v29 =	vld.idx.msk [tilespmem:v3+s31+$0x0], $0xffff;
	v3 =	vmov v22;
	v22 =	vmov v32  }
0x14b: {  	v34 =	vadd.f32 v34, v12;
	v32 =	vld.idx.msk [tilespmem:v32+s12+$0x0], $0xffff  }
0x14c: {  	v35 =	vadd.f32 v35, v13;
	v36 =	vld.idx.msk [tilespmem:v4+s15+$0x0], $0xffff  }
0x14d: {  	v33 =	vadd.f32 v33, v12;
	v37 =	vld.idx.msk [tilespmem:v27+s12+$0x0], $0xffff;
	[tilespmem:s23+$0x300] =	vst v34  }
0x14e: {  	v30 =	vadd.f32 v30, v13;
	v34 =	vld.idx.msk [tilespmem:v26+s12+$0x0], $0xffff;
	[tilespmem:s21+$0x380] =	vst v35  }
0x14f: {  	s25 =	sadd.s32 $0x200, s25;
	s26 =	sadd.s32 $0x40, s26;
	v31 =	vadd.f32 v31, v20;
	[tilespmem:s18+$0x300] =	vst v33;
	v33 =	vld.idx.msk [tilespmem:v3+s6+$0x0], $0xffff  }
0x150: {  	s3 =	simm.s32 $0x7CB0;
	s30 =	sadd.s32 $0xFFFFFFD0, s26;
	s24 =	sand.u32 $0x1C00, s25;
	v29 =	vadd.f32 v29, v24;
	v35 =	vld.idx.msk [tilespmem:v28+s12+$0x0], $0xffff;
	[tilespmem:s22+$0x380] =	vst v30  }
0x151: {  	s1 =	sadd.s32 $0xFFFFFFE0, s26;
	s24 =	sor.u32 $0x122A0, s24;
	s31 =	sand.u32 $0x70, s26;
	v30 =	vadd.f32 v32, v6;
	v32 =	vld.idx.msk [tilespmem:v25+s5+$0x0], $0xffff;
	[tilespmem:s19+$0x2280] =	vst v31  }
0x152: {  	s1 =	sand.u32 $0x50, s1;
	s4 =	sadd.s32 s31, s24;
	s12 =	sadd.s32 $0xFFFFFFF0, s26;
	v36 =	vadd.f32 v36, v20;
	v31 =	vld.idx.msk [tilespmem:v23+s5+$0x0], $0xffff;
	[tilespmem:s20+$0x2380] =	vst v29  }
0x153: {  	s12 =	sand.u32 $0x60, s12;
	s20 =	sand.u32 $0x40, s30;
	v29 =	vadd.f32 v37, v6;
	s30 =	sor.u32 s1, s24;
	[tilespmem:s4+$0x0] =	vst v30;
	v30 =	vld.idx.msk [tilespmem:v21+s6+$0x0], $0xffff  }
0x154: {  	s31 =	sor.u32 s20, s24;
	v34 =	vadd.f32 v34, v6;
	s24 =	sadd.s32 s12, s24;
	s12 =	simm.s32 $0x0;
	v37 =	vld.idx.msk [tilespmem:v22+s8+$0x0], $0xffff;
	[tilespmem:s16+$0x2280] =	vst v36  }
0x155: {  	s20 =	smov.u32 s21;
	s21 =	smov.u32 s4;
	[tilespmem:s30+$0x0] =	vst v29;
	v29 =	vadd.f32 v33, v14;
	v33 =	vld.idx.msk [tilespmem:v5+s7+$0x0], $0xffff  }
0x156: {  	v35 =	vadd.f32 v35, v6;
	v36 =	vld.idx.msk [tilespmem:v27+s8+$0x0], $0xffff;
	[tilespmem:s24+$0x0] =	vst v34  }
0x157: {  	v32 =	vadd.f32 v32, v13;
	v34 =	vld.idx.msk [tilespmem:v26+s8+$0x0], $0xffff;
	[tilespmem:s20+$0x2000] =	vst v29  }
0x158: {  	v29 =	vadd.f32 v31, v13;
	[tilespmem:s31+$0x0] =	vst v35;
	v31 =	vld.idx.msk [tilespmem:v3+s10+$0x0], $0xffff  }
0x159: {  	v30 =	vadd.f32 v30, v14;
	v35 =	vld.idx.msk [tilespmem:v28+s8+$0x0], $0xffff;
	[tilespmem:s23+$0x380] =	vst v32  }
0x15a: {  	v32 =	vadd.f32 v37, v7;
	v37 =	vld.idx.msk [tilespmem:v25+s6+$0x0], $0xffff;
	[tilespmem:s18+$0x380] =	vst v29  }
0x15b: {  	[tilespmem:s22+$0x2000] =	vst v30;
	v29 =	vld.idx.msk [tilespmem:v23+s6+$0x0], $0xffff;
	v30 =	vadd.f32 v33, v18  }
0x15c: {  	v33 =	vadd.f32 v36, v7;
	[tilespmem:s21+$0x80] =	vst v32;
	v32 =	vld.idx.msk [tilespmem:v21+s10+$0x0], $0xffff  }
0x15d: {  	v34 =	vadd.f32 v34, v7;
	v36 =	vld.idx.msk [tilespmem:v22+s9+$0x0], $0xffff;
	[tilespmem:s19+$0x2300] =	vst v30  }
0x15e: {  	v30 =	vadd.f32 v31, v15;
	[tilespmem:s30+$0x80] =	vst v33;
	v31 =	vld.idx.msk [tilespmem:v2+s7+$0x0], $0xffff  }
0x15f: {  	v33 =	vadd.f32 v35, v7;
	v35 =	vld.idx.msk [tilespmem:v27+s9+$0x0], $0xffff;
	[tilespmem:s24+$0x80] =	vst v34  }
0x160: {  	v37 =	vadd.f32 v37, v14;
	v34 =	vld.idx.msk [tilespmem:v26+s9+$0x0], $0xffff;
	[tilespmem:s20+$0x2080] =	vst v30  }
0x161: {  	v29 =	vadd.f32 v29, v14;
	[tilespmem:s31+$0x80] =	vst v33;
	v30 =	vld.idx.msk [tilespmem:v3+s14+$0x0], $0xffff  }
0x162: {  	v32 =	vadd.f32 v32, v15;
	v33 =	vld.idx.msk [tilespmem:v28+s9+$0x0], $0xffff;
	[tilespmem:s23+$0x2000] =	vst v37  }
0x163: {  	v36 =	vadd.f32 v36, v8;
	v37 =	vld.idx.msk [tilespmem:v25+s10+$0x0], $0xffff;
	[tilespmem:s18+$0x2000] =	vst v29  }
0x164: {  	v31 =	vadd.f32 v31, v18;
	[tilespmem:s22+$0x2080] =	vst v32;
	v29 =	vld.idx.msk [tilespmem:v23+s10+$0x0], $0xffff  }
0x165: {  	v32 =	vadd.f32 v35, v8;
	[tilespmem:s21+$0x100] =	vst v36;
	v35 =	vld.idx.msk [tilespmem:v21+s14+$0x0], $0xffff  }
0x166: {  	v34 =	vadd.f32 v34, v8;
	v36 =	vld.idx.msk [tilespmem:v22+s11+$0x0], $0xffff;
	[tilespmem:s17+$0x2300] =	vst v31  }
0x167: {  	v30 =	vadd.f32 v30, v16;
	[tilespmem:s30+$0x100] =	vst v32;
	v31 =	vld.idx.msk [tilespmem:v4+s7+$0x0], $0xffff  }
0x168: {  	v32 =	vadd.f32 v33, v8;
	v33 =	vld.idx.msk [tilespmem:v27+s11+$0x0], $0xffff;
	[tilespmem:s24+$0x100] =	vst v34  }
0x169: {  	s4 =	simm.s32 $0x5B70;
	v37 =	vadd.f32 v37, v15;
	v34 =	vld.idx.msk [tilespmem:v26+s11+$0x0], $0xffff;
	[tilespmem:s20+$0x2100] =	vst v30  }
0x16a: {  	v29 =	vadd.f32 v29, v15;
	[tilespmem:s31+$0x100] =	vst v32;
	v30 =	vld.idx.msk [tilespmem:v3+s4+$0x0], $0xffff  }
0x16b: {  	v35 =	vadd.f32 v35, v16;
	v32 =	vld.idx.msk [tilespmem:v28+s11+$0x0], $0xffff;
	[tilespmem:s23+$0x2080] =	vst v37  }
0x16c: {  	v36 =	vadd.f32 v36, v9;
	v37 =	vld.idx.msk [tilespmem:v25+s14+$0x0], $0xffff;
	[tilespmem:s18+$0x2080] =	vst v29  }
0x16d: {  	v31 =	vadd.f32 v31, v18;
	[tilespmem:s22+$0x2100] =	vst v35;
	v29 =	vld.idx.msk [tilespmem:v23+s14+$0x0], $0xffff  }
0x16e: {  	v33 =	vadd.f32 v33, v9;
	[tilespmem:s21+$0x180] =	vst v36;
	v35 =	vld.idx.msk [tilespmem:v21+s4+$0x0], $0xffff  }
0x16f: {  	v34 =	vadd.f32 v34, v9;
	v36 =	vld.idx.msk [tilespmem:v22+s13+$0x0], $0xffff;
	[tilespmem:s16+$0x2300] =	vst v31  }
0x170: {  	v30 =	vadd.f32 v30, v17;
	[tilespmem:s30+$0x180] =	vst v33;
	v31 =	vld.idx.msk [tilespmem:v5+s3+$0x0], $0xffff;
	v5 =	vmov v25;
	v25 =	vmov v28  }
0x171: {  	v32 =	vadd.f32 v32, v9;
	v33 =	vld.idx.msk [tilespmem:v27+s13+$0x0], $0xffff;
	[tilespmem:s24+$0x180] =	vst v34  }
0x172: {  	s1 =	simm.s32 $0x63C0;
	v37 =	vadd.f32 v37, v16;
	v34 =	vld.idx.msk [tilespmem:v26+s13+$0x0], $0xffff;
	[tilespmem:s20+$0x2180] =	vst v30  }
0x173: {  	v29 =	vadd.f32 v29, v16;
	[tilespmem:s31+$0x180] =	vst v32;
	v30 =	vld.idx.msk [tilespmem:v3+s1+$0x0], $0xffff  }
0x174: {  	v32 =	vadd.f32 v35, v17;
	v28 =	vld.idx.msk [tilespmem:v28+s13+$0x0], $0xffff;
	[tilespmem:s23+$0x2100] =	vst v37  }
0x175: {  	v35 =	vadd.f32 v36, v10;
	v36 =	vld.idx.msk [tilespmem:v5+s4+$0x0], $0xffff;
	[tilespmem:s18+$0x2100] =	vst v29  }
0x176: {  	v31 =	vadd.f32 v31, v24;
	[tilespmem:s22+$0x2180] =	vst v32;
	v29 =	vld.idx.msk [tilespmem:v23+s4+$0x0], $0xffff  }
0x177: {  	v32 =	vadd.f32 v33, v10;
	[tilespmem:s21+$0x200] =	vst v35;
	v33 =	vld.idx.msk [tilespmem:v21+s1+$0x0], $0xffff  }
0x178: {  	v34 =	vadd.f32 v34, v10;
	v35 =	vld.idx.msk [tilespmem:v22+s2+$0x0], $0xffff;
	[tilespmem:s19+$0x2380] =	vst v31;
	s19 =	smov.u32 s23;
	s23 =	smov.u32 s31;
	s31 =	simm.s32 $0x7CB0  }
0x179: {  	v30 =	vadd.f32 v30, v19;
	[tilespmem:s30+$0x200] =	vst v32;
	v31 =	vld.idx.msk [tilespmem:v2+s31+$0x0], $0xffff;
	v2 =	vmov v21;
	v21 =	vmov v27  }
0x17a: {  	v28 =	vadd.f32 v28, v10;
	v27 =	vld.idx.msk [tilespmem:v27+s2+$0x0], $0xffff;
	[tilespmem:s24+$0x200] =	vst v34  }
0x17b: {  	v34 =	vadd.f32 v36, v17;
	v32 =	vld.idx.msk [tilespmem:v26+s2+$0x0], $0xffff;
	[tilespmem:s20+$0x2200] =	vst v30  }
0x17c: {  	[tilespmem:s23+$0x200] =	vst v28;
	v28 =	vadd.f32 v29, v17;
	v36 =	vld.idx.msk [tilespmem:v3+s15+$0x0], $0xffff  }
0x17d: {  	v29 =	vadd.f32 v33, v19;
	v37 =	vld.idx.msk [tilespmem:v25+s2+$0x0], $0xffff;
	[tilespmem:s19+$0x2180] =	vst v34  }
0x17e: {  	v33 =	vadd.f32 v35, v11;
	v30 =	vld.idx.msk [tilespmem:v5+s1+$0x0], $0xffff;
	[tilespmem:s18+$0x2180] =	vst v28  }
.Ltmp6:
0x17f: {  	v28 =	vadd.f32 v31, v24;
	[tilespmem:s22+$0x2200] =	vst v29;
	v29 =	vld.idx.msk [tilespmem:v23+s1+$0x0], $0xffff;
	(pc) =	sbr.rel @p3 .LBB2_6-.Ltmp6, $4  }
0x180: {  	v31 =	vadd.f32 v27, v11;
	[tilespmem:s21+$0x280] =	vst v33;
	v27 =	vld.idx.msk [tilespmem:v2+s15+$0x0], $0xffff  }
0x181: {  	v34 =	vadd.f32 v32, v11;
	v32 =	vld.idx.msk [tilespmem:v22+s0+$0x0], $0xffff;
	[tilespmem:s17+$0x2380] =	vst v28;
	s17 =	smov.u32 s22;
	s22 =	smov.u32 s30  }
0x182: {  	[tilespmem:s22+$0x280] =	vst v31;
	v31 =	vadd.f32 v36, v20;
	v28 =	vld.idx.msk [tilespmem:v4+s31+$0x0], $0xffff;
	v4 =	vmov v23;
	v23 =	vmov v26  }
0x183: {  	s29 =	sadd.s32 $0x40, s29;
	v33 =	vadd.f32 v37, v11;
	v26 =	vld.idx.msk [tilespmem:v21+s0+$0x0], $0xffff;
	[tilespmem:s24+$0x280] =	vst v34  }
0x184: {  	_ =	sdelay $0x2  }
0x185: {  	[tilespmem:s23+$0x280] =	vst v33  }
0x186: {  	v6 =	vld.idx.msk [tilespmem:v25+s0+$0x0], $0xffff  }
0x187: {  	v8 =	vadd.f32 v32, v12  }
0x188: {  	v7 =	vld.idx.msk [tilespmem:v23+s0+$0x0], $0xffff  }
0x189: {  	v9 =	vadd.f32 v26, v12;
	[tilespmem:s21+$0x300] =	vst v8  }
0x18a: {  	v8 =	vld.idx.msk [tilespmem:v22+s5+$0x0], $0xffff  }
0x18b: {  	[tilespmem:s22+$0x300] =	vst v9;
	v6 =	vadd.f32 v6, v12  }
0x18c: {  	v9 =	vld.idx.msk [tilespmem:v21+s5+$0x0], $0xffff  }
0x18d: {  	[tilespmem:s23+$0x300] =	vst v6;
	v6 =	vadd.f32 v7, v12;
	_ =	sdelay $0x1  }
0x18e: {  	v7 =	vld.idx.msk [tilespmem:v25+s5+$0x0], $0xffff;
	v8 =	vadd.f32 v8, v13;
	[tilespmem:s24+$0x300] =	vst v6  }
0x18f: {  	v6 =	vld.idx.msk [tilespmem:v23+s5+$0x0], $0xffff  }
0x190: {  	v9 =	vadd.f32 v9, v13;
	[tilespmem:s21+$0x380] =	vst v8  }
0x191: {  	v8 =	vld.idx.msk [tilespmem:v22+s6+$0x0], $0xffff  }
0x192: {  	[tilespmem:s22+$0x380] =	vst v9  }
0x193: {  	v7 =	vadd.f32 v7, v13;
	v9 =	vld.idx.msk [tilespmem:v21+s6+$0x0], $0xffff  }
0x194: {  	v6 =	vadd.f32 v6, v13  }
0x195: {  	[tilespmem:s23+$0x380] =	vst v7  }
0x196: {  	v7 =	vld.idx.msk [tilespmem:v25+s6+$0x0], $0xffff;
	v8 =	vadd.f32 v8, v14;
	[tilespmem:s24+$0x380] =	vst v6  }
0x197: {  	v6 =	vld.idx.msk [tilespmem:v23+s6+$0x0], $0xffff  }
0x198: {  	[tilespmem:s21+$0x2000] =	vst v8;
	v8 =	vadd.f32 v9, v14;
	_ =	sdelay $0x1  }
0x199: {  	v9 =	vld.idx.msk [tilespmem:v22+s10+$0x0], $0xffff;
	[tilespmem:s22+$0x2000] =	vst v8  }
0x19a: {  	v7 =	vadd.f32 v7, v14;
	v8 =	vld.idx.msk [tilespmem:v21+s10+$0x0], $0xffff  }
0x19b: {  	v6 =	vadd.f32 v6, v14  }
0x19c: {  	[tilespmem:s23+$0x2000] =	vst v7  }
0x19d: {  	v7 =	vld.idx.msk [tilespmem:v25+s10+$0x0], $0xffff;
	[tilespmem:s24+$0x2000] =	vst v6  }
0x19e: {  	v9 =	vadd.f32 v9, v15;
	v6 =	vld.idx.msk [tilespmem:v23+s10+$0x0], $0xffff  }
0x19f: {  	v8 =	vadd.f32 v8, v15  }
0x1a0: {  	[tilespmem:s21+$0x2080] =	vst v9  }
0x1a1: {  	v9 =	vld.idx.msk [tilespmem:v22+s14+$0x0], $0xffff;
	[tilespmem:s22+$0x2080] =	vst v8  }
0x1a2: {  	v7 =	vadd.f32 v7, v15;
	v8 =	vld.idx.msk [tilespmem:v21+s14+$0x0], $0xffff  }
0x1a3: {  	v6 =	vadd.f32 v6, v15  }
0x1a4: {  	[tilespmem:s23+$0x2080] =	vst v7  }
0x1a5: {  	v7 =	vld.idx.msk [tilespmem:v25+s14+$0x0], $0xffff;
	[tilespmem:s24+$0x2080] =	vst v6  }
0x1a6: {  	v9 =	vadd.f32 v9, v16;
	v6 =	vld.idx.msk [tilespmem:v23+s14+$0x0], $0xffff  }
0x1a7: {  	v8 =	vadd.f32 v8, v16  }
0x1a8: {  	s7 =	simm.s32 $0x5B70;
	[tilespmem:s21+$0x2100] =	vst v9  }
0x1a9: {  	v9 =	vld.idx.msk [tilespmem:v22+s7+$0x0], $0xffff;
	[tilespmem:s22+$0x2100] =	vst v8  }
0x1aa: {  	v7 =	vadd.f32 v7, v16;
	v8 =	vld.idx.msk [tilespmem:v21+s7+$0x0], $0xffff  }
0x1ab: {  	v6 =	vadd.f32 v6, v16  }
0x1ac: {  	[tilespmem:s23+$0x2100] =	vst v7  }
0x1ad: {  	v7 =	vld.idx.msk [tilespmem:v25+s7+$0x0], $0xffff;
	[tilespmem:s24+$0x2100] =	vst v6  }
0x1ae: {  	v9 =	vadd.f32 v9, v17;
	v6 =	vld.idx.msk [tilespmem:v23+s7+$0x0], $0xffff  }
0x1af: {  	v8 =	vadd.f32 v8, v17  }
0x1b0: {  	s8 =	simm.s32 $0x63C0;
	[tilespmem:s21+$0x2180] =	vst v9  }
0x1b1: {  	v9 =	vld.idx.msk [tilespmem:v22+s8+$0x0], $0xffff;
	[tilespmem:s22+$0x2180] =	vst v8;
	v8 =	vadd.f32 v30, v19  }
0x1b2: {  	v7 =	vadd.f32 v7, v17  }
0x1b3: {  	s9 =	simm.s32 $0x6C10;
	v10 =	vld.idx.msk [tilespmem:v21+s8+$0x0], $0xffff;
	[tilespmem:s19+$0x2200] =	vst v8;
	v6 =	vadd.f32 v6, v17  }
0x1b4: {  	[tilespmem:s23+$0x2180] =	vst v7;
	v8 =	vld.idx.msk [tilespmem:v5+s9+$0x0], $0xffff  }
0x1b5: {  	v11 =	vadd.f32 v29, v19;
	v7 =	vld.idx.msk [tilespmem:v25+s8+$0x0], $0xffff;
	[tilespmem:s24+$0x2180] =	vst v6  }
0x1b6: {  	v9 =	vadd.f32 v9, v19;
	v6 =	vld.idx.msk [tilespmem:v23+s8+$0x0], $0xffff  }
0x1b7: {  	[tilespmem:s18+$0x2200] =	vst v11  }
0x1b8: {  	v11 =	vld.idx.msk [tilespmem:v4+s9+$0x0], $0xffff;
	[tilespmem:s21+$0x2200] =	vst v9;
	v9 =	vadd.f32 v10, v19  }
0x1b9: {  	[tilespmem:s20+$0x2280] =	vst v31;
	v10 =	vld.idx.msk [tilespmem:v22+s9+$0x0], $0xffff;
	v8 =	vadd.f32 v8, v20  }
0x1ba: {  	[tilespmem:s22+$0x2200] =	vst v9;
	v7 =	vadd.f32 v7, v19  }
0x1bb: {  	[tilespmem:s19+$0x2280] =	vst v8;
	v6 =	vadd.f32 v6, v19  }
0x1bc: {  	v12 =	vld.idx.msk [tilespmem:v21+s9+$0x0], $0xffff;
	[tilespmem:s23+$0x2200] =	vst v7;
	v7 =	vadd.f32 v27, v20  }
0x1bd: {  	v8 =	vadd.f32 v11, v20;
	v9 =	vld.idx.msk [tilespmem:v25+s9+$0x0], $0xffff;
	[tilespmem:s24+$0x2200] =	vst v6  }
0x1be: {  	s10 =	simm.s32 $0x7460;
	v10 =	vadd.f32 v10, v20;
	[tilespmem:s17+$0x2280] =	vst v7;
	v7 =	vld.idx.msk [tilespmem:v23+s9+$0x0], $0xffff  }
0x1bf: {  	v13 =	vld.idx.msk [tilespmem:v3+s10+$0x0], $0xffff;
	[tilespmem:s18+$0x2280] =	vst v8;
	v6 =	vadd.f32 v28, v24  }
0x1c0: {  	v8 =	vld.idx.msk [tilespmem:v2+s10+$0x0], $0xffff;
	[tilespmem:s21+$0x2280] =	vst v10  }
0x1c1: {  	v10 =	vadd.f32 v12, v20;
	[tilespmem:s16+$0x2380] =	vst v6;
	v6 =	vld.idx.msk [tilespmem:v5+s10+$0x0], $0xffff  }
0x1c2: {  	v9 =	vadd.f32 v9, v20  }
0x1c3: {  	v11 =	vld.idx.msk [tilespmem:v4+s10+$0x0], $0xffff;
	[tilespmem:s22+$0x2280] =	vst v10;
	v7 =	vadd.f32 v7, v20  }
0x1c4: {  	v12 =	vld.idx.msk [tilespmem:v22+s10+$0x0], $0xffff;
	[tilespmem:s23+$0x2280] =	vst v9;
	v9 =	vadd.f32 v13, v18  }
0x1c5: {  	v8 =	vadd.f32 v8, v18;
	v10 =	vld.idx.msk [tilespmem:v25+s10+$0x0], $0xffff;
	[tilespmem:s24+$0x2280] =	vst v7  }
0x1c6: {  	v6 =	vadd.f32 v6, v18;
	v7 =	vld.idx.msk [tilespmem:v21+s10+$0x0], $0xffff;
	[tilespmem:s20+$0x2300] =	vst v9  }
0x1c7: {  	[tilespmem:s17+$0x2300] =	vst v8;
	v9 =	vld.idx.msk [tilespmem:v23+s10+$0x0], $0xffff  }
0x1c8: {  	v3 =	vld.idx.msk [tilespmem:v3+s31+$0x0], $0xffff;
	[tilespmem:s19+$0x2300] =	vst v6;
	v6 =	vadd.f32 v11, v18  }
0x1c9: {  	v8 =	vadd.f32 v12, v18;
	v2 =	vld.idx.msk [tilespmem:v2+s31+$0x0], $0xffff  }
0x1ca: {  	v5 =	vld.idx.msk [tilespmem:v5+s31+$0x0], $0xffff;
	[tilespmem:s18+$0x2300] =	vst v6;
	v6 =	vadd.f32 v10, v18  }
0x1cb: {  	[tilespmem:s21+$0x2300] =	vst v8;
	v4 =	vld.idx.msk [tilespmem:v4+s31+$0x0], $0xffff;
	v7 =	vadd.f32 v7, v18  }
0x1cc: {  	v8 =	vld.idx.msk [tilespmem:v22+s31+$0x0], $0xffff;
	[tilespmem:s23+$0x2300] =	vst v6;
	v6 =	vadd.f32 v9, v18  }
0x1cd: {  	v3 =	vadd.f32 v3, v24;
	[tilespmem:s22+$0x2300] =	vst v7;
	v7 =	vld.idx.msk [tilespmem:v25+s31+$0x0], $0xffff  }
0x1ce: {  	v2 =	vadd.f32 v2, v24;
	[tilespmem:s24+$0x2300] =	vst v6;
	v6 =	vld.idx.msk [tilespmem:v21+s31+$0x0], $0xffff  }
0x1cf: {  	v5 =	vadd.f32 v5, v24;
	[tilespmem:s20+$0x2380] =	vst v3  }
0x1d0: {  	[tilespmem:s17+$0x2380] =	vst v2;
	v4 =	vadd.f32 v4, v24  }
0x1d1: {  	v2 =	vadd.f32 v8, v24;
	v3 =	vld.idx.msk [tilespmem:v23+s31+$0x0], $0xffff;
	[tilespmem:s19+$0x2380] =	vst v5  }
0x1d2: {  	[tilespmem:s18+$0x2380] =	vst v4;
	v4 =	vadd.f32 v7, v24  }
0x1d3: {  	[tilespmem:s21+$0x2380] =	vst v2;
	v2 =	vadd.f32 v6, v24  }
0x1d4: {  	[tilespmem:s23+$0x2380] =	vst v4  }
0x1d5: {  	[tilespmem:s22+$0x2380] =	vst v2  }
0x1d6: {  	v3 =	vadd.f32 v3, v24;
	s11 =	rddreg [dreg:$0xe]  }
0x1d7: {  	s1 =	rddreg [dreg:$0x1];
	s0 =	sshll.u32 s11, $0xC  }
0x1d8: {  	s13 =	simm.s32 $0x122A0;
	[tilespmem:s24+$0x2380] =	vst v3;
	s1 =	sadd.s32 s1, s0  }
0x1d9: {  	[hbm4b:s1+s12] =	stream.linear.scatter [tilespmem:s13], [sflag:$0x1], $0x4000, $0x38;
	[tilespmem:$0x1A2E0] =	vst v63  }
0x1da: {  	[dreg:$0x11] =	wrdreg s0;
	s1 =	simm.s32 @!p2 $0x2  }
0x1db: {  	_ =	swait.ge @!p2 [sflag:s1], $0x4000  }
0x1dc: {  	[sflag:s1] =	ssyncset.done @!p2 $0x0  }
0x1dd: {  	s14 =	rddreg [dreg:$0xf];
	[sflag:s1] =	ssyncadd.s32 @!p2 $0xFFFFC000  }
0x1de: {  	v2 =	vld [tilespmem:s14+$0x10]  }
0x1df: {  	v3 =	vld [tilespmem:s14+$0xFFFFFFF0];
	_ =	sdelay $0x3  }
0x1e0: {  	v4 =	vld [tilespmem:s14+$0xFFFFFFE0];
	v2 =	vshll.u32 v2, $0x4  }
0x1e1: {  	v24 =	vor.u32 v0, v2;
	v2 =	vshll.u32 v3, $0x4  }
0x1e2: {  	v3 =	vld [tilespmem:s14+$0x0];
	v26 =	vor.u32 v0, v2;
	_ =	sdelay $0x2  }
0x1e3: {  	s8 =	simm.s32 $0x8500;
	v2 =	vshll.u32 v4, $0x4  }
0x1e4: {  	v27 =	vor.u32 v0, v2;
	v2 =	vld.idx.msk [tilespmem:v24+s8+$0x0], $0xffff  }
0x1e5: {  	v3 =	vshll.u32 v3, $0x4;
	v4 =	vld.idx.msk [tilespmem:v26+s8+$0x0], $0xffff  }
0x1e6: {  	v25 =	vor.u32 v0, v3  }
0x1e7: {  	s15 =	simm.s32 $0x0;
	v6 =	vbroadcast v1, $0x0  }
0x1e8: {  	s4 =	simm.s32 $0x30;
	s1 =	sand.u32 $0x1C00, s15  }
0x1e9: {  	s4 =	sand.u32 $0x70, s4;
	s16 =	simm.s32 $0x10;
	s1 =	sor.u32 $0x122A0, s1;
	v3 =	vld.idx.msk [tilespmem:v27+s8+$0x0], $0xffff;
	v2 =	vadd.f32 v2, v6  }
0x1ea: {  	s17 =	sand.u32 $0x50, s16;
	s22 =	sadd.s32 s4, s1;
	v4 =	vadd.f32 v4, v6  }
0x1eb: {  	s9 =	simm.s32 $0x8D50;
	s28 =	sor.u32 s17, s1;
	v5 =	vld.idx.msk [tilespmem:v25+s8+$0x0], $0xffff;
	[tilespmem:s22+$0x4000] =	vst v2  }
0x1ec: {  	v2 =	vld.idx.msk [tilespmem:v24+s9+$0x0], $0xffff;
	[tilespmem:s28+$0x4000] =	vst v4  }
0x1ed: {  	s18 =	simm.s32 $0x0;
	v4 =	vld.idx.msk [tilespmem:v26+s9+$0x0], $0xffff  }
0x1ee: {  	s4 =	sand.u32 $0x40, s18;
	v3 =	vadd.f32 v3, v6  }
0x1ef: {  	s19 =	simm.s32 $0x20;
	v7 =	vbroadcast v1, $0x1;
	s23 =	sor.u32 s4, s1  }
0x1f0: {  	s20 =	sand.u32 $0x60, s19;
	[tilespmem:s23+$0x4000] =	vst v3;
	v5 =	vadd.f32 v5, v6  }
0x1f1: {  	s16 =	sadd.s32 s20, s1;
	v3 =	vld.idx.msk [tilespmem:v27+s9+$0x0], $0xffff;
	v2 =	vadd.f32 v2, v7  }
0x1f2: {  	[tilespmem:s16+$0x4000] =	vst v5;
	v4 =	vadd.f32 v4, v7  }
0x1f3: {  	s11 =	simm.s32 $0x95A0;
	v5 =	vld.idx.msk [tilespmem:v25+s9+$0x0], $0xffff;
	[tilespmem:s22+$0x4080] =	vst v2  }
0x1f4: {  	v2 =	vld.idx.msk [tilespmem:v24+s11+$0x0], $0xffff;
	[tilespmem:s28+$0x4080] =	vst v4  }
0x1f5: {  	v4 =	vld.idx.msk [tilespmem:v26+s11+$0x0], $0xffff  }
0x1f6: {  	v3 =	vadd.f32 v3, v7  }
0x1f7: {  	v8 =	vbroadcast v1, $0x2  }
0x1f8: {  	[tilespmem:s23+$0x4080] =	vst v3;
	v5 =	vadd.f32 v5, v7  }
0x1f9: {  	v3 =	vld.idx.msk [tilespmem:v27+s11+$0x0], $0xffff;
	v2 =	vadd.f32 v2, v8  }
0x1fa: {  	[tilespmem:s16+$0x4080] =	vst v5;
	v4 =	vadd.f32 v4, v8  }
0x1fb: {  	s13 =	simm.s32 $0x9DF0;
	v5 =	vld.idx.msk [tilespmem:v25+s11+$0x0], $0xffff;
	[tilespmem:s22+$0x4100] =	vst v2  }
0x1fc: {  	v2 =	vld.idx.msk [tilespmem:v24+s13+$0x0], $0xffff;
	[tilespmem:s28+$0x4100] =	vst v4  }
0x1fd: {  	v4 =	vld.idx.msk [tilespmem:v26+s13+$0x0], $0xffff  }
0x1fe: {  	v3 =	vadd.f32 v3, v8  }
0x1ff: {  	v9 =	vbroadcast v1, $0x3  }
0x200: {  	[tilespmem:s23+$0x4100] =	vst v3;
	v5 =	vadd.f32 v5, v8  }
0x201: {  	v3 =	vld.idx.msk [tilespmem:v27+s13+$0x0], $0xffff;
	v2 =	vadd.f32 v2, v9  }
0x202: {  	[tilespmem:s16+$0x4100] =	vst v5;
	v4 =	vadd.f32 v4, v9  }
0x203: {  	s3 =	simm.s32 $0xA640;
	v5 =	vld.idx.msk [tilespmem:v25+s13+$0x0], $0xffff;
	[tilespmem:s22+$0x4180] =	vst v2  }
0x204: {  	v2 =	vld.idx.msk [tilespmem:v24+s3+$0x0], $0xffff;
	[tilespmem:s28+$0x4180] =	vst v4  }
0x205: {  	v4 =	vld.idx.msk [tilespmem:v26+s3+$0x0], $0xffff  }
0x206: {  	v3 =	vadd.f32 v3, v9  }
0x207: {  	v10 =	vbroadcast v1, $0x4  }
0x208: {  	[tilespmem:s23+$0x4180] =	vst v3;
	v5 =	vadd.f32 v5, v9  }
0x209: {  	v3 =	vld.idx.msk [tilespmem:v27+s3+$0x0], $0xffff;
	v2 =	vadd.f32 v2, v10  }
0x20a: {  	[tilespmem:s16+$0x4180] =	vst v5;
	v4 =	vadd.f32 v4, v10  }
0x20b: {  	s7 =	simm.s32 $0xAE90;
	v5 =	vld.idx.msk [tilespmem:v25+s3+$0x0], $0xffff;
	[tilespmem:s22+$0x4200] =	vst v2  }
0x20c: {  	v2 =	vld.idx.msk [tilespmem:v24+s7+$0x0], $0xffff;
	[tilespmem:s28+$0x4200] =	vst v4  }
0x20d: {  	v4 =	vld.idx.msk [tilespmem:v26+s7+$0x0], $0xffff  }
0x20e: {  	v3 =	vadd.f32 v3, v10  }
0x20f: {  	v11 =	vbroadcast v1, $0x5  }
0x210: {  	[tilespmem:s23+$0x4200] =	vst v3;
	v5 =	vadd.f32 v5, v10  }
0x211: {  	v3 =	vld.idx.msk [tilespmem:v27+s7+$0x0], $0xffff;
	v2 =	vadd.f32 v2, v11  }
0x212: {  	[tilespmem:s16+$0x4200] =	vst v5;
	v4 =	vadd.f32 v4, v11  }
0x213: {  	s30 =	simm.s32 $0xB6E0;
	v5 =	vld.idx.msk [tilespmem:v25+s7+$0x0], $0xffff;
	[tilespmem:s22+$0x4280] =	vst v2  }
0x214: {  	v2 =	vld.idx.msk [tilespmem:v24+s30+$0x0], $0xffff;
	[tilespmem:s28+$0x4280] =	vst v4  }
0x215: {  	v4 =	vld.idx.msk [tilespmem:v26+s30+$0x0], $0xffff;
	s21 =	rddreg [dreg:$0x10]  }
0x216: {  	v3 =	vadd.f32 v3, v11;
	v13 =	vld [tilespmem:s21+$0x10]  }
0x217: {  	v14 =	vld [tilespmem:s21+$0xFFFFFFF0]  }
0x218: {  	[tilespmem:s23+$0x4280] =	vst v3;
	v15 =	vld [tilespmem:s21+$0x0]  }
0x219: {  	v12 =	vbroadcast v1, $0x6;
	v16 =	vld.idx.msk [tilespmem:v27+s30+$0x0], $0xffff  }
0x21a: {  	v17 =	vld [tilespmem:s21+$0xFFFFFFE0];
	v5 =	vadd.f32 v5, v11  }
0x21b: {  	v2 =	vadd.f32 v2, v12  }
0x21c: {  	[tilespmem:s16+$0x4280] =	vst v5;
	v4 =	vadd.f32 v4, v12;
	v3 =	vshll.u32 v13, $0x4  }
0x21d: {  	s31 =	simm.s32 $0xBF30;
	[tilespmem:s22+$0x4300] =	vst v2;
	v2 =	vshll.u32 v14, $0x4;
	v5 =	vshll.u32 v15, $0x4;
	v15 =	vld.idx.msk [tilespmem:v25+s30+$0x0], $0xffff;
	v3 =	vor.u32 v0, v3  }
0x21e: {  	v14 =	vadd.f32 v16, v12;
	v18 =	vld.idx.msk [tilespmem:v24+s31+$0x0], $0xffff;
	v2 =	vor.u32 v0, v2  }
0x21f: {  	[tilespmem:s28+$0x4300] =	vst v4;
	v4 =	vor.u32 v0, v5;
	v5 =	vshll.u32 v17, $0x4  }
0x220: {  	v16 =	vld.idx.msk [tilespmem:v26+s31+$0x0], $0xffff;
	[tilespmem:s23+$0x4300] =	vst v14;
	v5 =	vor.u32 v0, v5  }
0x221: {  	v13 =	vbroadcast v1, $0x7;
	v14 =	vld.idx.msk [tilespmem:v27+s31+$0x0], $0xffff  }
0x222: {  	v15 =	vadd.f32 v15, v12;
	v17 =	vld.idx.msk [tilespmem:v3+s8+$0x0], $0xffff  }
0x223: {  	v18 =	vadd.f32 v18, v13;
	v19 =	vld.idx.msk [tilespmem:v2+s8+$0x0], $0xffff  }
0x224: {  	v20 =	vld.idx.msk [tilespmem:v4+s8+$0x0], $0xffff;
	[tilespmem:s16+$0x4300] =	vst v15  }
0x225: {  	s24 =	simm.s32 $0x200;
	s0 =	simm.s32 $0xC780;
	v16 =	vadd.f32 v16, v13;
	v15 =	vld.idx.msk [tilespmem:v5+s8+$0x0], $0xffff;
	[tilespmem:s22+$0x4380] =	vst v18  }
0x226: {  	s25 =	simm.s32 $0x70;
	s1 =	sand.u32 $0x1C00, s24;
	v21 =	vadd.f32 v14, v13;
	v18 =	vld.idx.msk [tilespmem:v24+s0+$0x0], $0xffff  }
0x227: {  	s26 =	simm.s32 $0x50;
	s4 =	sand.u32 $0x70, s25;
	s1 =	sor.u32 $0x122A0, s1;
	[tilespmem:s28+$0x4380] =	vst v16;
	v16 =	vadd.f32 v17, v6;
	v17 =	vld.idx.msk [tilespmem:v25+s31+$0x0], $0xffff  }
0x228: {  	s2 =	simm.s32 $0x60;
	s5 =	sand.u32 $0x50, s26;
	s20 =	sadd.s32 s4, s1;
	v22 =	vld.idx.msk [tilespmem:v26+s0+$0x0], $0xffff;
	[tilespmem:s23+$0x4380] =	vst v21;
	v19 =	vadd.f32 v19, v6  }
0x229: {  	s6 =	sand.u32 $0x60, s2;
	s10 =	simm.s32 $0x40;
	s17 =	sor.u32 s5, s1;
	v14 =	vbroadcast v1, $0x8;
	[tilespmem:s20+$0x4000] =	vst v16;
	v16 =	vadd.f32 v20, v6;
	v20 =	vld.idx.msk [tilespmem:v27+s0+$0x0], $0xffff  }
0x22a: {  	s18 =	sadd.s32 s6, s1;
	s4 =	sand.u32 $0x40, s10;
	v15 =	vadd.f32 v15, v6;
	[tilespmem:s17+$0x4000] =	vst v19;
	v21 =	vld.idx.msk [tilespmem:v3+s9+$0x0], $0xffff  }
0x22b: {  	s19 =	sor.u32 s4, s1;
	v18 =	vadd.f32 v18, v14;
	v19 =	vld.idx.msk [tilespmem:v2+s9+$0x0], $0xffff;
	[tilespmem:s18+$0x4000] =	vst v16  }
0x22c: {  	[tilespmem:s19+$0x4000] =	vst v15;
	v16 =	vld.idx.msk [tilespmem:v4+s9+$0x0], $0xffff;
	v17 =	vadd.f32 v17, v13  }
0x22d: {  	s14 =	simm.s32 $0xCFD0;
	v15 =	vadd.f32 v22, v14;
	v22 =	vld.idx.msk [tilespmem:v5+s9+$0x0], $0xffff;
	[tilespmem:s22+$0x6000] =	vst v18  }
0x22e: {  	v18 =	vld.idx.msk [tilespmem:v24+s14+$0x0], $0xffff;
	[tilespmem:s16+$0x4380] =	vst v17;
	v17 =	vadd.f32 v20, v14  }
0x22f: {  	[tilespmem:s28+$0x6000] =	vst v15;
	v20 =	vadd.f32 v21, v7;
	v21 =	vld.idx.msk [tilespmem:v25+s0+$0x0], $0xffff  }
0x230: {  	v23 =	vld.idx.msk [tilespmem:v26+s14+$0x0], $0xffff;
	v19 =	vadd.f32 v19, v7;
	[tilespmem:s23+$0x6000] =	vst v17  }
0x231: {  	v15 =	vbroadcast v1, $0x9;
	[tilespmem:s20+$0x4080] =	vst v20;
	v16 =	vadd.f32 v16, v7;
	v17 =	vld.idx.msk [tilespmem:v27+s14+$0x0], $0xffff  }
0x232: {  	[tilespmem:s17+$0x4080] =	vst v19;
	v19 =	vadd.f32 v22, v7;
	v20 =	vld.idx.msk [tilespmem:v3+s11+$0x0], $0xffff  }
0x233: {  	v18 =	vadd.f32 v18, v15;
	v22 =	vld.idx.msk [tilespmem:v2+s11+$0x0], $0xffff;
	[tilespmem:s18+$0x4080] =	vst v16  }
0x234: {  	[tilespmem:s19+$0x4080] =	vst v19;
	v28 =	vld.idx.msk [tilespmem:v4+s11+$0x0], $0xffff;
	v16 =	vadd.f32 v21, v14  }
0x235: {  	s12 =	simm.s32 $0xD820;
	v19 =	vadd.f32 v23, v15;
	[tilespmem:s22+$0x6080] =	vst v18;
	v21 =	vld.idx.msk [tilespmem:v5+s11+$0x0], $0xffff  }
0x236: {  	v18 =	vld.idx.msk [tilespmem:v24+s12+$0x0], $0xffff;
	[tilespmem:s16+$0x6000] =	vst v16;
	v17 =	vadd.f32 v17, v15  }
0x237: {  	[tilespmem:s28+$0x6080] =	vst v19;
	v20 =	vadd.f32 v20, v8;
	v19 =	vld.idx.msk [tilespmem:v25+s14+$0x0], $0xffff  }
0x238: {  	v23 =	vld.idx.msk [tilespmem:v26+s12+$0x0], $0xffff;
	v22 =	vadd.f32 v22, v8;
	[tilespmem:s23+$0x6080] =	vst v17  }
0x239: {  	v16 =	vbroadcast v1, $0xA;
	[tilespmem:s20+$0x4100] =	vst v20;
	v17 =	vadd.f32 v28, v8;
	v20 =	vld.idx.msk [tilespmem:v27+s12+$0x0], $0xffff  }
0x23a: {  	[tilespmem:s17+$0x4100] =	vst v22;
	v21 =	vadd.f32 v21, v8;
	v28 =	vld.idx.msk [tilespmem:v3+s13+$0x0], $0xffff  }
0x23b: {  	v18 =	vadd.f32 v18, v16;
	v22 =	vld.idx.msk [tilespmem:v2+s13+$0x0], $0xffff;
	[tilespmem:s18+$0x4100] =	vst v17  }
0x23c: {  	[tilespmem:s19+$0x4100] =	vst v21;
	v29 =	vld.idx.msk [tilespmem:v4+s13+$0x0], $0xffff;
	v17 =	vadd.f32 v19, v15  }
0x23d: {  	s15 =	simm.s32 $0xE070;
	[tilespmem:s22+$0x6100] =	vst v18;
	v19 =	vadd.f32 v23, v16;
	v21 =	vld.idx.msk [tilespmem:v5+s13+$0x0], $0xffff  }
0x23e: {  	v18 =	vld.idx.msk [tilespmem:v24+s15+$0x0], $0xffff;
	[tilespmem:s16+$0x6080] =	vst v17;
	v20 =	vadd.f32 v20, v16  }
0x23f: {  	[tilespmem:s28+$0x6100] =	vst v19;
	v23 =	vadd.f32 v28, v9  }
0x240: {  	v19 =	vld.idx.msk [tilespmem:v25+s12+$0x0], $0xffff;
	v22 =	vadd.f32 v22, v9;
	[tilespmem:s23+$0x6100] =	vst v20  }
0x241: {  	v17 =	vbroadcast v1, $0xB;
	v28 =	vld.idx.msk [tilespmem:v26+s15+$0x0], $0xffff;
	[tilespmem:s20+$0x4180] =	vst v23;
	v20 =	vadd.f32 v29, v9  }
0x242: {  	v23 =	vld.idx.msk [tilespmem:v27+s15+$0x0], $0xffff;
	[tilespmem:s17+$0x4180] =	vst v22;
	v21 =	vadd.f32 v21, v9  }
0x243: {  	v29 =	vld.idx.msk [tilespmem:v3+s3+$0x0], $0xffff;
	v18 =	vadd.f32 v18, v17;
	[tilespmem:s18+$0x4180] =	vst v20  }
0x244: {  	v22 =	vld.idx.msk [tilespmem:v2+s3+$0x0], $0xffff;
	[tilespmem:s19+$0x4180] =	vst v21  }
0x245: {  	v20 =	vld.idx.msk [tilespmem:v4+s3+$0x0], $0xffff;
	[tilespmem:s22+$0x6180] =	vst v18;
	v18 =	vadd.f32 v19, v16  }
0x246: {  	s10 =	simm.s32 $0xE8C0;
	v19 =	vadd.f32 v28, v17;
	v28 =	vld.idx.msk [tilespmem:v5+s3+$0x0], $0xffff  }
0x247: {  	v21 =	vld.idx.msk [tilespmem:v24+s10+$0x0], $0xffff;
	[tilespmem:s16+$0x6100] =	vst v18;
	v18 =	vadd.f32 v23, v17  }
0x248: {  	[tilespmem:s28+$0x6180] =	vst v19;
	v23 =	vadd.f32 v29, v10;
	v29 =	vld.idx.msk [tilespmem:v25+s15+$0x0], $0xffff  }
0x249: {  	v22 =	vadd.f32 v22, v10;
	v30 =	vld.idx.msk [tilespmem:v26+s10+$0x0], $0xffff;
	[tilespmem:s23+$0x6180] =	vst v18  }
0x24a: {  	v19 =	vbroadcast v1, $0xC;
	[tilespmem:s20+$0x4200] =	vst v23;
	v18 =	vadd.f32 v20, v10;
	v20 =	vld.idx.msk [tilespmem:v27+s10+$0x0], $0xffff  }
0x24b: {  	[tilespmem:s17+$0x4200] =	vst v22;
	v22 =	vadd.f32 v28, v10;
	v23 =	vld.idx.msk [tilespmem:v3+s7+$0x0], $0xffff  }
0x24c: {  	v21 =	vadd.f32 v21, v19;
	v28 =	vld.idx.msk [tilespmem:v2+s7+$0x0], $0xffff;
	[tilespmem:s18+$0x4200] =	vst v18  }
0x24d: {  	[tilespmem:s19+$0x4200] =	vst v22;
	v31 =	vld.idx.msk [tilespmem:v4+s7+$0x0], $0xffff;
	v18 =	vadd.f32 v29, v17  }
0x24e: {  	s6 =	simm.s32 $0xF110;
	[tilespmem:s22+$0x6200] =	vst v21;
	v22 =	vadd.f32 v30, v19;
	v29 =	vld.idx.msk [tilespmem:v5+s7+$0x0], $0xffff  }
0x24f: {  	v21 =	vld.idx.msk [tilespmem:v24+s6+$0x0], $0xffff;
	[tilespmem:s16+$0x6180] =	vst v18;
	v18 =	vadd.f32 v20, v19  }
0x250: {  	[tilespmem:s28+$0x6200] =	vst v22;
	v23 =	vadd.f32 v23, v11;
	v22 =	vld.idx.msk [tilespmem:v25+s10+$0x0], $0xffff  }
0x251: {  	v28 =	vadd.f32 v28, v11;
	v30 =	vld.idx.msk [tilespmem:v26+s6+$0x0], $0xffff;
	[tilespmem:s23+$0x6200] =	vst v18  }
0x252: {  	[tilespmem:s20+$0x4280] =	vst v23;
	v18 =	vld.idx.msk [tilespmem:v27+s6+$0x0], $0xffff  }
0x253: {  	v20 =	vbroadcast v1, $0xD;
	[tilespmem:s17+$0x4280] =	vst v28;
	v23 =	vld.idx.msk [tilespmem:v3+s30+$0x0], $0xffff  }
0x254: {  	v28 =	vld.idx.msk [tilespmem:v2+s30+$0x0], $0xffff;
	s29 =	rddreg [dreg:$0xd]  }
0x255: {  	v21 =	vadd.f32 v21, v20;
	v61 =	vld [tilespmem:s29+$0x10]  }
0x256: {  	v31 =	vadd.f32 v31, v11;
	v34 =	vld [tilespmem:s29+$0xFFFFFFF0]  }
0x257: {  	s2 =	simm.s32 $0xF960;
	v35 =	vld [tilespmem:s29+$0xFFFFFFE0];
	[tilespmem:s22+$0x6280] =	vst v21;
	v21 =	vadd.f32 v29, v11  }
0x258: {  	[tilespmem:s18+$0x4280] =	vst v31;
	v62 =	vld.idx.msk [tilespmem:v24+s2+$0x0], $0xffff;
	v18 =	vadd.f32 v18, v20  }
0x259: {  	v29 =	vld [tilespmem:s29+$0x0];
	[tilespmem:s19+$0x4280] =	vst v21;
	v23 =	vadd.f32 v23, v12  }
0x25a: {  	v36 =	vld.idx.msk [tilespmem:v5+s30+$0x0], $0xffff;
	v28 =	vadd.f32 v28, v12;
	[tilespmem:s23+$0x6280] =	vst v18  }
0x25b: {  	v18 =	vbroadcast v1, $0xE;
	v21 =	vshll.u32 v61, $0x4;
	v63 =	vld.idx.msk [tilespmem:v27+s2+$0x0], $0xffff;
	[tilespmem:s20+$0x4300] =	vst v23  }
0x25c: {  	v38 =	vshll.u32 v34, $0x4;
	v21 =	vor.u32 v0, v21;
	[tilespmem:s17+$0x4300] =	vst v28;
	v28 =	vld.idx.msk [tilespmem:v4+s30+$0x0], $0xffff  }
0x25d: {  	v39 =	vadd.f32 v22, v19;
	v22 =	vor.u32 v0, v38;
	v31 =	vld.idx.msk [tilespmem:v3+s31+$0x0], $0xffff;
	v23 =	vadd.f32 v62, v18;
	_ =	sdelay $0x1  }
0x25e: {  	s15 =	simm.s32 $0x101B0;
	v30 =	vadd.f32 v30, v20;
	v29 =	vshll.u32 v29, $0x4;
	v40 =	vld.idx.msk [tilespmem:v2+s31+$0x0], $0xffff;
	[tilespmem:s22+$0x6300] =	vst v23  }
0x25f: {  	[tilespmem:s16+$0x6200] =	vst v39;
	v23 =	vor.u32 v0, v29;
	v42 =	vadd.f32 v36, v12;
	v29 =	vld.idx.msk [tilespmem:v24+s15+$0x0], $0xffff;
	v24 =	vshll.u32 v35, $0x4  }
0x260: {  	[tilespmem:s28+$0x6280] =	vst v30;
	v32 =	vadd.f32 v63, v18;
	v41 =	vld.idx.msk [tilespmem:v21+s8+$0x0], $0xffff;
	v24 =	vor.u32 v0, v24  }
0x261: {  	[tilespmem:s19+$0x4300] =	vst v42;
	v28 =	vadd.f32 v28, v12;
	v30 =	vadd.f32 v31, v13;
	v31 =	vld.idx.msk [tilespmem:v22+s8+$0x0], $0xffff  }
0x262: {  	v1 =	vbroadcast v1, $0xF;
	v46 =	vld.idx.msk [tilespmem:v5+s31+$0x0], $0xffff;
	[tilespmem:s23+$0x6300] =	vst v32  }
0x263: {  	s25 =	simm.s32 $0x400;
	v33 =	vadd.f32 v40, v13;
	[tilespmem:s18+$0x4300] =	vst v28;
	v27 =	vld.idx.msk [tilespmem:v27+s15+$0x0], $0xffff  }
0x264: {  	s26 =	simm.s32 $0xB0;
	s21 =	sand.u32 $0x1C00, s25;
	v44 =	vld.idx.msk [tilespmem:v23+s8+$0x0], $0xffff;
	[tilespmem:s20+$0x4380] =	vst v30;
	v29 =	vadd.f32 v29, v1  }
0x265: {  	s24 =	sand.u32 $0x70, s26;
	s5 =	simm.s32 $0x90;
	s1 =	sor.u32 $0x122A0, s21;
	[tilespmem:s17+$0x4380] =	vst v33;
	v28 =	vld.idx.msk [tilespmem:v3+s0+$0x0], $0xffff;
	v45 =	vadd.f32 v41, v6  }
0x266: {  	s21 =	sadd.s32 s24, s1;
	s12 =	sand.u32 $0x50, s5;
	v30 =	vld.idx.msk [tilespmem:v24+s8+$0x0], $0xffff;
	[tilespmem:s22+$0x6380] =	vst v29;
	s22 =	simm.s32 $0xA0;
	v31 =	vadd.f32 v31, v6  }
0x267: {  	v29 =	vld.idx.msk [tilespmem:v4+s31+$0x0], $0xffff;
	v34 =	vadd.f32 v46, v13;
	[tilespmem:s21+$0x4000] =	vst v45;
	s4 =	sand.u32 $0x60, s22;
	s22 =	sor.u32 s12, s1  }
0x268: {  	v47 =	vld.idx.msk [tilespmem:v2+s0+$0x0], $0xffff;
	v27 =	vadd.f32 v27, v1;
	[tilespmem:s22+$0x4000] =	vst v31  }
0x269: {  	v43 =	vld.idx.msk [tilespmem:v25+s6+$0x0], $0xffff;
	v32 =	vadd.f32 v44, v6;
	[tilespmem:s19+$0x4380] =	vst v34  }
0x26a: {  	s24 =	sadd.s32 s4, s1;
	v28 =	vadd.f32 v28, v14;
	v31 =	vld.idx.msk [tilespmem:v22+s9+$0x0], $0xffff;
	[tilespmem:s23+$0x6380] =	vst v27;
	s23 =	simm.s32 $0x80  }
0x26b: {  	v27 =	vld.idx.msk [tilespmem:v21+s9+$0x0], $0xffff;
	v30 =	vadd.f32 v30, v6;
	[tilespmem:s24+$0x4000] =	vst v32;
	s0 =	sand.u32 $0x40, s23  }
0x26c: {  	v32 =	vld.idx.msk [tilespmem:v23+s9+$0x0], $0xffff;
	[tilespmem:s20+$0x6000] =	vst v28;
	v28 =	vadd.f32 v29, v13;
	s23 =	sor.u32 s0, s1  }
0x26d: {  	v33 =	vadd.f32 v47, v14;
	s1 =	simm.s32 $0xC780;
	v29 =	vld.idx.msk [tilespmem:v3+s14+$0x0], $0xffff;
	[tilespmem:s23+$0x4000] =	vst v30  }
0x26e: {  	v34 =	vld.idx.msk [tilespmem:v5+s1+$0x0], $0xffff;
	[tilespmem:s18+$0x4380] =	vst v28;
	v28 =	vadd.f32 v43, v20  }
0x26f: {  	[tilespmem:s17+$0x6000] =	vst v33;
	v30 =	vld.idx.msk [tilespmem:v24+s9+$0x0], $0xffff;
	v31 =	vadd.f32 v31, v7  }
0x270: {  	v48 =	vld.idx.msk [tilespmem:v4+s1+$0x0], $0xffff;
	v27 =	vadd.f32 v27, v7;
	[tilespmem:s16+$0x6280] =	vst v28  }
0x271: {  	v28 =	vadd.f32 v32, v7;
	[tilespmem:s22+$0x4080] =	vst v31  }
0x272: {  	v31 =	vld.idx.msk [tilespmem:v26+s2+$0x0], $0xffff;
	[tilespmem:s21+$0x4080] =	vst v27;
	v29 =	vadd.f32 v29, v15  }
0x273: {  	v27 =	vld.idx.msk [tilespmem:v2+s14+$0x0], $0xffff;
	[tilespmem:s24+$0x4080] =	vst v28;
	v34 =	vadd.f32 v34, v14  }
0x274: {  	v50 =	vld.idx.msk [tilespmem:v22+s11+$0x0], $0xffff;
	v30 =	vadd.f32 v30, v7;
	[tilespmem:s20+$0x6080] =	vst v29  }
0x275: {  	v49 =	vld.idx.msk [tilespmem:v21+s11+$0x0], $0xffff;
	v29 =	vadd.f32 v48, v14;
	[tilespmem:s19+$0x6000] =	vst v34  }
0x276: {  	s12 =	simm.s32 $0xD820;
	v28 =	vld.idx.msk [tilespmem:v23+s11+$0x0], $0xffff;
	[tilespmem:s23+$0x4080] =	vst v30  }
0x277: {  	v30 =	vld.idx.msk [tilespmem:v3+s12+$0x0], $0xffff;
	[tilespmem:s18+$0x6000] =	vst v29;
	v29 =	vadd.f32 v31, v18  }
0x278: {  	v34 =	vld.idx.msk [tilespmem:v5+s14+$0x0], $0xffff;
	v27 =	vadd.f32 v27, v15  }
0x279: {  	v51 =	vld.idx.msk [tilespmem:v24+s11+$0x0], $0xffff;
	[tilespmem:s28+$0x6300] =	vst v29  }
0x27a: {  	v31 =	vadd.f32 v50, v8;
	[tilespmem:s17+$0x6080] =	vst v27;
	v27 =	vld.idx.msk [tilespmem:v4+s14+$0x0], $0xffff  }
0x27b: {  	v32 =	vadd.f32 v49, v8;
	v26 =	vld.idx.msk [tilespmem:v26+s15+$0x0], $0xffff  }
0x27c: {  	v28 =	vadd.f32 v28, v8;
	[tilespmem:s22+$0x4100] =	vst v31;
	v52 =	vld.idx.msk [tilespmem:v2+s12+$0x0], $0xffff  }
0x27d: {  	[tilespmem:s21+$0x4100] =	vst v32;
	v54 =	vld.idx.msk [tilespmem:v22+s13+$0x0], $0xffff;
	v29 =	vadd.f32 v30, v16  }
0x27e: {  	v53 =	vld.idx.msk [tilespmem:v21+s13+$0x0], $0xffff;
	[tilespmem:s24+$0x4100] =	vst v28;
	v34 =	vadd.f32 v34, v15  }
0x27f: {  	s5 =	simm.s32 $0xE070;
	v31 =	vadd.f32 v51, v8;
	v28 =	vld.idx.msk [tilespmem:v23+s13+$0x0], $0xffff;
	[tilespmem:s20+$0x6100] =	vst v29  }
0x280: {  	[tilespmem:s19+$0x6080] =	vst v34;
	v27 =	vadd.f32 v27, v15;
	v29 =	vld.idx.msk [tilespmem:v3+s5+$0x0], $0xffff  }
0x281: {  	[tilespmem:s23+$0x4100] =	vst v31;
	v56 =	vld.idx.msk [tilespmem:v5+s12+$0x0], $0xffff;
	v32 =	vadd.f32 v52, v16  }
0x282: {  	v31 =	vld.idx.msk [tilespmem:v24+s13+$0x0], $0xffff;
	v57 =	vadd.f32 v54, v9;
	[tilespmem:s18+$0x6080] =	vst v27  }
0x283: {  	v55 =	vadd.f32 v53, v9;
	[tilespmem:s17+$0x6100] =	vst v32;
	v27 =	vld.idx.msk [tilespmem:v4+s12+$0x0], $0xffff  }
0x284: {  	v28 =	vadd.f32 v28, v9;
	[tilespmem:s22+$0x4180] =	vst v57;
	v58 =	vld.idx.msk [tilespmem:v2+s5+$0x0], $0xffff  }
0x285: {  	[tilespmem:s21+$0x4180] =	vst v55;
	v32 =	vld.idx.msk [tilespmem:v22+s3+$0x0], $0xffff;
	v29 =	vadd.f32 v29, v17  }
0x286: {  	v30 =	vld.idx.msk [tilespmem:v25+s2+$0x0], $0xffff;
	[tilespmem:s24+$0x4180] =	vst v28;
	v35 =	vadd.f32 v56, v16  }
0x287: {  	v34 =	vld.idx.msk [tilespmem:v21+s3+$0x0], $0xffff;
	v31 =	vadd.f32 v31, v9;
	[tilespmem:s20+$0x6180] =	vst v29  }
0x288: {  	v28 =	vld.idx.msk [tilespmem:v23+s3+$0x0], $0xffff;
	[tilespmem:s19+$0x6100] =	vst v35;
	v27 =	vadd.f32 v27, v16  }
0x289: {  	[tilespmem:s23+$0x4180] =	vst v31;
	v29 =	vld.idx.msk [tilespmem:v3+s10+$0x0], $0xffff;
	v33 =	vadd.f32 v58, v17  }
0x28a: {  	v35 =	vld.idx.msk [tilespmem:v5+s5+$0x0], $0xffff;
	v32 =	vadd.f32 v32, v10;
	[tilespmem:s18+$0x6100] =	vst v27  }
0x28b: {  	v31 =	vld.idx.msk [tilespmem:v24+s3+$0x0], $0xffff;
	v27 =	vadd.f32 v30, v18;
	[tilespmem:s17+$0x6180] =	vst v33  }
0x28c: {  	v34 =	vadd.f32 v34, v10;
	v30 =	vld.idx.msk [tilespmem:v4+s5+$0x0], $0xffff;
	[tilespmem:s22+$0x4200] =	vst v32  }
0x28d: {  	v33 =	vld.idx.msk [tilespmem:v2+s10+$0x0], $0xffff;
	[tilespmem:s16+$0x6300] =	vst v27;
	v27 =	vadd.f32 v28, v10  }
0x28e: {  	[tilespmem:s21+$0x4200] =	vst v34;
	v32 =	vld.idx.msk [tilespmem:v22+s7+$0x0], $0xffff;
	v29 =	vadd.f32 v29, v19  }
0x28f: {  	v28 =	vld.idx.msk [tilespmem:v21+s7+$0x0], $0xffff;
	v59 =	vadd.f32 v35, v17;
	[tilespmem:s24+$0x4200] =	vst v27  }
0x290: {  	v31 =	vadd.f32 v31, v10;
	v27 =	vld.idx.msk [tilespmem:v23+s7+$0x0], $0xffff;
	[tilespmem:s20+$0x6200] =	vst v29  }
0x291: {  	[tilespmem:s19+$0x6180] =	vst v59;
	v30 =	vadd.f32 v30, v17;
	v60 =	vld.idx.msk [tilespmem:v3+s6+$0x0], $0xffff  }
0x292: {  	[tilespmem:s23+$0x4200] =	vst v31;
	v29 =	vld.idx.msk [tilespmem:v5+s10+$0x0], $0xffff;
	v31 =	vadd.f32 v33, v19  }
0x293: {  	v61 =	vld.idx.msk [tilespmem:v24+s7+$0x0], $0xffff;
	v32 =	vadd.f32 v32, v11;
	[tilespmem:s18+$0x6180] =	vst v30  }
0x294: {  	v62 =	vadd.f32 v28, v11;
	[tilespmem:s17+$0x6200] =	vst v31;
	v28 =	vld.idx.msk [tilespmem:v4+s10+$0x0], $0xffff  }
0x295: {  	v30 =	vadd.f32 v26, v1;
	[tilespmem:s22+$0x4280] =	vst v32;
	v26 =	vld.idx.msk [tilespmem:v2+s6+$0x0], $0xffff  }
0x296: {  	[tilespmem:s21+$0x4280] =	vst v62;
	v63 =	vadd.f32 v27, v11;
	v27 =	vld.idx.msk [tilespmem:v25+s15+$0x0], $0xffff  }
0x297: {  	[tilespmem:s28+$0x6380] =	vst v30;
	v31 =	vld.idx.msk [tilespmem:v21+s30+$0x0], $0xffff;
	v30 =	vadd.f32 v60, v20  }
0x298: {  	s29 =	sadd.s32 $0x40, s29;
	s5 =	simm.s32 $0x31E0;
	s28 =	simm.s32 $0x8;
	v25 =	vld.idx.msk [tilespmem:v22+s30+$0x0], $0xffff;
	v32 =	vadd.f32 v61, v11;
	[tilespmem:s24+$0x4280] =	vst v63  }
.LBB2_8:
0x299: {  	v33 =	vld [tilespmem:s29+$0x10];
	s28 =	sadd.s32 $0x4, s28;
	v29 =	vadd.f32 v29, v19;
	[tilespmem:s20+$0x6280] =	vst v30  }
0x29a: {  	v28 =	vadd.f32 v28, v19;
	p2 =	slt.u32 s28, $0x3C;
	[tilespmem:s23+$0x4280] =	vst v32;
	v30 =	vld.idx.msk [tilespmem:v3+s2+$0x0], $0xffff  }
0x29b: {  	v26 =	vadd.f32 v26, v20;
	v32 =	vld [tilespmem:s29+$0xFFFFFFF0];
	[tilespmem:s19+$0x6200] =	vst v29  }
0x29c: {  	v31 =	vadd.f32 v31, v12;
	v29 =	vld [tilespmem:s29+$0x0];
	[tilespmem:s18+$0x6200] =	vst v28  }
0x29d: {  	v28 =	vld [tilespmem:s29+$0xFFFFFFE0];
	[tilespmem:s17+$0x6280] =	vst v26;
	v26 =	vadd.f32 v27, v1  }
0x29e: {  	v25 =	vadd.f32 v25, v12;
	v27 =	vshll.u32 v33, $0x4;
	v33 =	vld.idx.msk [tilespmem:v24+s30+$0x0], $0xffff;
	[tilespmem:s21+$0x4300] =	vst v31  }
0x29f: {  	v31 =	vor.u32 v0, v27;
	v34 =	vld.idx.msk [tilespmem:v21+s31+$0x0], $0xffff;
	[tilespmem:s16+$0x6380] =	vst v26;
	s16 =	smov.u32 s18;
	s18 =	smov.u32 s24  }
0x2a0: {  	v27 =	vadd.f32 v30, v18;
	v26 =	vshll.u32 v32, $0x4;
	[tilespmem:s22+$0x4300] =	vst v25;
	v32 =	vld.idx.msk [tilespmem:v23+s30+$0x0], $0xffff  }
0x2a1: {  	v26 =	vor.u32 v0, v26;
	v25 =	vshll.u32 v29, $0x4;
	v29 =	vld.idx.msk [tilespmem:v22+s31+$0x0], $0xffff  }
0x2a2: {  	v28 =	vshll.u32 v28, $0x4;
	v25 =	vor.u32 v0, v25;
	v30 =	vld.idx.msk [tilespmem:v5+s6+$0x0], $0xffff;
	[tilespmem:s20+$0x6300] =	vst v27  }
0x2a3: {  	v27 =	vor.u32 v0, v28;
	v28 =	vld.idx.msk [tilespmem:v3+s15+$0x0], $0xffff;
	v3 =	vmov v21;
	v21 =	vmov v31  }
0x2a4: {  	v33 =	vadd.f32 v33, v12;
	v31 =	vld.idx.msk [tilespmem:v31+s8+$0x0], $0xffff  }
0x2a5: {  	v34 =	vadd.f32 v34, v13;
	v35 =	vld.idx.msk [tilespmem:v4+s6+$0x0], $0xffff  }
0x2a6: {  	v32 =	vadd.f32 v32, v12;
	v36 =	vld.idx.msk [tilespmem:v26+s8+$0x0], $0xffff;
	[tilespmem:s23+$0x4300] =	vst v33  }
0x2a7: {  	s25 =	sadd.s32 $0x200, s25;
	s14 =	simm.s32 $0xC780;
	s26 =	sadd.s32 $0x40, s26;
	v29 =	vadd.f32 v29, v13;
	v33 =	vld.idx.msk [tilespmem:v25+s8+$0x0], $0xffff;
	[tilespmem:s21+$0x4380] =	vst v34  }
0x2a8: {  	s0 =	simm.s32 $0x101B0;
	s4 =	sadd.s32 $0xFFFFFFD0, s26;
	s12 =	sand.u32 $0x70, s26;
	v30 =	vadd.f32 v30, v20;
	[tilespmem:s18+$0x4300] =	vst v32;
	v32 =	vld.idx.msk [tilespmem:v3+s1+$0x0], $0xffff  }
0x2a9: {  	s4 =	sand.u32 $0x40, s4;
	s24 =	sadd.s32 $0xFFFFFFE0, s26;
	s1 =	sand.u32 $0x1C00, s25;
	v28 =	vadd.f32 v28, v1;
	v34 =	vld.idx.msk [tilespmem:v27+s8+$0x0], $0xffff;
	[tilespmem:s22+$0x4380] =	vst v29  }
0x2aa: {  	s30 =	sadd.s32 $0xFFFFFFF0, s26;
	s15 =	simm.s32 $0xB6E0;
	s1 =	sor.u32 $0x122A0, s1;
	v29 =	vadd.f32 v31, v6;
	v31 =	vld.idx.msk [tilespmem:v24+s31+$0x0], $0xffff;
	[tilespmem:s19+$0x6280] =	vst v30  }
0x2ab: {  	s12 =	sadd.s32 s12, s1;
	v35 =	vadd.f32 v35, v20;
	v30 =	vld.idx.msk [tilespmem:v23+s31+$0x0], $0xffff;
	[tilespmem:s20+$0x6380] =	vst v28;
	s20 =	sand.u32 $0x50, s24;
	s24 =	sand.u32 $0x60, s30  }
0x2ac: {  	v28 =	vadd.f32 v36, v6;
	s31 =	sor.u32 s4, s1;
	s4 =	simm.s32 $0xD820;
	[tilespmem:s12+$0x4000] =	vst v29;
	v29 =	vld.idx.msk [tilespmem:v22+s14+$0x0], $0xffff;
	s14 =	simm.s32 $0xCFD0  }
0x2ad: {  	s30 =	sor.u32 s20, s1;
	v33 =	vadd.f32 v33, v6;
	s24 =	sadd.s32 s24, s1;
	s1 =	simm.s32 $0xC780;
	v36 =	vld.idx.msk [tilespmem:v21+s9+$0x0], $0xffff;
	[tilespmem:s16+$0x6280] =	vst v35  }
0x2ae: {  	s20 =	smov.u32 s21;
	s21 =	smov.u32 s12;
	s12 =	simm.s32 $0xE070;
	[tilespmem:s30+$0x4000] =	vst v28;
	v28 =	vadd.f32 v32, v14;
	v32 =	vld.idx.msk [tilespmem:v5+s2+$0x0], $0xffff  }
0x2af: {  	v34 =	vadd.f32 v34, v6;
	v35 =	vld.idx.msk [tilespmem:v26+s9+$0x0], $0xffff;
	[tilespmem:s24+$0x4000] =	vst v33  }
0x2b0: {  	v31 =	vadd.f32 v31, v13;
	v33 =	vld.idx.msk [tilespmem:v25+s9+$0x0], $0xffff;
	[tilespmem:s20+$0x6000] =	vst v28  }
0x2b1: {  	v28 =	vadd.f32 v30, v13;
	[tilespmem:s31+$0x4000] =	vst v34;
	v30 =	vld.idx.msk [tilespmem:v3+s14+$0x0], $0xffff  }
0x2b2: {  	v29 =	vadd.f32 v29, v14;
	v34 =	vld.idx.msk [tilespmem:v27+s9+$0x0], $0xffff;
	[tilespmem:s23+$0x4380] =	vst v31  }
0x2b3: {  	v31 =	vadd.f32 v36, v7;
	v36 =	vld.idx.msk [tilespmem:v24+s1+$0x0], $0xffff;
	[tilespmem:s18+$0x4380] =	vst v28  }
0x2b4: {  	[tilespmem:s22+$0x6000] =	vst v29;
	v28 =	vld.idx.msk [tilespmem:v23+s1+$0x0], $0xffff;
	v29 =	vadd.f32 v32, v18  }
0x2b5: {  	v32 =	vadd.f32 v35, v7;
	[tilespmem:s21+$0x4080] =	vst v31;
	v31 =	vld.idx.msk [tilespmem:v22+s14+$0x0], $0xffff  }
0x2b6: {  	v33 =	vadd.f32 v33, v7;
	v35 =	vld.idx.msk [tilespmem:v21+s11+$0x0], $0xffff;
	[tilespmem:s19+$0x6300] =	vst v29  }
0x2b7: {  	v29 =	vadd.f32 v30, v15;
	[tilespmem:s30+$0x4080] =	vst v32;
	v30 =	vld.idx.msk [tilespmem:v2+s2+$0x0], $0xffff  }
0x2b8: {  	v32 =	vadd.f32 v34, v7;
	v34 =	vld.idx.msk [tilespmem:v26+s11+$0x0], $0xffff;
	[tilespmem:s24+$0x4080] =	vst v33  }
0x2b9: {  	v36 =	vadd.f32 v36, v14;
	v33 =	vld.idx.msk [tilespmem:v25+s11+$0x0], $0xffff;
	[tilespmem:s20+$0x6080] =	vst v29  }
0x2ba: {  	v28 =	vadd.f32 v28, v14;
	[tilespmem:s31+$0x4080] =	vst v32;
	v29 =	vld.idx.msk [tilespmem:v3+s4+$0x0], $0xffff  }
0x2bb: {  	v31 =	vadd.f32 v31, v15;
	v32 =	vld.idx.msk [tilespmem:v27+s11+$0x0], $0xffff;
	[tilespmem:s23+$0x6000] =	vst v36  }
0x2bc: {  	v35 =	vadd.f32 v35, v8;
	v36 =	vld.idx.msk [tilespmem:v24+s14+$0x0], $0xffff;
	[tilespmem:s18+$0x6000] =	vst v28  }
0x2bd: {  	v30 =	vadd.f32 v30, v18;
	[tilespmem:s22+$0x6080] =	vst v31;
	v28 =	vld.idx.msk [tilespmem:v23+s14+$0x0], $0xffff  }
0x2be: {  	v31 =	vadd.f32 v34, v8;
	[tilespmem:s21+$0x4100] =	vst v35;
	v34 =	vld.idx.msk [tilespmem:v22+s4+$0x0], $0xffff  }
0x2bf: {  	v33 =	vadd.f32 v33, v8;
	v35 =	vld.idx.msk [tilespmem:v21+s13+$0x0], $0xffff;
	[tilespmem:s17+$0x6300] =	vst v30  }
0x2c0: {  	v29 =	vadd.f32 v29, v16;
	[tilespmem:s30+$0x4100] =	vst v31;
	v30 =	vld.idx.msk [tilespmem:v4+s2+$0x0], $0xffff  }
0x2c1: {  	v31 =	vadd.f32 v32, v8;
	v32 =	vld.idx.msk [tilespmem:v26+s13+$0x0], $0xffff;
	[tilespmem:s24+$0x4100] =	vst v33  }
0x2c2: {  	v36 =	vadd.f32 v36, v15;
	v33 =	vld.idx.msk [tilespmem:v25+s13+$0x0], $0xffff;
	[tilespmem:s20+$0x6100] =	vst v29  }
0x2c3: {  	v28 =	vadd.f32 v28, v15;
	[tilespmem:s31+$0x4100] =	vst v31;
	v29 =	vld.idx.msk [tilespmem:v3+s12+$0x0], $0xffff  }
0x2c4: {  	v34 =	vadd.f32 v34, v16;
	v31 =	vld.idx.msk [tilespmem:v27+s13+$0x0], $0xffff;
	[tilespmem:s23+$0x6080] =	vst v36  }
0x2c5: {  	v35 =	vadd.f32 v35, v9;
	v36 =	vld.idx.msk [tilespmem:v24+s4+$0x0], $0xffff;
	[tilespmem:s18+$0x6080] =	vst v28  }
0x2c6: {  	v30 =	vadd.f32 v30, v18;
	[tilespmem:s22+$0x6100] =	vst v34;
	v28 =	vld.idx.msk [tilespmem:v23+s4+$0x0], $0xffff  }
0x2c7: {  	v32 =	vadd.f32 v32, v9;
	[tilespmem:s21+$0x4180] =	vst v35;
	v34 =	vld.idx.msk [tilespmem:v22+s12+$0x0], $0xffff  }
0x2c8: {  	v33 =	vadd.f32 v33, v9;
	v35 =	vld.idx.msk [tilespmem:v21+s3+$0x0], $0xffff;
	[tilespmem:s16+$0x6300] =	vst v30  }
0x2c9: {  	v29 =	vadd.f32 v29, v17;
	[tilespmem:s30+$0x4180] =	vst v32;
	v30 =	vld.idx.msk [tilespmem:v5+s0+$0x0], $0xffff;
	v5 =	vmov v24;
	v24 =	vmov v27  }
0x2ca: {  	v31 =	vadd.f32 v31, v9;
	v32 =	vld.idx.msk [tilespmem:v26+s3+$0x0], $0xffff;
	[tilespmem:s24+$0x4180] =	vst v33  }
0x2cb: {  	v36 =	vadd.f32 v36, v16;
	v33 =	vld.idx.msk [tilespmem:v25+s3+$0x0], $0xffff;
	[tilespmem:s20+$0x6180] =	vst v29  }
0x2cc: {  	v28 =	vadd.f32 v28, v16;
	[tilespmem:s31+$0x4180] =	vst v31;
	v29 =	vld.idx.msk [tilespmem:v3+s10+$0x0], $0xffff  }
0x2cd: {  	v31 =	vadd.f32 v34, v17;
	v27 =	vld.idx.msk [tilespmem:v27+s3+$0x0], $0xffff;
	[tilespmem:s23+$0x6100] =	vst v36  }
0x2ce: {  	v34 =	vadd.f32 v35, v10;
	v35 =	vld.idx.msk [tilespmem:v5+s12+$0x0], $0xffff;
	[tilespmem:s18+$0x6100] =	vst v28  }
0x2cf: {  	v30 =	vadd.f32 v30, v1;
	[tilespmem:s22+$0x6180] =	vst v31;
	v28 =	vld.idx.msk [tilespmem:v23+s12+$0x0], $0xffff  }
0x2d0: {  	v31 =	vadd.f32 v32, v10;
	[tilespmem:s21+$0x4200] =	vst v34;
	v32 =	vld.idx.msk [tilespmem:v22+s10+$0x0], $0xffff  }
0x2d1: {  	v33 =	vadd.f32 v33, v10;
	v34 =	vld.idx.msk [tilespmem:v21+s7+$0x0], $0xffff;
	[tilespmem:s19+$0x6380] =	vst v30;
	s19 =	smov.u32 s23;
	s23 =	smov.u32 s31;
	s31 =	simm.s32 $0xBF30  }
0x2d2: {  	v29 =	vadd.f32 v29, v19;
	[tilespmem:s30+$0x4200] =	vst v31;
	v30 =	vld.idx.msk [tilespmem:v2+s0+$0x0], $0xffff;
	v2 =	vmov v22;
	v22 =	vmov v26  }
0x2d3: {  	v27 =	vadd.f32 v27, v10;
	v26 =	vld.idx.msk [tilespmem:v26+s7+$0x0], $0xffff;
	[tilespmem:s24+$0x4200] =	vst v33  }
0x2d4: {  	v33 =	vadd.f32 v35, v17;
	v31 =	vld.idx.msk [tilespmem:v25+s7+$0x0], $0xffff;
	[tilespmem:s20+$0x6200] =	vst v29  }
0x2d5: {  	[tilespmem:s23+$0x4200] =	vst v27;
	v27 =	vadd.f32 v28, v17;
	v35 =	vld.idx.msk [tilespmem:v3+s6+$0x0], $0xffff  }
0x2d6: {  	v28 =	vadd.f32 v32, v19;
	v36 =	vld.idx.msk [tilespmem:v24+s7+$0x0], $0xffff;
	[tilespmem:s19+$0x6180] =	vst v33  }
0x2d7: {  	v32 =	vadd.f32 v34, v11;
	v29 =	vld.idx.msk [tilespmem:v5+s10+$0x0], $0xffff;
	[tilespmem:s18+$0x6180] =	vst v27  }
0x2d8: {  	v27 =	vadd.f32 v30, v1;
	[tilespmem:s22+$0x6200] =	vst v28;
	v28 =	vld.idx.msk [tilespmem:v23+s10+$0x0], $0xffff  }
.Ltmp7:
0x2d9: {  	v30 =	vadd.f32 v26, v11;
	[tilespmem:s21+$0x4280] =	vst v32;
	v26 =	vld.idx.msk [tilespmem:v2+s6+$0x0], $0xffff;
	(pc) =	sbr.rel @p2 .LBB2_8-.Ltmp7, $4  }
0x2da: {  	v33 =	vadd.f32 v31, v11;
	v31 =	vld.idx.msk [tilespmem:v21+s15+$0x0], $0xffff;
	s15 =	simm.s32 $0x101B0  }
0x2db: {  	[tilespmem:s17+$0x6380] =	vst v27;
	s17 =	smov.u32 s22;
	s22 =	smov.u32 s30;
	s30 =	simm.s32 $0xB6E0  }
0x2dc: {  	[tilespmem:s22+$0x4280] =	vst v30;
	v30 =	vadd.f32 v35, v20;
	v27 =	vld.idx.msk [tilespmem:v4+s15+$0x0], $0xffff;
	v4 =	vmov v23;
	v23 =	vmov v25  }
0x2dd: {  	s29 =	sadd.s32 $0x40, s29;
	v32 =	vadd.f32 v36, v11;
	v25 =	vld.idx.msk [tilespmem:v22+s30+$0x0], $0xffff;
	[tilespmem:s24+$0x4280] =	vst v33  }
0x2de: {  	_ =	sdelay $0x2  }
0x2df: {  	[tilespmem:s23+$0x4280] =	vst v32  }
0x2e0: {  	v6 =	vld.idx.msk [tilespmem:v24+s30+$0x0], $0xffff  }
0x2e1: {  	v7 =	vld.idx.msk [tilespmem:v23+s30+$0x0], $0xffff  }
0x2e2: {  	v8 =	vadd.f32 v31, v12;
	_ =	sdelay $0x1  }
0x2e3: {  	[tilespmem:s21+$0x4300] =	vst v8;
	v25 =	vadd.f32 v25, v12  }
0x2e4: {  	v31 =	vld.idx.msk [tilespmem:v21+s31+$0x0], $0xffff;
	v6 =	vadd.f32 v6, v12  }
0x2e5: {  	v7 =	vadd.f32 v7, v12;
	[tilespmem:s22+$0x4300] =	vst v25  }
0x2e6: {  	v9 =	vld.idx.msk [tilespmem:v22+s31+$0x0], $0xffff;
	[tilespmem:s23+$0x4300] =	vst v6  }
0x2e7: {  	[tilespmem:s24+$0x4300] =	vst v7;
	v32 =	vld.idx.msk [tilespmem:v24+s31+$0x0], $0xffff  }
0x2e8: {  	v7 =	vld.idx.msk [tilespmem:v23+s31+$0x0], $0xffff  }
0x2e9: {  	v6 =	vadd.f32 v31, v13;
	_ =	sdelay $0x1  }
0x2ea: {  	[tilespmem:s21+$0x4380] =	vst v6;
	v9 =	vadd.f32 v9, v13  }
0x2eb: {  	v6 =	vld.idx.msk [tilespmem:v21+s1+$0x0], $0xffff;
	v8 =	vadd.f32 v32, v13  }
0x2ec: {  	v7 =	vadd.f32 v7, v13;
	[tilespmem:s22+$0x4380] =	vst v9  }
0x2ed: {  	v9 =	vld.idx.msk [tilespmem:v22+s1+$0x0], $0xffff;
	[tilespmem:s23+$0x4380] =	vst v8  }
0x2ee: {  	[tilespmem:s24+$0x4380] =	vst v7;
	v8 =	vld.idx.msk [tilespmem:v24+s1+$0x0], $0xffff  }
0x2ef: {  	v7 =	vld.idx.msk [tilespmem:v23+s1+$0x0], $0xffff  }
0x2f0: {  	v6 =	vadd.f32 v6, v14;
	_ =	sdelay $0x1  }
0x2f1: {  	[tilespmem:s21+$0x6000] =	vst v6;
	v33 =	vadd.f32 v9, v14  }
0x2f2: {  	v34 =	vld.idx.msk [tilespmem:v21+s14+$0x0], $0xffff;
	v8 =	vadd.f32 v8, v14  }
0x2f3: {  	v7 =	vadd.f32 v7, v14;
	[tilespmem:s22+$0x6000] =	vst v33  }
0x2f4: {  	v36 =	vld.idx.msk [tilespmem:v22+s14+$0x0], $0xffff;
	[tilespmem:s23+$0x6000] =	vst v8  }
0x2f5: {  	[tilespmem:s24+$0x6000] =	vst v7;
	v35 =	vld.idx.msk [tilespmem:v24+s14+$0x0], $0xffff  }
0x2f6: {  	v7 =	vld.idx.msk [tilespmem:v23+s14+$0x0], $0xffff  }
0x2f7: {  	v9 =	vadd.f32 v34, v15;
	_ =	sdelay $0x1  }
0x2f8: {  	[tilespmem:s21+$0x6080] =	vst v9;
	v8 =	vadd.f32 v36, v15  }
0x2f9: {  	v9 =	vld.idx.msk [tilespmem:v21+s4+$0x0], $0xffff;
	v6 =	vadd.f32 v35, v15  }
0x2fa: {  	v7 =	vadd.f32 v7, v15;
	[tilespmem:s22+$0x6080] =	vst v8  }
0x2fb: {  	v8 =	vld.idx.msk [tilespmem:v22+s4+$0x0], $0xffff;
	[tilespmem:s23+$0x6080] =	vst v6  }
0x2fc: {  	[tilespmem:s24+$0x6080] =	vst v7;
	v6 =	vld.idx.msk [tilespmem:v24+s4+$0x0], $0xffff  }
0x2fd: {  	v7 =	vld.idx.msk [tilespmem:v23+s4+$0x0], $0xffff  }
0x2fe: {  	v9 =	vadd.f32 v9, v16;
	_ =	sdelay $0x1  }
0x2ff: {  	[tilespmem:s21+$0x6100] =	vst v9;
	v8 =	vadd.f32 v8, v16  }
0x300: {  	v9 =	vld.idx.msk [tilespmem:v21+s12+$0x0], $0xffff;
	v6 =	vadd.f32 v6, v16  }
0x301: {  	v7 =	vadd.f32 v7, v16;
	[tilespmem:s22+$0x6100] =	vst v8  }
0x302: {  	v8 =	vld.idx.msk [tilespmem:v22+s12+$0x0], $0xffff;
	[tilespmem:s23+$0x6100] =	vst v6  }
0x303: {  	[tilespmem:s24+$0x6100] =	vst v7;
	v6 =	vld.idx.msk [tilespmem:v24+s12+$0x0], $0xffff  }
0x304: {  	v7 =	vld.idx.msk [tilespmem:v23+s12+$0x0], $0xffff  }
0x305: {  	v9 =	vadd.f32 v9, v17;
	_ =	sdelay $0x1  }
0x306: {  	[tilespmem:s21+$0x6180] =	vst v9;
	v8 =	vadd.f32 v8, v17  }
0x307: {  	v9 =	vld.idx.msk [tilespmem:v21+s10+$0x0], $0xffff;
	v6 =	vadd.f32 v6, v17  }
0x308: {  	v7 =	vadd.f32 v7, v17;
	[tilespmem:s22+$0x6180] =	vst v8  }
0x309: {  	v10 =	vld.idx.msk [tilespmem:v22+s10+$0x0], $0xffff;
	[tilespmem:s23+$0x6180] =	vst v6  }
0x30a: {  	[tilespmem:s24+$0x6180] =	vst v7;
	v6 =	vld.idx.msk [tilespmem:v24+s10+$0x0], $0xffff  }
0x30b: {  	v11 =	vadd.f32 v28, v19;
	v7 =	vld.idx.msk [tilespmem:v23+s10+$0x0], $0xffff  }
0x30c: {  	[tilespmem:s20+$0x6280] =	vst v30;
	v9 =	vadd.f32 v9, v19  }
0x30d: {  	v37 =	vadd.f32 v29, v19;
	[tilespmem:s18+$0x6200] =	vst v11  }
0x30e: {  	v11 =	vld.idx.msk [tilespmem:v4+s6+$0x0], $0xffff;
	[tilespmem:s21+$0x6200] =	vst v9;
	v38 =	vadd.f32 v10, v19  }
0x30f: {  	[tilespmem:s19+$0x6200] =	vst v37;
	v39 =	vld.idx.msk [tilespmem:v21+s6+$0x0], $0xffff;
	v6 =	vadd.f32 v6, v19  }
0x310: {  	v8 =	vld.idx.msk [tilespmem:v5+s6+$0x0], $0xffff;
	v7 =	vadd.f32 v7, v19;
	[tilespmem:s22+$0x6200] =	vst v38  }
0x311: {  	v40 =	vadd.f32 v26, v20;
	v42 =	vld.idx.msk [tilespmem:v22+s6+$0x0], $0xffff;
	[tilespmem:s23+$0x6200] =	vst v6  }
0x312: {  	v43 =	vadd.f32 v27, v1;
	[tilespmem:s24+$0x6200] =	vst v7;
	v41 =	vld.idx.msk [tilespmem:v24+s6+$0x0], $0xffff  }
0x313: {  	[tilespmem:s17+$0x6280] =	vst v40;
	v45 =	vadd.f32 v11, v20;
	v7 =	vld.idx.msk [tilespmem:v23+s6+$0x0], $0xffff  }
0x314: {  	v44 =	vld.idx.msk [tilespmem:v3+s2+$0x0], $0xffff;
	[tilespmem:s16+$0x6380] =	vst v43;
	v10 =	vadd.f32 v39, v20  }
0x315: {  	v47 =	vld.idx.msk [tilespmem:v2+s2+$0x0], $0xffff;
	[tilespmem:s18+$0x6280] =	vst v45;
	v8 =	vadd.f32 v8, v20  }
0x316: {  	v48 =	vld.idx.msk [tilespmem:v4+s2+$0x0], $0xffff;
	[tilespmem:s21+$0x6280] =	vst v10;
	v49 =	vadd.f32 v42, v20  }
0x317: {  	[tilespmem:s19+$0x6280] =	vst v8;
	v50 =	vld.idx.msk [tilespmem:v21+s2+$0x0], $0xffff;
	v9 =	vadd.f32 v41, v20  }
0x318: {  	v46 =	vld.idx.msk [tilespmem:v5+s2+$0x0], $0xffff;
	v7 =	vadd.f32 v7, v20;
	[tilespmem:s22+$0x6280] =	vst v49  }
0x319: {  	v51 =	vadd.f32 v44, v18;
	v53 =	vld.idx.msk [tilespmem:v22+s2+$0x0], $0xffff;
	[tilespmem:s23+$0x6280] =	vst v9  }
0x31a: {  	v8 =	vadd.f32 v47, v18;
	[tilespmem:s24+$0x6280] =	vst v7;
	v52 =	vld.idx.msk [tilespmem:v24+s2+$0x0], $0xffff  }
0x31b: {  	[tilespmem:s20+$0x6300] =	vst v51;
	v55 =	vadd.f32 v48, v18;
	v54 =	vld.idx.msk [tilespmem:v23+s2+$0x0], $0xffff  }
0x31c: {  	v3 =	vld.idx.msk [tilespmem:v3+s15+$0x0], $0xffff;
	[tilespmem:s17+$0x6300] =	vst v8;
	v57 =	vadd.f32 v50, v18  }
0x31d: {  	[tilespmem:s18+$0x6300] =	vst v55;
	v2 =	vld.idx.msk [tilespmem:v2+s15+$0x0], $0xffff;
	v6 =	vadd.f32 v46, v18  }
0x31e: {  	v59 =	vld.idx.msk [tilespmem:v4+s15+$0x0], $0xffff;
	[tilespmem:s21+$0x6300] =	vst v57;
	v7 =	vadd.f32 v53, v18  }
0x31f: {  	[tilespmem:s19+$0x6300] =	vst v6;
	v8 =	vld.idx.msk [tilespmem:v21+s15+$0x0], $0xffff;
	v58 =	vadd.f32 v52, v18  }
0x320: {  	v56 =	vld.idx.msk [tilespmem:v5+s15+$0x0], $0xffff;
	v60 =	vadd.f32 v54, v18;
	[tilespmem:s22+$0x6300] =	vst v7  }
0x321: {  	v3 =	vadd.f32 v3, v1;
	v62 =	vld.idx.msk [tilespmem:v22+s15+$0x0], $0xffff;
	[tilespmem:s23+$0x6300] =	vst v58  }
0x322: {  	v2 =	vadd.f32 v2, v1;
	[tilespmem:s24+$0x6300] =	vst v60;
	v61 =	vld.idx.msk [tilespmem:v24+s15+$0x0], $0xffff  }
0x323: {  	[tilespmem:s20+$0x6380] =	vst v3;
	v4 =	vadd.f32 v59, v1;
	v3 =	vld.idx.msk [tilespmem:v23+s15+$0x0], $0xffff  }
0x324: {  	[tilespmem:s17+$0x6380] =	vst v2;
	v2 =	vadd.f32 v8, v1  }
0x325: {  	[tilespmem:s18+$0x6380] =	vst v4;
	v5 =	vadd.f32 v56, v1  }
0x326: {  	[tilespmem:s21+$0x6380] =	vst v2;
	v2 =	vadd.f32 v62, v1  }
0x327: {  	s29 =	simm.s32 $0x162A0;
	[tilespmem:s19+$0x6380] =	vst v5;
	v63 =	vadd.f32 v61, v1  }
0x328: {  	s8 =	simm.s32 $0x10A0;
	s9 =	simm.s32 $0x18F0;
	s11 =	simm.s32 $0x2140;
	[tilespmem:s22+$0x6380] =	vst v2;
	v1 =	vadd.f32 v3, v1  }
0x329: {  	s13 =	simm.s32 $0x2990;
	s3 =	simm.s32 $0x63C0;
	s7 =	simm.s32 $0x5320;
	[tilespmem:s23+$0x6380] =	vst v63  }
0x32a: {  	s28 =	simm.s32 $0x3A30;
	s30 =	simm.s32 $0x850;
	s31 =	simm.s32 $0x7CB0;
	[tilespmem:s24+$0x6380] =	vst v1  }
.Ltmp8:
0x32b: {  	s14 =	simm.s32 $0x4AD0;
	s26 =	rddreg [dreg:$0x9];
	(pc) =	sbr.rel .LBB2_10-.Ltmp8, $4  }
0x32c: {  	s12 =	simm.s32 $0x0;
	s10 =	simm.s32 $0x7460;
	s0 =	rddreg [dreg:$0x11]  }
0x32d: {  	s6 =	simm.s32 $0x5B70;
	s2 =	simm.s32 $0x6C10;
	s19 =	rddreg [dreg:$0x6]  }
0x32e: {  	s15 =	simm.s32 $0x4280;
	s1 =	sadd.s32 s0, s26;
	s0 =	rddreg [dreg:$0xc]  }
0x32f: {  	[hbm4b:s1+s12] =	stream.linear.scatter [tilespmem:s29], [sflag:$0x2], $0x4000, $0x38;
	[tilespmem:$0x1A2E0] =	vst v63  }
.LBB2_12:
0x330: {  	_ =	sfence.sel $0x180000  }
0x331: {  	[bflag:$0x0] =	sbarrier.arrive $0xFFFF  }
0x332: {  	_ =	strace $0x90000047  }
0x333: {  	s0 =	stileid.u32;
	[bflag:$0x2] =	sbarrier.arrive $0xFFFF  }
0x334: {  	p0 =	sne.s32 s0, $0x0;
	s0 =	rddreg [dreg:$0x2]  }
0x335: {  	s0 =	sadd.s32 @!p0 $0x100000, s0  }
0x336: {  	[sflag:s0] =	ssyncadd.tile.s32 @!p0 $0x1;
	_ =	shalt  }
.Lfunc_end2:
_tile_overlayer_lowered:
.L_overlay_start_2:
0x337: {  	(tag) =	ssettag $0x2  }
0x338: {  	s0 =	rddreg [dreg:$0x0];
	s2 =	stileid.u32  }
0x339: {  	s1 =	rddreg [dreg:$0x1];
	p0 =	sne.s32 s2, $0x0  }
0x33a: {  	s3 =	rddreg [dreg:$0x2];
	[bflag:$0x3] =	sbarrier.arrive $0xFFFF;
	s2 =	simm.s32 @!p0 $0x1C05  }
0x33b: {  	[timem:s3], [sflag:s2] =	dma.local @!p0 [hbm:s0], s1  }
0x33c: {  	s0 =	simm.s32 @!p0 $0x5  }
0x33d: {  	_ =	swait.ge @!p0 [sflag:s0], s1  }
0x33e: {  	s1 =	ssub.s32 @!p0 $0x0, s1;
	[sflag:s0] =	ssyncset.done @!p0 $0x0  }
0x33f: {  	[sflag:s0] =	ssyncadd.s32 @!p0 s1  }
0x340: {  	[bflag:$0x3] =	sbarrier.arrive $0xFFFF  }
0x341: {  	_ =	shalt  }

</sc_bundles>
